<compile_context>
chip_gen: v7x
topology: tpu7x:2x2x1
jax: 0.10.2.dev20260603
libtpu: 0.0.44.dev20260713+nightly
codegen_flags: <defaults>
</compile_context>

<pallas_src>
import functools

import jax
import jax.numpy as jnp
from jax import lax
from jax.experimental import pallas as pl
from jax.experimental.pallas import tpu as pltpu
from jax.experimental.pallas import tpu_sc as plsc

T, C = 2048, 768
H, HS = 12, 64
E, K = 8, 2
FF = 4 * C
BLK = 256
NB = (T * K) // BLK + E
NPAD = NB * BLK
BQ = 512
BT = 512
_HI = jax.lax.Precision.HIGHEST


def _qkv_body(x_ref, w_ref, o_ref):
    o_ref[...] = lax.dot_general(x_ref[...].astype(jnp.bfloat16),
                                 w_ref[...].astype(jnp.bfloat16),
                                 (((1,), (0,)), ((), ())),
                                 preferred_element_type=jnp.float32)


def _qkv(x2d, wqkv):
    return pl.pallas_call(
        _qkv_body,
        grid=(T // BT,),
        in_specs=[pl.BlockSpec((BT, C), lambda i: (i, 0)),
                  pl.BlockSpec((C, 3 * C), lambda i: (0, 0))],
        out_specs=pl.BlockSpec((BT, 3 * C), lambda i: (i, 0)),
        out_shape=jax.ShapeDtypeStruct((T, 3 * C), jnp.float32),
    )(x2d, wqkv)


KB = 1024


def _attn_one(q, k, v, qi):
    qb = q.astype(jnp.bfloat16)
    kb = k.astype(jnp.bfloat16)
    m_old = jnp.full((BQ, 1), -jnp.inf, jnp.float32)
    l_old = jnp.zeros((BQ, 1), jnp.float32)
    acc = jnp.zeros((BQ, HS), jnp.float32)
    for j in range(T // KB):
        kj = lax.slice_in_dim(kb, j * KB, (j + 1) * KB, axis=0)
        vj = lax.slice_in_dim(v, j * KB, (j + 1) * KB, axis=0)
        s = lax.dot_general(qb, kj, (((1,), (1,)), ((), ())),
                            preferred_element_type=jnp.float32) * (C ** -0.5)
        rowi = qi * BQ + lax.broadcasted_iota(jnp.int32, (BQ, KB), 0)
        col = j * KB + lax.broadcasted_iota(jnp.int32, (BQ, KB), 1)
        s = jnp.where(col <= rowi, s, -jnp.inf)
        m_blk = jnp.max(s, axis=1, keepdims=True)
        m_new = jnp.maximum(m_old, m_blk)
        delta = jnp.where(m_old == m_new, 0.0, m_old - m_new)
        p = jnp.exp(s - m_new)
        sum_p = jnp.sum(p, axis=1, keepdims=True)
        el = jnp.exp(delta) * l_old
        l_new = el + sum_p
        pv = lax.dot_general(p.astype(jnp.bfloat16), vj.astype(jnp.bfloat16),
                             (((1,), (0,)), ((), ())),
                             preferred_element_type=jnp.float32)
        acc = (pv + el * acc) * (1.0 / l_new)
        m_old, l_old = m_new, l_new
    return acc


def _attn_body(q_ref, k_ref, v_ref, o_ref):
    qi = pl.program_id(1)
    q = q_ref[...]
    k = k_ref[...]
    v = v_ref[...]
    o_ref[:, :HS] = _attn_one(q[:, :HS], k[:, :HS], v[:, :HS], qi)
    o_ref[:, HS:] = _attn_one(q[:, HS:], k[:, HS:], v[:, HS:], qi)


def _attention(qkv):
    hp = H // 2
    return pl.pallas_call(
        _attn_body,
        grid=(hp, T // BQ),
        in_specs=[pl.BlockSpec((BQ, 2 * HS), lambda h, qi: (qi, h)),
                  pl.BlockSpec((T, 2 * HS), lambda h, qi: (0, hp + h)),
                  pl.BlockSpec((T, 2 * HS), lambda h, qi: (0, 2 * hp + h))],
        out_specs=pl.BlockSpec((BQ, 2 * HS), lambda h, qi: (qi, h)),
        out_shape=jax.ShapeDtypeStruct((T, C), jnp.float32),
    )(qkv, qkv, qkv)


def _ln(v, g, b, eps=1e-5):
    mu = jnp.mean(v, axis=1, keepdims=True)
    var = jnp.mean((v - mu) ** 2, axis=1, keepdims=True)
    return g * (v - mu) * lax.rsqrt(var + eps) + b


def _router_body(att_ref, x_ref, wp_ref, bp_ref, g1_ref, b1_ref,
                 wr_ref, br_ref, wn_ref, bn_ref, nc_ref,
                 x1_ref, gates_ref, sel_ref):
    sa = lax.dot_general(att_ref[...].astype(jnp.bfloat16),
                         wp_ref[...].astype(jnp.bfloat16),
                         (((1,), (0,)), ((), ())),
                         preferred_element_type=jnp.float32)
    sa = sa + bp_ref[...]
    x1 = x_ref[...] + _ln(sa, g1_ref[...], b1_ref[...])
    x1_ref[...] = x1
    x1b = x1.astype(jnp.bfloat16)
    logits = lax.dot_general(x1b, wr_ref[...].astype(jnp.bfloat16),
                             (((1,), (0,)), ((), ())),
                             preferred_element_type=jnp.float32) + br_ref[...]
    nl = lax.dot_general(x1b, wn_ref[...].astype(jnp.bfloat16),
                         (((1,), (0,)), ((), ())),
                         preferred_element_type=jnp.float32) + bn_ref[...]
    sp = jnp.where(nl > 0, nl + jnp.log1p(jnp.exp(-jnp.abs(nl))),
                   jnp.log1p(jnp.exp(nl)))
    noisy = logits + nc_ref[...] * sp
    iota = lax.broadcasted_iota(jnp.int32, (BT, E), 1)
    m1 = jnp.max(noisy, axis=1, keepdims=True)
    i1 = jnp.min(jnp.where(noisy == m1, iota, E), axis=1, keepdims=True)
    noisy2 = jnp.where(iota == i1, -jnp.inf, noisy)
    m2 = jnp.max(noisy2, axis=1, keepdims=True)
    i2 = jnp.min(jnp.where(noisy2 == m2, iota, E), axis=1, keepdims=True)
    sel = (iota == i1) | (iota == i2)
    expg = jnp.where(sel, jnp.exp(noisy - m1), 0.0)
    gates_ref[...] = expg / jnp.sum(expg, axis=1, keepdims=True)
    sel_ref[...] = sel.astype(jnp.int32)


def _router(att2d, x2d, wproj, bproj, g1, b1, wrout, brout, wnoise, bnoise,
            nconst):
    row = lambda i: (i, 0)
    rep = lambda i: (0, 0)
    return pl.pallas_call(
        _router_body,
        grid=(T // BT,),
        in_specs=[pl.BlockSpec((BT, C), row),
                  pl.BlockSpec((BT, C), row),
                  pl.BlockSpec((C, C), rep),
                  pl.BlockSpec((1, C), rep),
                  pl.BlockSpec((1, C), rep),
                  pl.BlockSpec((1, C), rep),
                  pl.BlockSpec((C, E), rep),
                  pl.BlockSpec((1, E), rep),
                  pl.BlockSpec((C, E), rep),
                  pl.BlockSpec((1, E), rep),
                  pl.BlockSpec((BT, E), row)],
        out_specs=[pl.BlockSpec((BT, C), row),
                   pl.BlockSpec((BT, E), row),
                   pl.BlockSpec((BT, E), row)],
        out_shape=[jax.ShapeDtypeStruct((T, C), jnp.float32),
                   jax.ShapeDtypeStruct((T, E), jnp.float32),
                   jax.ShapeDtypeStruct((T, E), jnp.int32)],
    )(att2d, x2d, wproj, bproj, g1, b1, wrout, brout, wnoise, bnoise, nconst)


def _sc_gather(table, idx, chunk):
    n = idx.shape[0]
    d = table.shape[1]
    per_w = n // 32
    nch = per_w // chunk
    mesh = plsc.VectorSubcoreMesh(core_axis_name="c", subcore_axis_name="s")

    @functools.partial(
        pl.kernel, mesh=mesh,
        out_type=jax.ShapeDtypeStruct((n, d), table.dtype),
        scratch_types=[pltpu.VMEM((chunk,), jnp.int32),
                       pltpu.VMEM((chunk, d), table.dtype),
                       pltpu.SemaphoreType.DMA],
    )
    def k(table_hbm, idx_hbm, out_hbm, idx_v, rows_v, sem):
        wid = lax.axis_index("s") * 2 + lax.axis_index("c")
        base = wid * per_w
        for ci in range(nch):
            off = base + ci * chunk
            pltpu.sync_copy(idx_hbm.at[pl.ds(off, chunk)], idx_v)
            pltpu.async_copy(table_hbm.at[idx_v], rows_v, sem).wait()
            pltpu.sync_copy(rows_v, out_hbm.at[pl.ds(off, chunk)])

    return k(table, idx)


def _gmm_body(meta_ref, xg_ref, w1_ref, b1_ref, w2_ref, b2_ref, o_ref):
    @pl.when(pl.program_id(0) < meta_ref[NB])
    def _():
        h1 = lax.dot_general(xg_ref[...], w1_ref[0], (((1,), (0,)), ((), ())),
                             preferred_element_type=jnp.float32)
        h1 = h1 + b1_ref[0]
        h1 = h1 * 0.5 * (1.0 + lax.erf(h1 * (2.0 ** -0.5)))
        h1 = h1.astype(jnp.bfloat16)
        h2 = lax.dot_general(h1, w2_ref[0], (((1,), (0,)), ((), ())),
                             preferred_element_type=jnp.float32)
        o_ref[...] = h2 + b2_ref[0]


def _gmm(blk_expert, xg, we1, be1, we2, be2):
    grid_spec = pltpu.PrefetchScalarGridSpec(
        num_scalar_prefetch=1,
        grid=(NB,),
        in_specs=[
            pl.BlockSpec((BLK, C), lambda j, be: (j, 0)),
            pl.BlockSpec((1, C, FF), lambda j, be: (be[j], 0, 0)),
            pl.BlockSpec((1, 1, FF), lambda j, be: (be[j], 0, 0)),
            pl.BlockSpec((1, FF, C), lambda j, be: (be[j], 0, 0)),
            pl.BlockSpec((1, 1, C), lambda j, be: (be[j], 0, 0)),
        ],
        out_specs=pl.BlockSpec((BLK, C), lambda j, be: (j, 0)),
    )
    return pl.pallas_call(
        _gmm_body,
        grid_spec=grid_spec,
        out_shape=jax.ShapeDtypeStruct((NPAD, C), jnp.float32),
    )(blk_expert, xg, we1, be1, we2, be2)


def _combine_body(x1_ref, hp_ref, gp_ref, g2_ref, b2_ref, o_ref):
    hp = hp_ref[...]
    moe = gp_ref[:, 0:1] * hp[:, :C] + gp_ref[:, 1:2] * hp[:, C:]
    o_ref[...] = x1_ref[...] + _ln(moe, g2_ref[...], b2_ref[...])


def _combine(x1, hp, gpair, g2, b2):
    row = lambda i: (i, 0)
    rep = lambda i: (0, 0)
    return pl.pallas_call(
        _combine_body,
        grid=(T // BT,),
        in_specs=[pl.BlockSpec((BT, C), row),
                  pl.BlockSpec((BT, 2 * C), row),
                  pl.BlockSpec((BT, 2), row),
                  pl.BlockSpec((1, C), rep),
                  pl.BlockSpec((1, C), rep)],
        out_specs=pl.BlockSpec((BT, C), row),
        out_shape=jax.ShapeDtypeStruct((T, C), jnp.float32),
    )(x1, hp, gpair, g2, b2)


def kernel(x, Wq, Wk, Wv, Wproj, bproj, Wrout, brout, Wnoise, bnoise,
           We1, be1, We2, be2, g1, b1, g2, b2):
    x2d = x[0]
    wqkv = jnp.concatenate([Wq.transpose(1, 0, 2).reshape(C, C),
                            Wk.transpose(1, 0, 2).reshape(C, C),
                            Wv.transpose(1, 0, 2).reshape(C, C)], axis=1)
    att2d = _attention(_qkv(x2d, wqkv))
    nconst = jax.random.normal(jax.random.key(42), (1, T, E), jnp.float32)[0]
    x1, gates, sel = _router(att2d, x2d, Wproj, bproj[None, :], g1[None, :],
                             b1[None, :], Wrout, brout[None, :], Wnoise,
                             bnoise[None, :], nconst)

    counts = jnp.sum(sel, axis=0)
    rank = jnp.cumsum(sel, axis=0) - sel
    nb = (counts + BLK - 1) // BLK
    ends = jnp.cumsum(nb)
    start_row = (ends - nb) * BLK
    blk_expert = jnp.minimum(
        jnp.sum((jnp.arange(NB)[:, None] >= ends[None, :]).astype(jnp.int32),
                axis=1), E - 1).astype(jnp.int32)
    blk_meta = jnp.concatenate([blk_expert, ends[E - 1:].astype(jnp.int32)])
    dest = start_row[None, :] + rank
    selb = sel.astype(bool)
    tok = jnp.broadcast_to(jnp.arange(T, dtype=jnp.int32)[:, None], (T, E))
    dest_flat = jnp.where(selb, dest, NPAD).reshape(-1)
    src_token = (jnp.arange(NPAD + 1, dtype=jnp.int32) % T).at[
        dest_flat].set(tok.reshape(-1))[:NPAD]
    iota_e = jnp.arange(E)[None, :]
    e_lo = jnp.min(jnp.where(selb, iota_e, E), axis=1)
    e_hi = jnp.max(jnp.where(selb, iota_e, -1), axis=1)
    p_lo = jnp.take_along_axis(dest, e_lo[:, None], axis=1)
    p_hi = jnp.take_along_axis(dest, e_hi[:, None], axis=1)
    g_lo = jnp.take_along_axis(gates, e_lo[:, None], axis=1)
    g_hi = jnp.take_along_axis(gates, e_hi[:, None], axis=1)
    pos_pair = jnp.concatenate([p_lo, p_hi], axis=1).reshape(-1)
    gpair = jnp.concatenate([g_lo, g_hi], axis=1)

    x1b = x1.astype(jnp.bfloat16)
    x1p = lax.bitcast_convert_type(x1b.reshape(T, C // 2, 2),
                                   jnp.int32)
    xgp = _sc_gather(x1p, src_token, 96)
    xg = lax.bitcast_convert_type(xgp, jnp.bfloat16).reshape(NPAD, C)

    h2 = _gmm(blk_meta, xg, We1.astype(jnp.bfloat16), be1[:, None, :],
              We2.astype(jnp.bfloat16), be2[:, None, :])

    hp = _sc_gather(h2, pos_pair.astype(jnp.int32), 128)
    x2 = _combine(x1, hp.reshape(T, 2 * C), gpair, g2[None, :], b2[None, :])
    return x2[None]

# --- scband reference (transcript-rebuilt; emitter-appended) ---
"""Pipeline reference for scband-block-609885356204 (READ-ONLY COPY).

The authoritative reference and input builder live on the scoring server;
editing this copy changes nothing except your own understanding.
"""

import jax, jax.numpy as jnp
import numpy as np

B, T, C = 1, 2048, 768
H, HS = 12, 64
E, K = 8, 2
FF = 4 * C


def layer_norm(x, g, b, eps=1e-5):
    mu = jnp.mean(x, axis=-1, keepdims=True)
    var = jnp.mean((x - mu) ** 2, axis=-1, keepdims=True)
    return g * (x - mu) / jnp.sqrt(var + eps) + b


def setup_inputs(seed: int = 0) -> dict:
    key = jax.random.key(seed)
    ks = jax.random.split(key, 16)
    s = 0.02
    return {
        "x": jax.random.normal(ks[0], (B, T, C), dtype=jnp.float32),
        "Wq": jax.random.normal(ks[1], (H, C, HS), dtype=jnp.float32) * s,
        "Wk": jax.random.normal(ks[2], (H, C, HS), dtype=jnp.float32) * s,
        "Wv": jax.random.normal(ks[3], (H, C, HS), dtype=jnp.float32) * s,
        "Wproj": jax.random.normal(ks[4], (C, C), dtype=jnp.float32) * s,
        "bproj": jnp.zeros((C,), dtype=jnp.float32),
        "Wrout": jax.random.normal(ks[5], (C, E), dtype=jnp.float32) * s,
        "brout": jnp.zeros((E,), dtype=jnp.float32),
        "Wnoise": jax.random.normal(ks[6], (C, E), dtype=jnp.float32) * s,
        "bnoise": jnp.zeros((E,), dtype=jnp.float32),
        "We1": jax.random.normal(ks[7], (E, C, FF), dtype=jnp.float32) * s,
        "be1": jnp.zeros((E, FF), dtype=jnp.float32),
        "We2": jax.random.normal(ks[8], (E, FF, C), dtype=jnp.float32) * s,
        "be2": jnp.zeros((E, C), dtype=jnp.float32),
        "g1": jnp.ones((C,), dtype=jnp.float32),
        "b1": jnp.zeros((C,), dtype=jnp.float32),
        "g2": jnp.ones((C,), dtype=jnp.float32),
        "b2": jnp.zeros((C,), dtype=jnp.float32),
    }


def reference(x, Wq, Wk, Wv, Wproj, bproj, Wrout, brout, Wnoise, bnoise,
              We1, be1, We2, be2, g1, b1, g2, b2):
    Bb, Tt, Cd = x.shape
    # ---- MultiHeadAttention (dropout is identity in eval mode) ----
    q = jnp.einsum('btc,hcd->bhtd', x, Wq)
    k = jnp.einsum('btc,hcd->bhtd', x, Wk)
    v = jnp.einsum('btc,hcd->bhtd', x, Wv)
    # NOTE: the torch code scales by full embed dim C ** -0.5 (not head_size)
    wei = jnp.einsum('bhtd,bhsd->bhts', q, k) * (Cd ** -0.5)
    tril = jnp.tril(jnp.ones((Tt, Tt), dtype=bool))
    wei = jnp.where(tril[None, None, :, :], wei, -jnp.inf)
    wei = jax.nn.softmax(wei, axis=-1)
    att = jnp.einsum('bhts,bhsd->bhtd', wei, v)
    att = att.transpose(0, 2, 1, 3).reshape(Bb, Tt, Cd)
    sa = att @ Wproj + bproj
    x = x + layer_norm(sa, g1, b1)
    # ---- SparseMoE with NoisytopkRouter ----
    logits = x @ Wrout + brout
    nl = x @ Wnoise + bnoise
    noise = jax.random.normal(jax.random.key(42), logits.shape, dtype=logits.dtype) * jax.nn.softplus(nl)
    noisy = logits + noise
    top_v, top_i = jax.lax.top_k(noisy, K)
    sel_mask = (top_i[..., None] == jnp.arange(E)).any(axis=-2)  # [B,T,E]
    sparse_logits = jnp.where(sel_mask, noisy, -jnp.inf)
    gates = jax.nn.softmax(sparse_logits, axis=-1)  # zeros for non-selected experts
    flat_x = x.reshape(-1, Cd)
    flat_g = gates.reshape(-1, E)
    # dense-equivalent of the masked expert loop: non-selected gates are exactly 0
    h1 = jax.nn.gelu(jnp.einsum('tc,ecf->etf', flat_x, We1) + be1[:, None, :], approximate=False)
    h2 = jnp.einsum('etf,efc->etc', h1, We2) + be2[:, None, :]
    moe_out = jnp.einsum('te,etc->tc', flat_g, h2).reshape(Bb, Tt, Cd)
    x = x + layer_norm(moe_out, g2, b2)
    return x

if __name__ == "__main__":
    import jax
    _d = setup_inputs()
    print(jax.jit(kernel)(*tuple(_d.values())))

</pallas_src>

<mosaic_0001>
#map = affine_map<(d0, d1) -> (0, 0)>
#map1 = affine_map<(d0, d1) -> (0)>
module attributes {stable_mosaic.version = 14 : i64} {
  func.func @k(%arg0: i32, %arg1: i32, %arg2: memref<2048x384xi32, #tpu.memory_space<hbm>>, %arg3: memref<6144xi32, #tpu.memory_space<hbm>>, %arg4: memref<6144x384xi32, #tpu.memory_space<hbm>>, %arg5: memref<96xi32, #tpu.memory_space<vmem>>, %arg6: memref<96x384xi32, #tpu.memory_space<vmem>>, %arg7: memref<!tpu.dma_semaphore, #tpu.memory_space<semaphore_mem>>) attributes {dimension_semantics = [#tpu.dimension_semantics<core_parallel>, #tpu.dimension_semantics<subcore_parallel>], iteration_bounds = array<i64: 2, 16>, scalar_prefetch = 0 : i64, scratch_operands = 3 : i64, tpu.core_type = #tpu.core_type<sc_vector_subcore>, window_params = [{transform_indices = #map}, {transform_indices = #map1}, {transform_indices = #map}]} {
    %mul3A = arith.constant 2 : i32
    %mul3A_0 = arith.muli %arg1, %mul3A : i32
    %add3A = arith.addi %mul3A_0, %arg0 : i32
    %mul3A_1 = arith.constant 192 : i32
    %mul3A_2 = arith.muli %add3A, %mul3A_1 : i32
    %add3A_3 = arith.constant 0 : i32
    %add3A_4 = arith.addi %mul3A_2, %add3A_3 : i32
    "tpu.region"() ({
      %run_scoped3A = tpu.sem_alloc : memref<!tpu.dma_semaphore, #tpu.memory_space<semaphore_mem>>
      %dma_start3A_17 = tpu.memref_slice %arg3[%add3A_4] : memref<6144xi32, #tpu.memory_space<hbm>> -> memref<96xi32, #tpu.memory_space<hbm>>
      %dma_start3A_18 = tpu.memref_slice %arg3[%add3A_4] : memref<6144xi32, #tpu.memory_space<hbm>> -> memref<96xi32, #tpu.memory_space<hbm>>
      tpu.enqueue_dma source(%dma_start3A_18 : memref<96xi32, #tpu.memory_space<hbm>>) target(%arg5 : memref<96xi32, #tpu.memory_space<vmem>>) target_semaphore(%run_scoped3A : memref<!tpu.dma_semaphore, #tpu.memory_space<semaphore_mem>>)
      %dma_wait3A_19 = tpu.memref_slice %arg3[%add3A_4] : memref<6144xi32, #tpu.memory_space<hbm>> -> memref<96xi32, #tpu.memory_space<hbm>>
      %dma_wait3A_20 = tpu.memref_slice %arg3[%add3A_4] : memref<6144xi32, #tpu.memory_space<hbm>> -> memref<96xi32, #tpu.memory_space<hbm>>
      tpu.wait_dma2 semaphore(%run_scoped3A : memref<!tpu.dma_semaphore, #tpu.memory_space<semaphore_mem>>) src(%dma_wait3A_20 : memref<96xi32, #tpu.memory_space<hbm>>) dst(%arg5 : memref<96xi32, #tpu.memory_space<vmem>>)
      tpu.yield
    }) : () -> ()
    %dma_start3A = arith.constant 0 : i32
    %dma_start3A_5 = arith.constant 0 : i32
    %dma_start3A_6 = tpu.memref_slice %arg2[%dma_start3A, %dma_start3A_5] : memref<2048x384xi32, #tpu.memory_space<hbm>> -> memref<2048x384xi32, #tpu.memory_space<hbm>>
    tpu.enqueue_indirect_dma source(%dma_start3A_6 : memref<2048x384xi32, #tpu.memory_space<hbm>>) target(%arg6 : memref<96x384xi32, #tpu.memory_space<vmem>>) offsets(%arg5 : memref<96xi32, #tpu.memory_space<vmem>>) semaphore(%arg7 : memref<!tpu.dma_semaphore, #tpu.memory_space<semaphore_mem>>)
    %dma_wait3A = arith.constant 0 : i32
    %dma_wait3A_7 = arith.constant 0 : i32
    %dma_wait3A_8 = tpu.memref_slice %arg2[%dma_wait3A, %dma_wait3A_7] : memref<2048x384xi32, #tpu.memory_space<hbm>> -> memref<2048x384xi32, #tpu.memory_space<hbm>>
    tpu.wait_indirect_dma semaphore(%arg7 : memref<!tpu.dma_semaphore, #tpu.memory_space<semaphore_mem>>) src(%dma_wait3A_8 : memref<2048x384xi32, #tpu.memory_space<hbm>>) dst(%arg6 : memref<96x384xi32, #tpu.memory_space<vmem>>)
    "tpu.region"() ({
      %run_scoped3A = tpu.sem_alloc : memref<!tpu.dma_semaphore, #tpu.memory_space<semaphore_mem>>
      %dma_start3A_17 = arith.constant 0 : i32
      %dma_start3A_18 = tpu.memref_slice %arg4[%add3A_4, %dma_start3A_17] : memref<6144x384xi32, #tpu.memory_space<hbm>> -> memref<96x384xi32, #tpu.memory_space<hbm>>
      %dma_start3A_19 = arith.constant 0 : i32
      %dma_start3A_20 = tpu.memref_slice %arg4[%add3A_4, %dma_start3A_19] : memref<6144x384xi32, #tpu.memory_space<hbm>> -> memref<96x384xi32, #tpu.memory_space<hbm>>
      tpu.enqueue_dma source(%arg6 : memref<96x384xi32, #tpu.memory_space<vmem>>) target(%dma_start3A_20 : memref<96x384xi32, #tpu.memory_space<hbm>>) target_semaphore(%run_scoped3A : memref<!tpu.dma_semaphore, #tpu.memory_space<semaphore_mem>>)
      %dma_wait3A_21 = arith.constant 0 : i32
      %dma_wait3A_22 = tpu.memref_slice %arg4[%add3A_4, %dma_wait3A_21] : memref<6144x384xi32, #tpu.memory_space<hbm>> -> memref<96x384xi32, #tpu.memory_space<hbm>>
      %dma_wait3A_23 = arith.constant 0 : i32
      %dma_wait3A_24 = tpu.memref_slice %arg4[%add3A_4, %dma_wait3A_23] : memref<6144x384xi32, #tpu.memory_space<hbm>> -> memref<96x384xi32, #tpu.memory_space<hbm>>
      tpu.wait_dma2 semaphore(%run_scoped3A : memref<!tpu.dma_semaphore, #tpu.memory_space<semaphore_mem>>) src(%arg6 : memref<96x384xi32, #tpu.memory_space<vmem>>) dst(%dma_wait3A_24 : memref<96x384xi32, #tpu.memory_space<hbm>>)
      tpu.yield
    }) : () -> ()
    %add3A_9 = arith.constant 96 : i32
    %add3A_10 = arith.addi %mul3A_2, %add3A_9 : i32
    "tpu.region"() ({
      %run_scoped3A = tpu.sem_alloc : memref<!tpu.dma_semaphore, #tpu.memory_space<semaphore_mem>>
      %dma_start3A_17 = tpu.memref_slice %arg3[%add3A_10] : memref<6144xi32, #tpu.memory_space<hbm>> -> memref<96xi32, #tpu.memory_space<hbm>>
      %dma_start3A_18 = tpu.memref_slice %arg3[%add3A_10] : memref<6144xi32, #tpu.memory_space<hbm>> -> memref<96xi32, #tpu.memory_space<hbm>>
      tpu.enqueue_dma source(%dma_start3A_18 : memref<96xi32, #tpu.memory_space<hbm>>) target(%arg5 : memref<96xi32, #tpu.memory_space<vmem>>) target_semaphore(%run_scoped3A : memref<!tpu.dma_semaphore, #tpu.memory_space<semaphore_mem>>)
      %dma_wait3A_19 = tpu.memref_slice %arg3[%add3A_10] : memref<6144xi32, #tpu.memory_space<hbm>> -> memref<96xi32, #tpu.memory_space<hbm>>
      %dma_wait3A_20 = tpu.memref_slice %arg3[%add3A_10] : memref<6144xi32, #tpu.memory_space<hbm>> -> memref<96xi32, #tpu.memory_space<hbm>>
      tpu.wait_dma2 semaphore(%run_scoped3A : memref<!tpu.dma_semaphore, #tpu.memory_space<semaphore_mem>>) src(%dma_wait3A_20 : memref<96xi32, #tpu.memory_space<hbm>>) dst(%arg5 : memref<96xi32, #tpu.memory_space<vmem>>)
      tpu.yield
    }) : () -> ()
    %dma_start3A_11 = arith.constant 0 : i32
    %dma_start3A_12 = arith.constant 0 : i32
    %dma_start3A_13 = tpu.memref_slice %arg2[%dma_start3A_11, %dma_start3A_12] : memref<2048x384xi32, #tpu.memory_space<hbm>> -> memref<2048x384xi32, #tpu.memory_space<hbm>>
    tpu.enqueue_indirect_dma source(%dma_start3A_13 : memref<2048x384xi32, #tpu.memory_space<hbm>>) target(%arg6 : memref<96x384xi32, #tpu.memory_space<vmem>>) offsets(%arg5 : memref<96xi32, #tpu.memory_space<vmem>>) semaphore(%arg7 : memref<!tpu.dma_semaphore, #tpu.memory_space<semaphore_mem>>)
    %dma_wait3A_14 = arith.constant 0 : i32
    %dma_wait3A_15 = arith.constant 0 : i32
    %dma_wait3A_16 = tpu.memref_slice %arg2[%dma_wait3A_14, %dma_wait3A_15] : memref<2048x384xi32, #tpu.memory_space<hbm>> -> memref<2048x384xi32, #tpu.memory_space<hbm>>
    tpu.wait_indirect_dma semaphore(%arg7 : memref<!tpu.dma_semaphore, #tpu.memory_space<semaphore_mem>>) src(%dma_wait3A_16 : memref<2048x384xi32, #tpu.memory_space<hbm>>) dst(%arg6 : memref<96x384xi32, #tpu.memory_space<vmem>>)
    "tpu.region"() ({
      %run_scoped3A = tpu.sem_alloc : memref<!tpu.dma_semaphore, #tpu.memory_space<semaphore_mem>>
      %dma_start3A_17 = arith.constant 0 : i32
      %dma_start3A_18 = tpu.memref_slice %arg4[%add3A_10, %dma_start3A_17] : memref<6144x384xi32, #tpu.memory_space<hbm>> -> memref<96x384xi32, #tpu.memory_space<hbm>>
      %dma_start3A_19 = arith.constant 0 : i32
      %dma_start3A_20 = tpu.memref_slice %arg4[%add3A_10, %dma_start3A_19] : memref<6144x384xi32, #tpu.memory_space<hbm>> -> memref<96x384xi32, #tpu.memory_space<hbm>>
      tpu.enqueue_dma source(%arg6 : memref<96x384xi32, #tpu.memory_space<vmem>>) target(%dma_start3A_20 : memref<96x384xi32, #tpu.memory_space<hbm>>) target_semaphore(%run_scoped3A : memref<!tpu.dma_semaphore, #tpu.memory_space<semaphore_mem>>)
      %dma_wait3A_21 = arith.constant 0 : i32
      %dma_wait3A_22 = tpu.memref_slice %arg4[%add3A_10, %dma_wait3A_21] : memref<6144x384xi32, #tpu.memory_space<hbm>> -> memref<96x384xi32, #tpu.memory_space<hbm>>
      %dma_wait3A_23 = arith.constant 0 : i32
      %dma_wait3A_24 = tpu.memref_slice %arg4[%add3A_10, %dma_wait3A_23] : memref<6144x384xi32, #tpu.memory_space<hbm>> -> memref<96x384xi32, #tpu.memory_space<hbm>>
      tpu.wait_dma2 semaphore(%run_scoped3A : memref<!tpu.dma_semaphore, #tpu.memory_space<semaphore_mem>>) src(%arg6 : memref<96x384xi32, #tpu.memory_space<vmem>>) dst(%dma_wait3A_24 : memref<96x384xi32, #tpu.memory_space<hbm>>)
      tpu.yield
    }) : () -> ()
    return
  }
}

#map = affine_map<(d0, d1) -> (0, 0)>
#map1 = affine_map<(d0, d1) -> (0)>
module attributes {stable_mosaic.version = 14 : i64} {
  func.func @k(%arg0: i32, %arg1: i32, %arg2: memref<6144x768xf32, #tpu.memory_space<hbm>>, %arg3: memref<4096xi32, #tpu.memory_space<hbm>>, %arg4: memref<4096x768xf32, #tpu.memory_space<hbm>>, %arg5: memref<128xi32, #tpu.memory_space<vmem>>, %arg6: memref<128x768xf32, #tpu.memory_space<vmem>>, %arg7: memref<!tpu.dma_semaphore, #tpu.memory_space<semaphore_mem>>) attributes {dimension_semantics = [#tpu.dimension_semantics<core_parallel>, #tpu.dimension_semantics<subcore_parallel>], iteration_bounds = array<i64: 2, 16>, scalar_prefetch = 0 : i64, scratch_operands = 3 : i64, tpu.core_type = #tpu.core_type<sc_vector_subcore>, window_params = [{transform_indices = #map}, {transform_indices = #map1}, {transform_indices = #map}]} {
    %mul3A = arith.constant 2 : i32
    %mul3A_0 = arith.muli %arg1, %mul3A : i32
    %add3A = arith.addi %mul3A_0, %arg0 : i32
    %mul3A_1 = arith.constant 128 : i32
    %mul3A_2 = arith.muli %add3A, %mul3A_1 : i32
    %add3A_3 = arith.constant 0 : i32
    %add3A_4 = arith.addi %mul3A_2, %add3A_3 : i32
    "tpu.region"() ({
      %run_scoped3A = tpu.sem_alloc : memref<!tpu.dma_semaphore, #tpu.memory_space<semaphore_mem>>
      %dma_start3A_9 = tpu.memref_slice %arg3[%add3A_4] : memref<4096xi32, #tpu.memory_space<hbm>> -> memref<128xi32, #tpu.memory_space<hbm>>
      %dma_start3A_10 = tpu.memref_slice %arg3[%add3A_4] : memref<4096xi32, #tpu.memory_space<hbm>> -> memref<128xi32, #tpu.memory_space<hbm>>
      tpu.enqueue_dma source(%dma_start3A_10 : memref<128xi32, #tpu.memory_space<hbm>>) target(%arg5 : memref<128xi32, #tpu.memory_space<vmem>>) target_semaphore(%run_scoped3A : memref<!tpu.dma_semaphore, #tpu.memory_space<semaphore_mem>>)
      %dma_wait3A_11 = tpu.memref_slice %arg3[%add3A_4] : memref<4096xi32, #tpu.memory_space<hbm>> -> memref<128xi32, #tpu.memory_space<hbm>>
      %dma_wait3A_12 = tpu.memref_slice %arg3[%add3A_4] : memref<4096xi32, #tpu.memory_space<hbm>> -> memref<128xi32, #tpu.memory_space<hbm>>
      tpu.wait_dma2 semaphore(%run_scoped3A : memref<!tpu.dma_semaphore, #tpu.memory_space<semaphore_mem>>) src(%dma_wait3A_12 : memref<128xi32, #tpu.memory_space<hbm>>) dst(%arg5 : memref<128xi32, #tpu.memory_space<vmem>>)
      tpu.yield
    }) : () -> ()
    %dma_start3A = arith.constant 0 : i32
    %dma_start3A_5 = arith.constant 0 : i32
    %dma_start3A_6 = tpu.memref_slice %arg2[%dma_start3A, %dma_start3A_5] : memref<6144x768xf32, #tpu.memory_space<hbm>> -> memref<6144x768xf32, #tpu.memory_space<hbm>>
    tpu.enqueue_indirect_dma source(%dma_start3A_6 : memref<6144x768xf32, #tpu.memory_space<hbm>>) target(%arg6 : memref<128x768xf32, #tpu.memory_space<vmem>>) offsets(%arg5 : memref<128xi32, #tpu.memory_space<vmem>>) semaphore(%arg7 : memref<!tpu.dma_semaphore, #tpu.memory_space<semaphore_mem>>)
    %dma_wait3A = arith.constant 0 : i32
    %dma_wait3A_7 = arith.constant 0 : i32
    %dma_wait3A_8 = tpu.memref_slice %arg2[%dma_wait3A, %dma_wait3A_7] : memref<6144x768xf32, #tpu.memory_space<hbm>> -> memref<6144x768xf32, #tpu.memory_space<hbm>>
    tpu.wait_indirect_dma semaphore(%arg7 : memref<!tpu.dma_semaphore, #tpu.memory_space<semaphore_mem>>) src(%dma_wait3A_8 : memref<6144x768xf32, #tpu.memory_space<hbm>>) dst(%arg6 : memref<128x768xf32, #tpu.memory_space<vmem>>)
    "tpu.region"() ({
      %run_scoped3A = tpu.sem_alloc : memref<!tpu.dma_semaphore, #tpu.memory_space<semaphore_mem>>
      %dma_start3A_9 = arith.constant 0 : i32
      %dma_start3A_10 = tpu.memref_slice %arg4[%add3A_4, %dma_start3A_9] : memref<4096x768xf32, #tpu.memory_space<hbm>> -> memref<128x768xf32, #tpu.memory_space<hbm>>
      %dma_start3A_11 = arith.constant 0 : i32
      %dma_start3A_12 = tpu.memref_slice %arg4[%add3A_4, %dma_start3A_11] : memref<4096x768xf32, #tpu.memory_space<hbm>> -> memref<128x768xf32, #tpu.memory_space<hbm>>
      tpu.enqueue_dma source(%arg6 : memref<128x768xf32, #tpu.memory_space<vmem>>) target(%dma_start3A_12 : memref<128x768xf32, #tpu.memory_space<hbm>>) target_semaphore(%run_scoped3A : memref<!tpu.dma_semaphore, #tpu.memory_space<semaphore_mem>>)
      %dma_wait3A_13 = arith.constant 0 : i32
      %dma_wait3A_14 = tpu.memref_slice %arg4[%add3A_4, %dma_wait3A_13] : memref<4096x768xf32, #tpu.memory_space<hbm>> -> memref<128x768xf32, #tpu.memory_space<hbm>>
      %dma_wait3A_15 = arith.constant 0 : i32
      %dma_wait3A_16 = tpu.memref_slice %arg4[%add3A_4, %dma_wait3A_15] : memref<4096x768xf32, #tpu.memory_space<hbm>> -> memref<128x768xf32, #tpu.memory_space<hbm>>
      tpu.wait_dma2 semaphore(%run_scoped3A : memref<!tpu.dma_semaphore, #tpu.memory_space<semaphore_mem>>) src(%arg6 : memref<128x768xf32, #tpu.memory_space<vmem>>) dst(%dma_wait3A_16 : memref<128x768xf32, #tpu.memory_space<hbm>>)
      tpu.yield
    }) : () -> ()
    return
  }
}

module attributes {stable_mosaic.version = 14 : i64} {
  func.func @_qkv_body(%arg0: i32, %arg1: memref<512x768xf32, #tpu.memory_space<vmem>>, %arg2: memref<768x2304xf32, #tpu.memory_space<vmem>>, %arg3: memref<512x2304xf32, #tpu.memory_space<vmem>>) attributes {dimension_semantics = [#tpu.dimension_semantics<arbitrary>], iteration_bounds = array<i64: 4>, scalar_prefetch = 0 : i64, scratch_operands = 0 : i64, tpu.core_type = #tpu.core_type<tc>, window_params = [{transform_indices = @transform_0, window_bounds = array<i64: 512, 768>}, {pipeline_mode = #tpu.pipeline_mode<synchronous>, transform_indices = @transform_1, window_bounds = array<i64: 768, 2304>}, {transform_indices = @transform_2, window_bounds = array<i64: 512, 2304>}]} {
    %get3A = arith.constant 0 : index
    %get3A_0 = arith.constant 0 : index
    %get3A_1 = vector.load %arg1[%get3A, %get3A_0] : memref<512x768xf32, #tpu.memory_space<vmem>>, vector<512x768xf32>
    %convert_element_type3A = arith.truncf %get3A_1 : vector<512x768xf32> to vector<512x768xbf16>
    %get3A_2 = arith.constant 0 : index
    %get3A_3 = arith.constant 0 : index
    %get3A_4 = vector.load %arg2[%get3A_2, %get3A_3] : memref<768x2304xf32, #tpu.memory_space<vmem>>, vector<768x2304xf32>
    %convert_element_type3A_5 = arith.truncf %get3A_4 : vector<768x2304xf32> to vector<768x2304xbf16>
    %dot_general3A = arith.constant dense<0.000000e+00> : vector<512x2304xf32>
    %dot_general3A_6 = tpu.matmul %convert_element_type3A, %convert_element_type3A_5, %dot_general3A {dimension_numbers = #tpu.dot_dimension_numbers<[1], [0], [0], [1], [0, 0, 1, 1], [], []>, transpose_lhs_hint = false} : vector<512x768xbf16>, vector<768x2304xbf16>, vector<512x2304xf32> -> vector<512x2304xf32>
    %swap3A = arith.constant 0 : index
    %swap3A_7 = arith.constant 0 : index
    %swap3A_8 = vector.load %arg3[%swap3A, %swap3A_7] : memref<512x2304xf32, #tpu.memory_space<vmem>>, vector<512x2304xf32>
    tpu.vector_store %arg3[%swap3A, %swap3A_7], %dot_general3A_6 {strides = array<i32>} : memref<512x2304xf32, #tpu.memory_space<vmem>>, vector<512x2304xf32>,
    return
  }
  func.func @transform_0(%arg0: i32) -> (i32, i32) {
    %c0_i32 = arith.constant 0 : i32
    %c0_i32_0 = arith.constant 0 : i32
    return %arg0, %c0_i32 : i32, i32
  }
  func.func @transform_1(%arg0: i32) -> (i32, i32) {
    %c0_i32 = arith.constant 0 : i32
    %c0_i32_0 = arith.constant 0 : i32
    %c0_i32_1 = arith.constant 0 : i32
    return %c0_i32, %c0_i32_0 : i32, i32
  }
  func.func @transform_2(%arg0: i32) -> (i32, i32) {
    %c0_i32 = arith.constant 0 : i32
    %c0_i32_0 = arith.constant 0 : i32
    return %arg0, %c0_i32 : i32, i32
  }
}

module attributes {stable_mosaic.version = 14 : i64} {
  func.func @_attn_body(%arg0: i32, %arg1: i32, %arg2: memref<512x128xf32, #tpu.memory_space<vmem>>, %arg3: memref<2048x128xf32, #tpu.memory_space<vmem>>, %arg4: memref<2048x128xf32, #tpu.memory_space<vmem>>, %arg5: memref<512x128xf32, #tpu.memory_space<vmem>>) attributes {dimension_semantics = [#tpu.dimension_semantics<arbitrary>, #tpu.dimension_semantics<arbitrary>], iteration_bounds = array<i64: 6, 4>, scalar_prefetch = 0 : i64, scratch_operands = 0 : i64, tpu.core_type = #tpu.core_type<tc>, window_params = [{transform_indices = @transform_0, window_bounds = array<i64: 512, 128>}, {transform_indices = @transform_1, window_bounds = array<i64: 2048, 128>}, {transform_indices = @transform_2, window_bounds = array<i64: 2048, 128>}, {transform_indices = @transform_3, window_bounds = array<i64: 512, 128>}]} {
    %get3A = arith.constant 0 : index
    %get3A_0 = arith.constant 0 : index
    %get3A_1 = vector.load %arg2[%get3A, %get3A_0] : memref<512x128xf32, #tpu.memory_space<vmem>>, vector<512x128xf32>
    %get3A_2 = arith.constant 0 : index
    %get3A_3 = arith.constant 0 : index
    %get3A_4 = vector.load %arg3[%get3A_2, %get3A_3] : memref<2048x128xf32, #tpu.memory_space<vmem>>, vector<2048x128xf32>
    %get3A_5 = arith.constant 0 : index
    %get3A_6 = arith.constant 0 : index
    %get3A_7 = vector.load %arg4[%get3A_5, %get3A_6] : memref<2048x128xf32, #tpu.memory_space<vmem>>, vector<2048x128xf32>
    %slice3A = vector.extract_strided_slice %get3A_1 {offsets = [0, 0], sizes = [512, 64], strides = [1, 1]} : vector<512x128xf32> to vector<512x64xf32>
    %slice3A_8 = vector.extract_strided_slice %get3A_4 {offsets = [0, 0], sizes = [2048, 64], strides = [1, 1]} : vector<2048x128xf32> to vector<2048x64xf32>
    %slice3A_9 = vector.extract_strided_slice %get3A_7 {offsets = [0, 0], sizes = [2048, 64], strides = [1, 1]} : vector<2048x128xf32> to vector<2048x64xf32>
    %convert_element_type3A = arith.truncf %slice3A : vector<512x64xf32> to vector<512x64xbf16>
    %convert_element_type3A_10 = arith.truncf %slice3A_8 : vector<2048x64xf32> to vector<2048x64xbf16>
    %broadcast_in_dim3A = arith.constant 0xFF800000 : f32
    %broadcast_in_dim3A_11 = vector.broadcast %broadcast_in_dim3A : f32 to vector<512x1xf32>
    %broadcast_in_dim3A_12 = arith.constant 0.000000e+00 : f32
    %broadcast_in_dim3A_13 = vector.broadcast %broadcast_in_dim3A_12 : f32 to vector<512x1xf32>
    %broadcast_in_dim3A_14 = arith.constant 0.000000e+00 : f32
    %broadcast_in_dim3A_15 = vector.broadcast %broadcast_in_dim3A_14 : f32 to vector<512x64xf32>
    %slice3A_16 = vector.extract_strided_slice %convert_element_type3A_10 {offsets = [0, 0], sizes = [1024, 64], strides = [1, 1]} : vector<2048x64xbf16> to vector<1024x64xbf16>
    %slice3A_17 = vector.extract_strided_slice %slice3A_9 {offsets = [0, 0], sizes = [1024, 64], strides = [1, 1]} : vector<2048x64xf32> to vector<1024x64xf32>
    %dot_general3A = arith.constant dense<0.000000e+00> : vector<512x1024xf32>
    %dot_general3A_18 = tpu.matmul %convert_element_type3A, %slice3A_16, %dot_general3A {dimension_numbers = #tpu.dot_dimension_numbers<[1], [1], [0], [0], [0, 0, 1, 0], [], []>, transpose_lhs_hint = false} : vector<512x64xbf16>, vector<1024x64xbf16>, vector<512x1024xf32> -> vector<512x1024xf32>
    %mul3A = arith.constant 0.0360843912 : f32
    %mul3A_19 = vector.broadcast %mul3A : f32 to vector<512x1024xf32>
    %mul3A_20 = arith.mulf %dot_general3A_18, %mul3A_19 : vector<512x1024xf32>
    %mul3A_21 = arith.constant 512 : i32
    %mul3A_22 = arith.muli %arg1, %mul3A_21 : i32
    %iota3A = tpu.iota {dimensions = array<i32: 0>} : vector<512x1024xi32>
    %add3A = vector.broadcast %mul3A_22 : i32 to vector<512x1024xi32>
    %add3A_23 = arith.addi %add3A, %iota3A : vector<512x1024xi32>
    %iota3A_24 = tpu.iota {dimensions = array<i32: 1>} : vector<512x1024xi32>
    %add3A_25 = arith.constant 0 : i32
    %add3A_26 = vector.broadcast %add3A_25 : i32 to vector<512x1024xi32>
    %add3A_27 = arith.addi %add3A_26, %iota3A_24 : vector<512x1024xi32>
    %le3A = arith.cmpi sle, %add3A_27, %add3A_23 : vector<512x1024xi32>
    %jit3A = arith.constant 0xFF800000 : f32
    %broadcast_in_dim3A_28 = vector.broadcast %jit3A : f32 to vector<512x1024xf32>
    %select_n3A = arith.select %le3A, %mul3A_20, %broadcast_in_dim3A_28 : vector<512x1024xi1>, vector<512x1024xf32>
    %reduce_max3A = arith.constant dense<0xFF800000> : vector<512xf32>
    %reduce_max3A_29 = vector.multi_reduction <maximumf>, %select_n3A, %reduce_max3A [1] : vector<512x1024xf32> to vector<512xf32>
    %broadcast_in_dim3A_30 = vector.shape_cast %reduce_max3A_29 : vector<512xf32> to vector<512x1xf32>
    %max3A = arith.maximumf %broadcast_in_dim3A_11, %broadcast_in_dim3A_30 : vector<512x1xf32>
    %eq3A = arith.cmpf oeq, %broadcast_in_dim3A_11, %max3A : vector<512x1xf32>
    %sub3A = arith.subf %broadcast_in_dim3A_11, %max3A : vector<512x1xf32>
    %jit3A_31 = arith.constant 0.000000e+00 : f32
    %broadcast_in_dim3A_32 = vector.broadcast %jit3A_31 : f32 to vector<512x1xf32>
    %select_n3A_33 = arith.select %eq3A, %broadcast_in_dim3A_32, %sub3A : vector<512x1xi1>, vector<512x1xf32>
    %sub3A_34 = vector.broadcast %max3A : vector<512x1xf32> to vector<512x1024xf32>
    %sub3A_35 = arith.subf %select_n3A, %sub3A_34 : vector<512x1024xf32>
    %exp3A = math.exp %sub3A_35 : vector<512x1024xf32>
    %reduce_sum3A = arith.constant dense<0.000000e+00> : vector<512xf32>
    %reduce_sum3A_36 = vector.multi_reduction <add>, %exp3A, %reduce_sum3A [1] : vector<512x1024xf32> to vector<512xf32>
    %broadcast_in_dim3A_37 = vector.shape_cast %reduce_sum3A_36 : vector<512xf32> to vector<512x1xf32>
    %exp3A_38 = math.exp %select_n3A_33 : vector<512x1xf32>
    %mul3A_39 = arith.mulf %exp3A_38, %broadcast_in_dim3A_13 : vector<512x1xf32>
    %add3A_40 = arith.addf %mul3A_39, %broadcast_in_dim3A_37 : vector<512x1xf32>
    %convert_element_type3A_41 = arith.truncf %exp3A : vector<512x1024xf32> to vector<512x1024xbf16>
    %convert_element_type3A_42 = arith.truncf %slice3A_17 : vector<1024x64xf32> to vector<1024x64xbf16>
    %dot_general3A_43 = arith.constant dense<0.000000e+00> : vector<512x64xf32>
    %dot_general3A_44 = tpu.matmul %convert_element_type3A_41, %convert_element_type3A_42, %dot_general3A_43 {dimension_numbers = #tpu.dot_dimension_numbers<[1], [0], [0], [1], [0, 0, 1, 1], [], []>, transpose_lhs_hint = false} : vector<512x1024xbf16>, vector<1024x64xbf16>, vector<512x64xf32> -> vector<512x64xf32>
    %mul3A_45 = vector.broadcast %mul3A_39 : vector<512x1xf32> to vector<512x64xf32>
    %mul3A_46 = arith.mulf %mul3A_45, %broadcast_in_dim3A_15 : vector<512x64xf32>
    %add3A_47 = arith.addf %dot_general3A_44, %mul3A_46 : vector<512x64xf32>
    %div3A = arith.constant 1.000000e+00 : f32
    %div3A_48 = vector.broadcast %div3A : f32 to vector<512x1xf32>
    %div3A_49 = arith.divf %div3A_48, %add3A_40 : vector<512x1xf32>
    %mul3A_50 = vector.broadcast %div3A_49 : vector<512x1xf32> to vector<512x64xf32>
    %mul3A_51 = arith.mulf %add3A_47, %mul3A_50 : vector<512x64xf32>
    %slice3A_52 = vector.extract_strided_slice %convert_element_type3A_10 {offsets = [1024, 0], sizes = [1024, 64], strides = [1, 1]} : vector<2048x64xbf16> to vector<1024x64xbf16>
    %slice3A_53 = vector.extract_strided_slice %slice3A_9 {offsets = [1024, 0], sizes = [1024, 64], strides = [1, 1]} : vector<2048x64xf32> to vector<1024x64xf32>
    %dot_general3A_54 = arith.constant dense<0.000000e+00> : vector<512x1024xf32>
    %dot_general3A_55 = tpu.matmul %convert_element_type3A, %slice3A_52, %dot_general3A_54 {dimension_numbers = #tpu.dot_dimension_numbers<[1], [1], [0], [0], [0, 0, 1, 0], [], []>, transpose_lhs_hint = false} : vector<512x64xbf16>, vector<1024x64xbf16>, vector<512x1024xf32> -> vector<512x1024xf32>
    %mul3A_56 = arith.constant 0.0360843912 : f32
    %mul3A_57 = vector.broadcast %mul3A_56 : f32 to vector<512x1024xf32>
    %mul3A_58 = arith.mulf %dot_general3A_55, %mul3A_57 : vector<512x1024xf32>
    %mul3A_59 = arith.constant 512 : i32
    %mul3A_60 = arith.muli %arg1, %mul3A_59 : i32
    %iota3A_61 = tpu.iota {dimensions = array<i32: 0>} : vector<512x1024xi32>
    %add3A_62 = vector.broadcast %mul3A_60 : i32 to vector<512x1024xi32>
    %add3A_63 = arith.addi %add3A_62, %iota3A_61 : vector<512x1024xi32>
    %iota3A_64 = tpu.iota {dimensions = array<i32: 1>} : vector<512x1024xi32>
    %add3A_65 = arith.constant 1024 : i32
    %add3A_66 = vector.broadcast %add3A_65 : i32 to vector<512x1024xi32>
    %add3A_67 = arith.addi %add3A_66, %iota3A_64 : vector<512x1024xi32>
    %le3A_68 = arith.cmpi sle, %add3A_67, %add3A_63 : vector<512x1024xi32>
    %jit3A_69 = arith.constant 0xFF800000 : f32
    %broadcast_in_dim3A_70 = vector.broadcast %jit3A_69 : f32 to vector<512x1024xf32>
    %select_n3A_71 = arith.select %le3A_68, %mul3A_58, %broadcast_in_dim3A_70 : vector<512x1024xi1>, vector<512x1024xf32>
    %reduce_max3A_72 = arith.constant dense<0xFF800000> : vector<512xf32>
    %reduce_max3A_73 = vector.multi_reduction <maximumf>, %select_n3A_71, %reduce_max3A_72 [1] : vector<512x1024xf32> to vector<512xf32>
    %broadcast_in_dim3A_74 = vector.shape_cast %reduce_max3A_73 : vector<512xf32> to vector<512x1xf32>
    %max3A_75 = arith.maximumf %max3A, %broadcast_in_dim3A_74 : vector<512x1xf32>
    %eq3A_76 = arith.cmpf oeq, %max3A, %max3A_75 : vector<512x1xf32>
    %sub3A_77 = arith.subf %max3A, %max3A_75 : vector<512x1xf32>
    %jit3A_78 = arith.constant 0.000000e+00 : f32
    %broadcast_in_dim3A_79 = vector.broadcast %jit3A_78 : f32 to vector<512x1xf32>
    %select_n3A_80 = arith.select %eq3A_76, %broadcast_in_dim3A_79, %sub3A_77 : vector<512x1xi1>, vector<512x1xf32>
    %sub3A_81 = vector.broadcast %max3A_75 : vector<512x1xf32> to vector<512x1024xf32>
    %sub3A_82 = arith.subf %select_n3A_71, %sub3A_81 : vector<512x1024xf32>
    %exp3A_83 = math.exp %sub3A_82 : vector<512x1024xf32>
    %reduce_sum3A_84 = arith.constant dense<0.000000e+00> : vector<512xf32>
    %reduce_sum3A_85 = vector.multi_reduction <add>, %exp3A_83, %reduce_sum3A_84 [1] : vector<512x1024xf32> to vector<512xf32>
    %broadcast_in_dim3A_86 = vector.shape_cast %reduce_sum3A_85 : vector<512xf32> to vector<512x1xf32>
    %exp3A_87 = math.exp %select_n3A_80 : vector<512x1xf32>
    %mul3A_88 = arith.mulf %exp3A_87, %add3A_40 : vector<512x1xf32>
    %add3A_89 = arith.addf %mul3A_88, %broadcast_in_dim3A_86 : vector<512x1xf32>
    %convert_element_type3A_90 = arith.truncf %exp3A_83 : vector<512x1024xf32> to vector<512x1024xbf16>
    %convert_element_type3A_91 = arith.truncf %slice3A_53 : vector<1024x64xf32> to vector<1024x64xbf16>
    %dot_general3A_92 = arith.constant dense<0.000000e+00> : vector<512x64xf32>
    %dot_general3A_93 = tpu.matmul %convert_element_type3A_90, %convert_element_type3A_91, %dot_general3A_92 {dimension_numbers = #tpu.dot_dimension_numbers<[1], [0], [0], [1], [0, 0, 1, 1], [], []>, transpose_lhs_hint = false} : vector<512x1024xbf16>, vector<1024x64xbf16>, vector<512x64xf32> -> vector<512x64xf32>
    %mul3A_94 = vector.broadcast %mul3A_88 : vector<512x1xf32> to vector<512x64xf32>
    %mul3A_95 = arith.mulf %mul3A_94, %mul3A_51 : vector<512x64xf32>
    %add3A_96 = arith.addf %dot_general3A_93, %mul3A_95 : vector<512x64xf32>
    %div3A_97 = arith.constant 1.000000e+00 : f32
    %div3A_98 = vector.broadcast %div3A_97 : f32 to vector<512x1xf32>
    %div3A_99 = arith.divf %div3A_98, %add3A_89 : vector<512x1xf32>
    %mul3A_100 = vector.broadcast %div3A_99 : vector<512x1xf32> to vector<512x64xf32>
    %mul3A_101 = arith.mulf %add3A_96, %mul3A_100 : vector<512x64xf32>
    %swap3A = arith.constant 0 : index
    %swap3A_102 = arith.constant 0 : index
    %swap3A_103 = vector.load %arg5[%swap3A, %swap3A_102] : memref<512x128xf32, #tpu.memory_space<vmem>>, vector<512x64xf32>
    tpu.vector_store %arg5[%swap3A, %swap3A_102], %mul3A_101 {strides = array<i32>} : memref<512x128xf32, #tpu.memory_space<vmem>>, vector<512x64xf32>,
    %slice3A_104 = vector.extract_strided_slice %get3A_1 {offsets = [0, 64], sizes = [512, 64], strides = [1, 1]} : vector<512x128xf32> to vector<512x64xf32>
    %slice3A_105 = vector.extract_strided_slice %get3A_4 {offsets = [0, 64], sizes = [2048, 64], strides = [1, 1]} : vector<2048x128xf32> to vector<2048x64xf32>
    %slice3A_106 = vector.extract_strided_slice %get3A_7 {offsets = [0, 64], sizes = [2048, 64], strides = [1, 1]} : vector<2048x128xf32> to vector<2048x64xf32>
    %convert_element_type3A_107 = arith.truncf %slice3A_104 : vector<512x64xf32> to vector<512x64xbf16>
    %convert_element_type3A_108 = arith.truncf %slice3A_105 : vector<2048x64xf32> to vector<2048x64xbf16>
    %broadcast_in_dim3A_109 = arith.constant 0xFF800000 : f32
    %broadcast_in_dim3A_110 = vector.broadcast %broadcast_in_dim3A_109 : f32 to vector<512x1xf32>
    %broadcast_in_dim3A_111 = arith.constant 0.000000e+00 : f32
    %broadcast_in_dim3A_112 = vector.broadcast %broadcast_in_dim3A_111 : f32 to vector<512x1xf32>
    %broadcast_in_dim3A_113 = arith.constant 0.000000e+00 : f32
    %broadcast_in_dim3A_114 = vector.broadcast %broadcast_in_dim3A_113 : f32 to vector<512x64xf32>
    %slice3A_115 = vector.extract_strided_slice %convert_element_type3A_108 {offsets = [0, 0], sizes = [1024, 64], strides = [1, 1]} : vector<2048x64xbf16> to vector<1024x64xbf16>
    %slice3A_116 = vector.extract_strided_slice %slice3A_106 {offsets = [0, 0], sizes = [1024, 64], strides = [1, 1]} : vector<2048x64xf32> to vector<1024x64xf32>
    %dot_general3A_117 = arith.constant dense<0.000000e+00> : vector<512x1024xf32>
    %dot_general3A_118 = tpu.matmul %convert_element_type3A_107, %slice3A_115, %dot_general3A_117 {dimension_numbers = #tpu.dot_dimension_numbers<[1], [1], [0], [0], [0, 0, 1, 0], [], []>, transpose_lhs_hint = false} : vector<512x64xbf16>, vector<1024x64xbf16>, vector<512x1024xf32> -> vector<512x1024xf32>
    %mul3A_119 = arith.constant 0.0360843912 : f32
    %mul3A_120 = vector.broadcast %mul3A_119 : f32 to vector<512x1024xf32>
    %mul3A_121 = arith.mulf %dot_general3A_118, %mul3A_120 : vector<512x1024xf32>
    %mul3A_122 = arith.constant 512 : i32
    %mul3A_123 = arith.muli %arg1, %mul3A_122 : i32
    %iota3A_124 = tpu.iota {dimensions = array<i32: 0>} : vector<512x1024xi32>
    %add3A_125 = vector.broadcast %mul3A_123 : i32 to vector<512x1024xi32>
    %add3A_126 = arith.addi %add3A_125, %iota3A_124 : vector<512x1024xi32>
    %iota3A_127 = tpu.iota {dimensions = array<i32: 1>} : vector<512x1024xi32>
    %add3A_128 = arith.constant 0 : i32
    %add3A_129 = vector.broadcast %add3A_128 : i32 to vector<512x1024xi32>
    %add3A_130 = arith.addi %add3A_129, %iota3A_127 : vector<512x1024xi32>
    %le3A_131 = arith.cmpi sle, %add3A_130, %add3A_126 : vector<512x1024xi32>
    %jit3A_132 = arith.constant 0xFF800000 : f32
    %broadcast_in_dim3A_133 = vector.broadcast %jit3A_132 : f32 to vector<512x1024xf32>
    %select_n3A_134 = arith.select %le3A_131, %mul3A_121, %broadcast_in_dim3A_133 : vector<512x1024xi1>, vector<512x1024xf32>
    %reduce_max3A_135 = arith.constant dense<0xFF800000> : vector<512xf32>
    %reduce_max3A_136 = vector.multi_reduction <maximumf>, %select_n3A_134, %reduce_max3A_135 [1] : vector<512x1024xf32> to vector<512xf32>
    %broadcast_in_dim3A_137 = vector.shape_cast %reduce_max3A_136 : vector<512xf32> to vector<512x1xf32>
    %max3A_138 = arith.maximumf %broadcast_in_dim3A_110, %broadcast_in_dim3A_137 : vector<512x1xf32>
    %eq3A_139 = arith.cmpf oeq, %broadcast_in_dim3A_110, %max3A_138 : vector<512x1xf32>
    %sub3A_140 = arith.subf %broadcast_in_dim3A_110, %max3A_138 : vector<512x1xf32>
    %jit3A_141 = arith.constant 0.000000e+00 : f32
    %broadcast_in_dim3A_142 = vector.broadcast %jit3A_141 : f32 to vector<512x1xf32>
    %select_n3A_143 = arith.select %eq3A_139, %broadcast_in_dim3A_142, %sub3A_140 : vector<512x1xi1>, vector<512x1xf32>
    %sub3A_144 = vector.broadcast %max3A_138 : vector<512x1xf32> to vector<512x1024xf32>
    %sub3A_145 = arith.subf %select_n3A_134, %sub3A_144 : vector<512x1024xf32>
    %exp3A_146 = math.exp %sub3A_145 : vector<512x1024xf32>
    %reduce_sum3A_147 = arith.constant dense<0.000000e+00> : vector<512xf32>
    %reduce_sum3A_148 = vector.multi_reduction <add>, %exp3A_146, %reduce_sum3A_147 [1] : vector<512x1024xf32> to vector<512xf32>
    %broadcast_in_dim3A_149 = vector.shape_cast %reduce_sum3A_148 : vector<512xf32> to vector<512x1xf32>
    %exp3A_150 = math.exp %select_n3A_143 : vector<512x1xf32>
    %mul3A_151 = arith.mulf %exp3A_150, %broadcast_in_dim3A_112 : vector<512x1xf32>
    %add3A_152 = arith.addf %mul3A_151, %broadcast_in_dim3A_149 : vector<512x1xf32>
    %convert_element_type3A_153 = arith.truncf %exp3A_146 : vector<512x1024xf32> to vector<512x1024xbf16>
    %convert_element_type3A_154 = arith.truncf %slice3A_116 : vector<1024x64xf32> to vector<1024x64xbf16>
    %dot_general3A_155 = arith.constant dense<0.000000e+00> : vector<512x64xf32>
    %dot_general3A_156 = tpu.matmul %convert_element_type3A_153, %convert_element_type3A_154, %dot_general3A_155 {dimension_numbers = #tpu.dot_dimension_numbers<[1], [0], [0], [1], [0, 0, 1, 1], [], []>, transpose_lhs_hint = false} : vector<512x1024xbf16>, vector<1024x64xbf16>, vector<512x64xf32> -> vector<512x64xf32>
    %mul3A_157 = vector.broadcast %mul3A_151 : vector<512x1xf32> to vector<512x64xf32>
    %mul3A_158 = arith.mulf %mul3A_157, %broadcast_in_dim3A_114 : vector<512x64xf32>
    %add3A_159 = arith.addf %dot_general3A_156, %mul3A_158 : vector<512x64xf32>
    %div3A_160 = arith.constant 1.000000e+00 : f32
    %div3A_161 = vector.broadcast %div3A_160 : f32 to vector<512x1xf32>
    %div3A_162 = arith.divf %div3A_161, %add3A_152 : vector<512x1xf32>
    %mul3A_163 = vector.broadcast %div3A_162 : vector<512x1xf32> to vector<512x64xf32>
    %mul3A_164 = arith.mulf %add3A_159, %mul3A_163 : vector<512x64xf32>
    %slice3A_165 = vector.extract_strided_slice %convert_element_type3A_108 {offsets = [1024, 0], sizes = [1024, 64], strides = [1, 1]} : vector<2048x64xbf16> to vector<1024x64xbf16>
    %slice3A_166 = vector.extract_strided_slice %slice3A_106 {offsets = [1024, 0], sizes = [1024, 64], strides = [1, 1]} : vector<2048x64xf32> to vector<1024x64xf32>
    %dot_general3A_167 = arith.constant dense<0.000000e+00> : vector<512x1024xf32>
    %dot_general3A_168 = tpu.matmul %convert_element_type3A_107, %slice3A_165, %dot_general3A_167 {dimension_numbers = #tpu.dot_dimension_numbers<[1], [1], [0], [0], [0, 0, 1, 0], [], []>, transpose_lhs_hint = false} : vector<512x64xbf16>, vector<1024x64xbf16>, vector<512x1024xf32> -> vector<512x1024xf32>
    %mul3A_169 = arith.constant 0.0360843912 : f32
    %mul3A_170 = vector.broadcast %mul3A_169 : f32 to vector<512x1024xf32>
    %mul3A_171 = arith.mulf %dot_general3A_168, %mul3A_170 : vector<512x1024xf32>
    %mul3A_172 = arith.constant 512 : i32
    %mul3A_173 = arith.muli %arg1, %mul3A_172 : i32
    %iota3A_174 = tpu.iota {dimensions = array<i32: 0>} : vector<512x1024xi32>
    %add3A_175 = vector.broadcast %mul3A_173 : i32 to vector<512x1024xi32>
    %add3A_176 = arith.addi %add3A_175, %iota3A_174 : vector<512x1024xi32>
    %iota3A_177 = tpu.iota {dimensions = array<i32: 1>} : vector<512x1024xi32>
    %add3A_178 = arith.constant 1024 : i32
    %add3A_179 = vector.broadcast %add3A_178 : i32 to vector<512x1024xi32>
    %add3A_180 = arith.addi %add3A_179, %iota3A_177 : vector<512x1024xi32>
    %le3A_181 = arith.cmpi sle, %add3A_180, %add3A_176 : vector<512x1024xi32>
    %jit3A_182 = arith.constant 0xFF800000 : f32
    %broadcast_in_dim3A_183 = vector.broadcast %jit3A_182 : f32 to vector<512x1024xf32>
    %select_n3A_184 = arith.select %le3A_181, %mul3A_171, %broadcast_in_dim3A_183 : vector<512x1024xi1>, vector<512x1024xf32>
    %reduce_max3A_185 = arith.constant dense<0xFF800000> : vector<512xf32>
    %reduce_max3A_186 = vector.multi_reduction <maximumf>, %select_n3A_184, %reduce_max3A_185 [1] : vector<512x1024xf32> to vector<512xf32>
    %broadcast_in_dim3A_187 = vector.shape_cast %reduce_max3A_186 : vector<512xf32> to vector<512x1xf32>
    %max3A_188 = arith.maximumf %max3A_138, %broadcast_in_dim3A_187 : vector<512x1xf32>
    %eq3A_189 = arith.cmpf oeq, %max3A_138, %max3A_188 : vector<512x1xf32>
    %sub3A_190 = arith.subf %max3A_138, %max3A_188 : vector<512x1xf32>
    %jit3A_191 = arith.constant 0.000000e+00 : f32
    %broadcast_in_dim3A_192 = vector.broadcast %jit3A_191 : f32 to vector<512x1xf32>
    %select_n3A_193 = arith.select %eq3A_189, %broadcast_in_dim3A_192, %sub3A_190 : vector<512x1xi1>, vector<512x1xf32>
    %sub3A_194 = vector.broadcast %max3A_188 : vector<512x1xf32> to vector<512x1024xf32>
    %sub3A_195 = arith.subf %select_n3A_184, %sub3A_194 : vector<512x1024xf32>
    %exp3A_196 = math.exp %sub3A_195 : vector<512x1024xf32>
    %reduce_sum3A_197 = arith.constant dense<0.000000e+00> : vector<512xf32>
    %reduce_sum3A_198 = vector.multi_reduction <add>, %exp3A_196, %reduce_sum3A_197 [1] : vector<512x1024xf32> to vector<512xf32>
    %broadcast_in_dim3A_199 = vector.shape_cast %reduce_sum3A_198 : vector<512xf32> to vector<512x1xf32>
    %exp3A_200 = math.exp %select_n3A_193 : vector<512x1xf32>
    %mul3A_201 = arith.mulf %exp3A_200, %add3A_152 : vector<512x1xf32>
    %add3A_202 = arith.addf %mul3A_201, %broadcast_in_dim3A_199 : vector<512x1xf32>
    %convert_element_type3A_203 = arith.truncf %exp3A_196 : vector<512x1024xf32> to vector<512x1024xbf16>
    %convert_element_type3A_204 = arith.truncf %slice3A_166 : vector<1024x64xf32> to vector<1024x64xbf16>
    %dot_general3A_205 = arith.constant dense<0.000000e+00> : vector<512x64xf32>
    %dot_general3A_206 = tpu.matmul %convert_element_type3A_203, %convert_element_type3A_204, %dot_general3A_205 {dimension_numbers = #tpu.dot_dimension_numbers<[1], [0], [0], [1], [0, 0, 1, 1], [], []>, transpose_lhs_hint = false} : vector<512x1024xbf16>, vector<1024x64xbf16>, vector<512x64xf32> -> vector<512x64xf32>
    %mul3A_207 = vector.broadcast %mul3A_201 : vector<512x1xf32> to vector<512x64xf32>
    %mul3A_208 = arith.mulf %mul3A_207, %mul3A_164 : vector<512x64xf32>
    %add3A_209 = arith.addf %dot_general3A_206, %mul3A_208 : vector<512x64xf32>
    %div3A_210 = arith.constant 1.000000e+00 : f32
    %div3A_211 = vector.broadcast %div3A_210 : f32 to vector<512x1xf32>
    %div3A_212 = arith.divf %div3A_211, %add3A_202 : vector<512x1xf32>
    %mul3A_213 = vector.broadcast %div3A_212 : vector<512x1xf32> to vector<512x64xf32>
    %mul3A_214 = arith.mulf %add3A_209, %mul3A_213 : vector<512x64xf32>
    %swap3A_215 = arith.constant 0 : index
    %swap3A_216 = arith.constant 64 : index
    %swap3A_217 = vector.load %arg5[%swap3A_215, %swap3A_216] : memref<512x128xf32, #tpu.memory_space<vmem>>, vector<512x64xf32>
    tpu.vector_store %arg5[%swap3A_215, %swap3A_216], %mul3A_214 {strides = array<i32>} : memref<512x128xf32, #tpu.memory_space<vmem>>, vector<512x64xf32>,
    return
  }
  func.func @transform_0(%arg0: i32, %arg1: i32) -> (i32, i32) {
    %c0_i32 = arith.constant 0 : i32
    return %arg1, %arg0 : i32, i32
  }
  func.func @transform_1(%arg0: i32, %arg1: i32) -> (i32, i32) {
    %add3A = arith.constant 6 : i32
    %add3A_0 = arith.addi %add3A, %arg0 : i32
    %c0_i32 = arith.constant 0 : i32
    %c0_i32_1 = arith.constant 0 : i32
    return %c0_i32, %add3A_0 : i32, i32
  }
  func.func @transform_2(%arg0: i32, %arg1: i32) -> (i32, i32) {
    %add3A = arith.constant 12 : i32
    %add3A_0 = arith.addi %add3A, %arg0 : i32
    %c0_i32 = arith.constant 0 : i32
    %c0_i32_1 = arith.constant 0 : i32
    return %c0_i32, %add3A_0 : i32, i32
  }
  func.func @transform_3(%arg0: i32, %arg1: i32) -> (i32, i32) {
    %c0_i32 = arith.constant 0 : i32
    return %arg1, %arg0 : i32, i32
  }
}

module attributes {stable_mosaic.version = 14 : i64} {
  func.func @_router_body(%arg0: i32, %arg1: memref<512x768xf32, #tpu.memory_space<vmem>>, %arg2: memref<512x768xf32, #tpu.memory_space<vmem>>, %arg3: memref<768x768xf32, #tpu.memory_space<vmem>>, %arg4: memref<1x768xf32, #tpu.memory_space<vmem>>, %arg5: memref<1x768xf32, #tpu.memory_space<vmem>>, %arg6: memref<1x768xf32, #tpu.memory_space<vmem>>, %arg7: memref<768x8xf32, #tpu.memory_space<vmem>>, %arg8: memref<1x8xf32, #tpu.memory_space<vmem>>, %arg9: memref<768x8xf32, #tpu.memory_space<vmem>>, %arg10: memref<1x8xf32, #tpu.memory_space<vmem>>, %arg11: memref<512x8xf32, #tpu.memory_space<vmem>>, %arg12: memref<512x768xf32, #tpu.memory_space<vmem>>, %arg13: memref<512x8xf32, #tpu.memory_space<vmem>>, %arg14: memref<512x8xi32, #tpu.memory_space<vmem>>) attributes {dimension_semantics = [#tpu.dimension_semantics<arbitrary>], iteration_bounds = array<i64: 4>, scalar_prefetch = 0 : i64, scratch_operands = 0 : i64, tpu.core_type = #tpu.core_type<tc>, window_params = [{transform_indices = @transform_0, window_bounds = array<i64: 512, 768>}, {transform_indices = @transform_1, window_bounds = array<i64: 512, 768>}, {pipeline_mode = #tpu.pipeline_mode<synchronous>, transform_indices = @transform_2, window_bounds = array<i64: 768, 768>}, {pipeline_mode = #tpu.pipeline_mode<synchronous>, transform_indices = @transform_3, window_bounds = array<i64: 1, 768>}, {pipeline_mode = #tpu.pipeline_mode<synchronous>, transform_indices = @transform_4, window_bounds = array<i64: 1, 768>}, {pipeline_mode = #tpu.pipeline_mode<synchronous>, transform_indices = @transform_5, window_bounds = array<i64: 1, 768>}, {pipeline_mode = #tpu.pipeline_mode<synchronous>, transform_indices = @transform_6, window_bounds = array<i64: 768, 8>}, {pipeline_mode = #tpu.pipeline_mode<synchronous>, transform_indices = @transform_7, window_bounds = array<i64: 1, 8>}, {pipeline_mode = #tpu.pipeline_mode<synchronous>, transform_indices = @transform_8, window_bounds = array<i64: 768, 8>}, {pipeline_mode = #tpu.pipeline_mode<synchronous>, transform_indices = @transform_9, window_bounds = array<i64: 1, 8>}, {transform_indices = @transform_10, window_bounds = array<i64: 512, 8>}, {transform_indices = @transform_11, window_bounds = array<i64: 512, 768>}, {transform_indices = @transform_12, window_bounds = array<i64: 512, 8>}, {transform_indices = @transform_13, window_bounds = array<i64: 512, 8>}]} {
    %get3A = arith.constant 0 : index
    %get3A_0 = arith.constant 0 : index
    %get3A_1 = vector.load %arg1[%get3A, %get3A_0] : memref<512x768xf32, #tpu.memory_space<vmem>>, vector<512x768xf32>
    %convert_element_type3A = arith.truncf %get3A_1 : vector<512x768xf32> to vector<512x768xbf16>
    %get3A_2 = arith.constant 0 : index
    %get3A_3 = arith.constant 0 : index
    %get3A_4 = vector.load %arg3[%get3A_2, %get3A_3] : memref<768x768xf32, #tpu.memory_space<vmem>>, vector<768x768xf32>
    %convert_element_type3A_5 = arith.truncf %get3A_4 : vector<768x768xf32> to vector<768x768xbf16>
    %dot_general3A = arith.constant dense<0.000000e+00> : vector<512x768xf32>
    %dot_general3A_6 = tpu.matmul %convert_element_type3A, %convert_element_type3A_5, %dot_general3A {dimension_numbers = #tpu.dot_dimension_numbers<[1], [0], [0], [1], [0, 0, 1, 1], [], []>, transpose_lhs_hint = false} : vector<512x768xbf16>, vector<768x768xbf16>, vector<512x768xf32> -> vector<512x768xf32>
    %get3A_7 = arith.constant 0 : index
    %get3A_8 = arith.constant 0 : index
    %get3A_9 = vector.load %arg4[%get3A_7, %get3A_8] : memref<1x768xf32, #tpu.memory_space<vmem>>, vector<1x768xf32>
    %add3A = vector.broadcast %get3A_9 : vector<1x768xf32> to vector<512x768xf32>
    %add3A_10 = arith.addf %dot_general3A_6, %add3A : vector<512x768xf32>
    %get3A_11 = arith.constant 0 : index
    %get3A_12 = arith.constant 0 : index
    %get3A_13 = vector.load %arg2[%get3A_11, %get3A_12] : memref<512x768xf32, #tpu.memory_space<vmem>>, vector<512x768xf32>
    %get3A_14 = arith.constant 0 : index
    %get3A_15 = arith.constant 0 : index
    %get3A_16 = vector.load %arg5[%get3A_14, %get3A_15] : memref<1x768xf32, #tpu.memory_space<vmem>>, vector<1x768xf32>
    %get3A_17 = arith.constant 0 : index
    %get3A_18 = arith.constant 0 : index
    %get3A_19 = vector.load %arg6[%get3A_17, %get3A_18] : memref<1x768xf32, #tpu.memory_space<vmem>>, vector<1x768xf32>
    %reduce_sum3A = arith.constant dense<0.000000e+00> : vector<512xf32>
    %reduce_sum3A_20 = vector.multi_reduction <add>, %add3A_10, %reduce_sum3A [1] : vector<512x768xf32> to vector<512xf32>
    %broadcast_in_dim3A = vector.shape_cast %reduce_sum3A_20 : vector<512xf32> to vector<512x1xf32>
    %div3A = arith.constant 7.680000e+02 : f32
    %div3A_21 = vector.broadcast %div3A : f32 to vector<512x1xf32>
    %div3A_22 = arith.divf %broadcast_in_dim3A, %div3A_21 : vector<512x1xf32>
    %sub3A = vector.broadcast %div3A_22 : vector<512x1xf32> to vector<512x768xf32>
    %sub3A_23 = arith.subf %add3A_10, %sub3A : vector<512x768xf32>
    %integer_pow3A = arith.mulf %sub3A_23, %sub3A_23 : vector<512x768xf32>
    %reduce_sum3A_24 = arith.constant dense<0.000000e+00> : vector<512xf32>
    %reduce_sum3A_25 = vector.multi_reduction <add>, %integer_pow3A, %reduce_sum3A_24 [1] : vector<512x768xf32> to vector<512xf32>
    %broadcast_in_dim3A_26 = vector.shape_cast %reduce_sum3A_25 : vector<512xf32> to vector<512x1xf32>
    %div3A_27 = arith.constant 7.680000e+02 : f32
    %div3A_28 = vector.broadcast %div3A_27 : f32 to vector<512x1xf32>
    %div3A_29 = arith.divf %broadcast_in_dim3A_26, %div3A_28 : vector<512x1xf32>
    %sub3A_30 = vector.broadcast %div3A_22 : vector<512x1xf32> to vector<512x768xf32>
    %sub3A_31 = arith.subf %add3A_10, %sub3A_30 : vector<512x768xf32>
    %mul3A = vector.broadcast %get3A_16 : vector<1x768xf32> to vector<512x768xf32>
    %mul3A_32 = arith.mulf %mul3A, %sub3A_31 : vector<512x768xf32>
    %add3A_33 = arith.constant 9.99999974E-6 : f32
    %add3A_34 = vector.broadcast %add3A_33 : f32 to vector<512x1xf32>
    %add3A_35 = arith.addf %div3A_29, %add3A_34 : vector<512x1xf32>
    %rsqrt3A = math.rsqrt %add3A_35 : vector<512x1xf32>
    %mul3A_36 = vector.broadcast %rsqrt3A : vector<512x1xf32> to vector<512x768xf32>
    %mul3A_37 = arith.mulf %mul3A_32, %mul3A_36 : vector<512x768xf32>
    %add3A_38 = vector.broadcast %get3A_19 : vector<1x768xf32> to vector<512x768xf32>
    %add3A_39 = arith.addf %mul3A_37, %add3A_38 : vector<512x768xf32>
    %add3A_40 = arith.addf %get3A_13, %add3A_39 : vector<512x768xf32>
    %swap3A = arith.constant 0 : index
    %swap3A_41 = arith.constant 0 : index
    %swap3A_42 = vector.load %arg12[%swap3A, %swap3A_41] : memref<512x768xf32, #tpu.memory_space<vmem>>, vector<512x768xf32>
    tpu.vector_store %arg12[%swap3A, %swap3A_41], %add3A_40 {strides = array<i32>} : memref<512x768xf32, #tpu.memory_space<vmem>>, vector<512x768xf32>,
    %convert_element_type3A_43 = arith.truncf %add3A_40 : vector<512x768xf32> to vector<512x768xbf16>
    %get3A_44 = arith.constant 0 : index
    %get3A_45 = arith.constant 0 : index
    %get3A_46 = vector.load %arg7[%get3A_44, %get3A_45] : memref<768x8xf32, #tpu.memory_space<vmem>>, vector<768x8xf32>
    %convert_element_type3A_47 = arith.truncf %get3A_46 : vector<768x8xf32> to vector<768x8xbf16>
    %dot_general3A_48 = arith.constant dense<0.000000e+00> : vector<512x8xf32>
    %dot_general3A_49 = tpu.matmul %convert_element_type3A_43, %convert_element_type3A_47, %dot_general3A_48 {dimension_numbers = #tpu.dot_dimension_numbers<[1], [0], [0], [1], [0, 0, 1, 1], [], []>, transpose_lhs_hint = false} : vector<512x768xbf16>, vector<768x8xbf16>, vector<512x8xf32> -> vector<512x8xf32>
    %get3A_50 = arith.constant 0 : index
    %get3A_51 = arith.constant 0 : index
    %get3A_52 = vector.load %arg8[%get3A_50, %get3A_51] : memref<1x8xf32, #tpu.memory_space<vmem>>, vector<1x8xf32>
    %add3A_53 = vector.broadcast %get3A_52 : vector<1x8xf32> to vector<512x8xf32>
    %add3A_54 = arith.addf %dot_general3A_49, %add3A_53 : vector<512x8xf32>
    %get3A_55 = arith.constant 0 : index
    %get3A_56 = arith.constant 0 : index
    %get3A_57 = vector.load %arg9[%get3A_55, %get3A_56] : memref<768x8xf32, #tpu.memory_space<vmem>>, vector<768x8xf32>
    %convert_element_type3A_58 = arith.truncf %get3A_57 : vector<768x8xf32> to vector<768x8xbf16>
    %dot_general3A_59 = arith.constant dense<0.000000e+00> : vector<512x8xf32>
    %dot_general3A_60 = tpu.matmul %convert_element_type3A_43, %convert_element_type3A_58, %dot_general3A_59 {dimension_numbers = #tpu.dot_dimension_numbers<[1], [0], [0], [1], [0, 0, 1, 1], [], []>, transpose_lhs_hint = false} : vector<512x768xbf16>, vector<768x8xbf16>, vector<512x8xf32> -> vector<512x8xf32>
    %get3A_61 = arith.constant 0 : index
    %get3A_62 = arith.constant 0 : index
    %get3A_63 = vector.load %arg10[%get3A_61, %get3A_62] : memref<1x8xf32, #tpu.memory_space<vmem>>, vector<1x8xf32>
    %add3A_64 = vector.broadcast %get3A_63 : vector<1x8xf32> to vector<512x8xf32>
    %add3A_65 = arith.addf %dot_general3A_60, %add3A_64 : vector<512x8xf32>
    %gt3A = arith.constant 0.000000e+00 : f32
    %gt3A_66 = vector.broadcast %gt3A : f32 to vector<512x8xf32>
    %gt3A_67 = arith.cmpf ogt, %add3A_65, %gt3A_66 : vector<512x8xf32>
    %abs3A = math.absf %add3A_65 : vector<512x8xf32>
    %neg3A = arith.constant 0.000000e+00 : f32
    %neg3A_68 = vector.broadcast %neg3A : f32 to vector<512x8xf32>
    %neg3A_69 = arith.subf %neg3A_68, %abs3A : vector<512x8xf32>
    %exp3A = math.exp %neg3A_69 : vector<512x8xf32>
    %log1p3A = math.log1p %exp3A : vector<512x8xf32>
    %add3A_70 = arith.addf %add3A_65, %log1p3A : vector<512x8xf32>
    %exp3A_71 = math.exp %add3A_65 : vector<512x8xf32>
    %log1p3A_72 = math.log1p %exp3A_71 : vector<512x8xf32>
    %select_n3A = arith.select %gt3A_67, %add3A_70, %log1p3A_72 : vector<512x8xi1>, vector<512x8xf32>
    %get3A_73 = arith.constant 0 : index
    %get3A_74 = arith.constant 0 : index
    %get3A_75 = vector.load %arg11[%get3A_73, %get3A_74] : memref<512x8xf32, #tpu.memory_space<vmem>>, vector<512x8xf32>
    %mul3A_76 = arith.mulf %get3A_75, %select_n3A : vector<512x8xf32>
    %add3A_77 = arith.addf %add3A_54, %mul3A_76 : vector<512x8xf32>
    %iota3A = tpu.iota {dimensions = array<i32: 1>} : vector<512x8xi32>
    %reduce_max3A = arith.constant dense<0xFF800000> : vector<512xf32>
    %reduce_max3A_78 = vector.multi_reduction <maximumf>, %add3A_77, %reduce_max3A [1] : vector<512x8xf32> to vector<512xf32>
    %broadcast_in_dim3A_79 = vector.shape_cast %reduce_max3A_78 : vector<512xf32> to vector<512x1xf32>
    %eq3A = vector.broadcast %broadcast_in_dim3A_79 : vector<512x1xf32> to vector<512x8xf32>
    %eq3A_80 = arith.cmpf oeq, %add3A_77, %eq3A : vector<512x8xf32>
    %jit3A = arith.constant 8 : i32
    %broadcast_in_dim3A_81 = vector.broadcast %jit3A : i32 to vector<512x8xi32>
    %select_n3A_82 = arith.select %eq3A_80, %iota3A, %broadcast_in_dim3A_81 : vector<512x8xi1>, vector<512x8xi32>
    %reduce_min3A = arith.constant dense<2147483647> : vector<512xi32>
    %reduce_min3A_83 = vector.multi_reduction <minsi>, %select_n3A_82, %reduce_min3A [1] : vector<512x8xi32> to vector<512xi32>
    %broadcast_in_dim3A_84 = vector.shape_cast %reduce_min3A_83 : vector<512xi32> to vector<512x1xi32>
    %eq3A_85 = vector.broadcast %broadcast_in_dim3A_84 : vector<512x1xi32> to vector<512x8xi32>
    %eq3A_86 = arith.cmpi eq, %iota3A, %eq3A_85 : vector<512x8xi32>
    %jit3A_87 = arith.constant 0xFF800000 : f32
    %broadcast_in_dim3A_88 = vector.broadcast %jit3A_87 : f32 to vector<512x8xf32>
    %select_n3A_89 = arith.select %eq3A_86, %broadcast_in_dim3A_88, %add3A_77 : vector<512x8xi1>, vector<512x8xf32>
    %reduce_max3A_90 = arith.constant dense<0xFF800000> : vector<512xf32>
    %reduce_max3A_91 = vector.multi_reduction <maximumf>, %select_n3A_89, %reduce_max3A_90 [1] : vector<512x8xf32> to vector<512xf32>
    %broadcast_in_dim3A_92 = vector.shape_cast %reduce_max3A_91 : vector<512xf32> to vector<512x1xf32>
    %eq3A_93 = vector.broadcast %broadcast_in_dim3A_92 : vector<512x1xf32> to vector<512x8xf32>
    %eq3A_94 = arith.cmpf oeq, %select_n3A_89, %eq3A_93 : vector<512x8xf32>
    %jit3A_95 = arith.constant 8 : i32
    %broadcast_in_dim3A_96 = vector.broadcast %jit3A_95 : i32 to vector<512x8xi32>
    %select_n3A_97 = arith.select %eq3A_94, %iota3A, %broadcast_in_dim3A_96 : vector<512x8xi1>, vector<512x8xi32>
    %reduce_min3A_98 = arith.constant dense<2147483647> : vector<512xi32>
    %reduce_min3A_99 = vector.multi_reduction <minsi>, %select_n3A_97, %reduce_min3A_98 [1] : vector<512x8xi32> to vector<512xi32>
    %broadcast_in_dim3A_100 = vector.shape_cast %reduce_min3A_99 : vector<512xi32> to vector<512x1xi32>
    %eq3A_101 = vector.broadcast %broadcast_in_dim3A_84 : vector<512x1xi32> to vector<512x8xi32>
    %eq3A_102 = arith.cmpi eq, %iota3A, %eq3A_101 : vector<512x8xi32>
    %eq3A_103 = vector.broadcast %broadcast_in_dim3A_100 : vector<512x1xi32> to vector<512x8xi32>
    %eq3A_104 = arith.cmpi eq, %iota3A, %eq3A_103 : vector<512x8xi32>
    %or3A = arith.ori %eq3A_102, %eq3A_104 : vector<512x8xi1>
    %sub3A_105 = vector.broadcast %broadcast_in_dim3A_79 : vector<512x1xf32> to vector<512x8xf32>
    %sub3A_106 = arith.subf %add3A_77, %sub3A_105 : vector<512x8xf32>
    %exp3A_107 = math.exp %sub3A_106 : vector<512x8xf32>
    %jit3A_108 = arith.constant 0.000000e+00 : f32
    %broadcast_in_dim3A_109 = vector.broadcast %jit3A_108 : f32 to vector<512x8xf32>
    %select_n3A_110 = arith.select %or3A, %exp3A_107, %broadcast_in_dim3A_109 : vector<512x8xi1>, vector<512x8xf32>
    %reduce_sum3A_111 = arith.constant dense<0.000000e+00> : vector<512xf32>
    %reduce_sum3A_112 = vector.multi_reduction <add>, %select_n3A_110, %reduce_sum3A_111 [1] : vector<512x8xf32> to vector<512xf32>
    %broadcast_in_dim3A_113 = vector.shape_cast %reduce_sum3A_112 : vector<512xf32> to vector<512x1xf32>
    %div3A_114 = vector.broadcast %broadcast_in_dim3A_113 : vector<512x1xf32> to vector<512x8xf32>
    %div3A_115 = arith.divf %select_n3A_110, %div3A_114 : vector<512x8xf32>
    %swap3A_116 = arith.constant 0 : index
    %swap3A_117 = arith.constant 0 : index
    %swap3A_118 = vector.load %arg13[%swap3A_116, %swap3A_117] : memref<512x8xf32, #tpu.memory_space<vmem>>, vector<512x8xf32>
    tpu.vector_store %arg13[%swap3A_116, %swap3A_117], %div3A_115 {strides = array<i32>} : memref<512x8xf32, #tpu.memory_space<vmem>>, vector<512x8xf32>,
    %convert_element_type3A_119 = arith.extui %or3A : vector<512x8xi1> to vector<512x8xi32>
    %swap3A_120 = arith.constant 0 : index
    %swap3A_121 = arith.constant 0 : index
    %swap3A_122 = vector.load %arg14[%swap3A_120, %swap3A_121] : memref<512x8xi32, #tpu.memory_space<vmem>>, vector<512x8xi32>
    tpu.vector_store %arg14[%swap3A_120, %swap3A_121], %convert_element_type3A_119 {strides = array<i32>} : memref<512x8xi32, #tpu.memory_space<vmem>>, vector<512x8xi32>,
    return
  }
  func.func @transform_0(%arg0: i32) -> (i32, i32) {
    %c0_i32 = arith.constant 0 : i32
    %c0_i32_0 = arith.constant 0 : i32
    return %arg0, %c0_i32 : i32, i32
  }
  func.func @transform_1(%arg0: i32) -> (i32, i32) {
    %c0_i32 = arith.constant 0 : i32
    %c0_i32_0 = arith.constant 0 : i32
    return %arg0, %c0_i32 : i32, i32
  }
  func.func @transform_2(%arg0: i32) -> (i32, i32) {
    %c0_i32 = arith.constant 0 : i32
    %c0_i32_0 = arith.constant 0 : i32
    %c0_i32_1 = arith.constant 0 : i32
    return %c0_i32, %c0_i32_0 : i32, i32
  }
  func.func @transform_3(%arg0: i32) -> (i32, i32) {
    %c0_i32 = arith.constant 0 : i32
    %c0_i32_0 = arith.constant 0 : i32
    %c0_i32_1 = arith.constant 0 : i32
    return %c0_i32, %c0_i32_0 : i32, i32
  }
  func.func @transform_4(%arg0: i32) -> (i32, i32) {
    %c0_i32 = arith.constant 0 : i32
    %c0_i32_0 = arith.constant 0 : i32
    %c0_i32_1 = arith.constant 0 : i32
    return %c0_i32, %c0_i32_0 : i32, i32
  }
  func.func @transform_5(%arg0: i32) -> (i32, i32) {
    %c0_i32 = arith.constant 0 : i32
    %c0_i32_0 = arith.constant 0 : i32
    %c0_i32_1 = arith.constant 0 : i32
    return %c0_i32, %c0_i32_0 : i32, i32
  }
  func.func @transform_6(%arg0: i32) -> (i32, i32) {
    %c0_i32 = arith.constant 0 : i32
    %c0_i32_0 = arith.constant 0 : i32
    %c0_i32_1 = arith.constant 0 : i32
    return %c0_i32, %c0_i32_0 : i32, i32
  }
  func.func @transform_7(%arg0: i32) -> (i32, i32) {
    %c0_i32 = arith.constant 0 : i32
    %c0_i32_0 = arith.constant 0 : i32
    %c0_i32_1 = arith.constant 0 : i32
    return %c0_i32, %c0_i32_0 : i32, i32
  }
  func.func @transform_8(%arg0: i32) -> (i32, i32) {
    %c0_i32 = arith.constant 0 : i32
    %c0_i32_0 = arith.constant 0 : i32
    %c0_i32_1 = arith.constant 0 : i32
    return %c0_i32, %c0_i32_0 : i32, i32
  }
  func.func @transform_9(%arg0: i32) -> (i32, i32) {
    %c0_i32 = arith.constant 0 : i32
    %c0_i32_0 = arith.constant 0 : i32
    %c0_i32_1 = arith.constant 0 : i32
    return %c0_i32, %c0_i32_0 : i32, i32
  }
  func.func @transform_10(%arg0: i32) -> (i32, i32) {
    %c0_i32 = arith.constant 0 : i32
    %c0_i32_0 = arith.constant 0 : i32
    return %arg0, %c0_i32 : i32, i32
  }
  func.func @transform_11(%arg0: i32) -> (i32, i32) {
    %c0_i32 = arith.constant 0 : i32
    %c0_i32_0 = arith.constant 0 : i32
    return %arg0, %c0_i32 : i32, i32
  }
  func.func @transform_12(%arg0: i32) -> (i32, i32) {
    %c0_i32 = arith.constant 0 : i32
    %c0_i32_0 = arith.constant 0 : i32
    return %arg0, %c0_i32 : i32, i32
  }
  func.func @transform_13(%arg0: i32) -> (i32, i32) {
    %c0_i32 = arith.constant 0 : i32
    %c0_i32_0 = arith.constant 0 : i32
    return %arg0, %c0_i32 : i32, i32
  }
}

module attributes {stable_mosaic.version = 14 : i64} {
  func.func @_gmm_body(%arg0: i32, %arg1: memref<25xi32, #tpu.memory_space<smem>>, %arg2: memref<256x768xbf16, #tpu.memory_space<vmem>>, %arg3: memref<1x768x3072xbf16, #tpu.memory_space<vmem>>, %arg4: memref<1x1x3072xf32, #tpu.memory_space<vmem>>, %arg5: memref<1x3072x768xbf16, #tpu.memory_space<vmem>>, %arg6: memref<1x1x768xf32, #tpu.memory_space<vmem>>, %arg7: memref<256x768xf32, #tpu.memory_space<vmem>>) attributes {dimension_semantics = [#tpu.dimension_semantics<arbitrary>], iteration_bounds = array<i64: 24>, scalar_prefetch = 1 : i64, scratch_operands = 0 : i64, tpu.core_type = #tpu.core_type<tc>, window_params = [{transform_indices = @transform_0, window_bounds = array<i64: 256, 768>}, {transform_indices = @transform_1, window_bounds = array<i64: 1, 768, 3072>}, {transform_indices = @transform_2, window_bounds = array<i64: 1, 1, 3072>}, {transform_indices = @transform_3, window_bounds = array<i64: 1, 3072, 768>}, {transform_indices = @transform_4, window_bounds = array<i64: 1, 1, 768>}, {transform_indices = @transform_5, window_bounds = array<i64: 256, 768>}]} {
    %get3A = arith.constant 24 : index
    %get3A_0 = memref.load %arg1[%get3A] : memref<25xi32, #tpu.memory_space<smem>>
    %lt3A = arith.cmpi slt, %arg0, %get3A_0 : i32
    %convert_element_type3A = arith.extui %lt3A : i1 to i32
    %cond3A = arith.constant 0 : i32
    %cond3A_1 = arith.cmpi ne, %convert_element_type3A, %cond3A : i32
    scf.if %cond3A_1 {
      %get3A_2 = arith.constant 0 : index
      %get3A_3 = arith.constant 0 : index
      %get3A_4 = vector.load %arg2[%get3A_2, %get3A_3] : memref<256x768xbf16, #tpu.memory_space<vmem>>, vector<256x768xbf16>
      %get3A_5 = arith.constant 0 : index
      %get3A_6 = arith.constant 0 : index
      %get3A_7 = arith.constant 0 : index
      %get3A_8 = vector.load %arg3[%get3A_5, %get3A_6, %get3A_7] : memref<1x768x3072xbf16, #tpu.memory_space<vmem>>, vector<1x768x3072xbf16>
      %get3A_9 = vector.shape_cast %get3A_8 : vector<1x768x3072xbf16> to vector<768x3072xbf16>
      %dot_general3A = arith.constant dense<0.000000e+00> : vector<256x3072xf32>
      %dot_general3A_10 = tpu.matmul %get3A_4, %get3A_9, %dot_general3A {dimension_numbers = #tpu.dot_dimension_numbers<[1], [0], [0], [1], [0, 0, 1, 1], [], []>, transpose_lhs_hint = false} : vector<256x768xbf16>, vector<768x3072xbf16>, vector<256x3072xf32> -> vector<256x3072xf32>
      %get3A_11 = arith.constant 0 : index
      %get3A_12 = arith.constant 0 : index
      %get3A_13 = arith.constant 0 : index
      %get3A_14 = vector.load %arg4[%get3A_11, %get3A_12, %get3A_13] : memref<1x1x3072xf32, #tpu.memory_space<vmem>>, vector<1x1x3072xf32>
      %get3A_15 = vector.shape_cast %get3A_14 : vector<1x1x3072xf32> to vector<1x3072xf32>
      %add3A = vector.broadcast %get3A_15 : vector<1x3072xf32> to vector<256x3072xf32>
      %add3A_16 = arith.addf %dot_general3A_10, %add3A : vector<256x3072xf32>
      %mul3A = arith.constant 5.000000e-01 : f32
      %mul3A_17 = vector.broadcast %mul3A : f32 to vector<256x3072xf32>
      %mul3A_18 = arith.mulf %add3A_16, %mul3A_17 : vector<256x3072xf32>
      %mul3A_19 = arith.constant 0.707106769 : f32
      %mul3A_20 = vector.broadcast %mul3A_19 : f32 to vector<256x3072xf32>
      %mul3A_21 = arith.mulf %add3A_16, %mul3A_20 : vector<256x3072xf32>
      %erf3A = math.erf %mul3A_21 : vector<256x3072xf32>
      %add3A_22 = arith.constant 1.000000e+00 : f32
      %add3A_23 = vector.broadcast %add3A_22 : f32 to vector<256x3072xf32>
      %add3A_24 = arith.addf %add3A_23, %erf3A : vector<256x3072xf32>
      %mul3A_25 = arith.mulf %mul3A_18, %add3A_24 : vector<256x3072xf32>
      %convert_element_type3A_26 = arith.truncf %mul3A_25 : vector<256x3072xf32> to vector<256x3072xbf16>
      %get3A_27 = arith.constant 0 : index
      %get3A_28 = arith.constant 0 : index
      %get3A_29 = arith.constant 0 : index
      %get3A_30 = vector.load %arg5[%get3A_27, %get3A_28, %get3A_29] : memref<1x3072x768xbf16, #tpu.memory_space<vmem>>, vector<1x3072x768xbf16>
      %get3A_31 = vector.shape_cast %get3A_30 : vector<1x3072x768xbf16> to vector<3072x768xbf16>
      %dot_general3A_32 = arith.constant dense<0.000000e+00> : vector<256x768xf32>
      %dot_general3A_33 = tpu.matmul %convert_element_type3A_26, %get3A_31, %dot_general3A_32 {dimension_numbers = #tpu.dot_dimension_numbers<[1], [0], [0], [1], [0, 0, 1, 1], [], []>, transpose_lhs_hint = false} : vector<256x3072xbf16>, vector<3072x768xbf16>, vector<256x768xf32> -> vector<256x768xf32>
      %get3A_34 = arith.constant 0 : index
      %get3A_35 = arith.constant 0 : index
      %get3A_36 = arith.constant 0 : index
      %get3A_37 = vector.load %arg6[%get3A_34, %get3A_35, %get3A_36] : memref<1x1x768xf32, #tpu.memory_space<vmem>>, vector<1x1x768xf32>
      %get3A_38 = vector.shape_cast %get3A_37 : vector<1x1x768xf32> to vector<1x768xf32>
      %add3A_39 = vector.broadcast %get3A_38 : vector<1x768xf32> to vector<256x768xf32>
      %add3A_40 = arith.addf %dot_general3A_33, %add3A_39 : vector<256x768xf32>
      %swap3A = arith.constant 0 : index
      %swap3A_41 = arith.constant 0 : index
      %swap3A_42 = vector.load %arg7[%swap3A, %swap3A_41] : memref<256x768xf32, #tpu.memory_space<vmem>>, vector<256x768xf32>
      tpu.vector_store %arg7[%swap3A, %swap3A_41], %add3A_40 {strides = array<i32>} : memref<256x768xf32, #tpu.memory_space<vmem>>, vector<256x768xf32>,
    } else {
    }
    return
  }
  func.func @transform_0(%arg0: i32, %arg1: memref<25xi32, #tpu.memory_space<smem>>) -> (i32, i32) {
    %c0_i32 = arith.constant 0 : i32
    %c0_i32_0 = arith.constant 0 : i32
    return %arg0, %c0_i32 : i32, i32
  }
  func.func @transform_1(%arg0: i32, %arg1: memref<25xi32, #tpu.memory_space<smem>>) -> (i32, i32, i32) {
    %get3A = arith.index_cast %arg0 : i32 to index
    %get3A_0 = memref.load %arg1[%get3A] : memref<25xi32, #tpu.memory_space<smem>>
    %c0_i32 = arith.constant 0 : i32
    %c0_i32_1 = arith.constant 0 : i32
    %c0_i32_2 = arith.constant 0 : i32
    return %get3A_0, %c0_i32, %c0_i32_1 : i32, i32, i32
  }
  func.func @transform_2(%arg0: i32, %arg1: memref<25xi32, #tpu.memory_space<smem>>) -> (i32, i32, i32) {
    %get3A = arith.index_cast %arg0 : i32 to index
    %get3A_0 = memref.load %arg1[%get3A] : memref<25xi32, #tpu.memory_space<smem>>
    %c0_i32 = arith.constant 0 : i32
    %c0_i32_1 = arith.constant 0 : i32
    %c0_i32_2 = arith.constant 0 : i32
    return %get3A_0, %c0_i32, %c0_i32_1 : i32, i32, i32
  }
  func.func @transform_3(%arg0: i32, %arg1: memref<25xi32, #tpu.memory_space<smem>>) -> (i32, i32, i32) {
    %get3A = arith.index_cast %arg0 : i32 to index
    %get3A_0 = memref.load %arg1[%get3A] : memref<25xi32, #tpu.memory_space<smem>>
    %c0_i32 = arith.constant 0 : i32
    %c0_i32_1 = arith.constant 0 : i32
    %c0_i32_2 = arith.constant 0 : i32
    return %get3A_0, %c0_i32, %c0_i32_1 : i32, i32, i32
  }
  func.func @transform_4(%arg0: i32, %arg1: memref<25xi32, #tpu.memory_space<smem>>) -> (i32, i32, i32) {
    %get3A = arith.index_cast %arg0 : i32 to index
    %get3A_0 = memref.load %arg1[%get3A] : memref<25xi32, #tpu.memory_space<smem>>
    %c0_i32 = arith.constant 0 : i32
    %c0_i32_1 = arith.constant 0 : i32
    %c0_i32_2 = arith.constant 0 : i32
    return %get3A_0, %c0_i32, %c0_i32_1 : i32, i32, i32
  }
  func.func @transform_5(%arg0: i32, %arg1: memref<25xi32, #tpu.memory_space<smem>>) -> (i32, i32) {
    %c0_i32 = arith.constant 0 : i32
    %c0_i32_0 = arith.constant 0 : i32
    return %arg0, %c0_i32 : i32, i32
  }
}

module attributes {stable_mosaic.version = 14 : i64} {
  func.func @_combine_body(%arg0: i32, %arg1: memref<512x768xf32, #tpu.memory_space<vmem>>, %arg2: memref<512x1536xf32, #tpu.memory_space<vmem>>, %arg3: memref<512x2xf32, #tpu.memory_space<vmem>>, %arg4: memref<1x768xf32, #tpu.memory_space<vmem>>, %arg5: memref<1x768xf32, #tpu.memory_space<vmem>>, %arg6: memref<512x768xf32, #tpu.memory_space<vmem>>) attributes {dimension_semantics = [#tpu.dimension_semantics<arbitrary>], iteration_bounds = array<i64: 4>, scalar_prefetch = 0 : i64, scratch_operands = 0 : i64, tpu.core_type = #tpu.core_type<tc>, window_params = [{transform_indices = @transform_0, window_bounds = array<i64: 512, 768>}, {transform_indices = @transform_1, window_bounds = array<i64: 512, 1536>}, {transform_indices = @transform_2, window_bounds = array<i64: 512, 2>}, {pipeline_mode = #tpu.pipeline_mode<synchronous>, transform_indices = @transform_3, window_bounds = array<i64: 1, 768>}, {pipeline_mode = #tpu.pipeline_mode<synchronous>, transform_indices = @transform_4, window_bounds = array<i64: 1, 768>}, {transform_indices = @transform_5, window_bounds = array<i64: 512, 768>}]} {
    %get3A = arith.constant 0 : index
    %get3A_0 = arith.constant 0 : index
    %get3A_1 = vector.load %arg2[%get3A, %get3A_0] : memref<512x1536xf32, #tpu.memory_space<vmem>>, vector<512x1536xf32>
    %get3A_2 = arith.constant 0 : index
    %get3A_3 = arith.constant 0 : index
    %get3A_4 = vector.load %arg3[%get3A_2, %get3A_3] : memref<512x2xf32, #tpu.memory_space<vmem>>, vector<512x1xf32>
    %slice3A = vector.extract_strided_slice %get3A_1 {offsets = [0, 0], sizes = [512, 768], strides = [1, 1]} : vector<512x1536xf32> to vector<512x768xf32>
    %mul3A = vector.broadcast %get3A_4 : vector<512x1xf32> to vector<512x768xf32>
    %mul3A_5 = arith.mulf %mul3A, %slice3A : vector<512x768xf32>
    %get3A_6 = arith.constant 0 : index
    %get3A_7 = arith.constant 1 : index
    %get3A_8 = vector.load %arg3[%get3A_6, %get3A_7] : memref<512x2xf32, #tpu.memory_space<vmem>>, vector<512x1xf32>
    %slice3A_9 = vector.extract_strided_slice %get3A_1 {offsets = [0, 768], sizes = [512, 768], strides = [1, 1]} : vector<512x1536xf32> to vector<512x768xf32>
    %mul3A_10 = vector.broadcast %get3A_8 : vector<512x1xf32> to vector<512x768xf32>
    %mul3A_11 = arith.mulf %mul3A_10, %slice3A_9 : vector<512x768xf32>
    %add3A = arith.addf %mul3A_5, %mul3A_11 : vector<512x768xf32>
    %get3A_12 = arith.constant 0 : index
    %get3A_13 = arith.constant 0 : index
    %get3A_14 = vector.load %arg1[%get3A_12, %get3A_13] : memref<512x768xf32, #tpu.memory_space<vmem>>, vector<512x768xf32>
    %get3A_15 = arith.constant 0 : index
    %get3A_16 = arith.constant 0 : index
    %get3A_17 = vector.load %arg4[%get3A_15, %get3A_16] : memref<1x768xf32, #tpu.memory_space<vmem>>, vector<1x768xf32>
    %get3A_18 = arith.constant 0 : index
    %get3A_19 = arith.constant 0 : index
    %get3A_20 = vector.load %arg5[%get3A_18, %get3A_19] : memref<1x768xf32, #tpu.memory_space<vmem>>, vector<1x768xf32>
    %reduce_sum3A = arith.constant dense<0.000000e+00> : vector<512xf32>
    %reduce_sum3A_21 = vector.multi_reduction <add>, %add3A, %reduce_sum3A [1] : vector<512x768xf32> to vector<512xf32>
    %broadcast_in_dim3A = vector.shape_cast %reduce_sum3A_21 : vector<512xf32> to vector<512x1xf32>
    %div3A = arith.constant 7.680000e+02 : f32
    %div3A_22 = vector.broadcast %div3A : f32 to vector<512x1xf32>
    %div3A_23 = arith.divf %broadcast_in_dim3A, %div3A_22 : vector<512x1xf32>
    %sub3A = vector.broadcast %div3A_23 : vector<512x1xf32> to vector<512x768xf32>
    %sub3A_24 = arith.subf %add3A, %sub3A : vector<512x768xf32>
    %integer_pow3A = arith.mulf %sub3A_24, %sub3A_24 : vector<512x768xf32>
    %reduce_sum3A_25 = arith.constant dense<0.000000e+00> : vector<512xf32>
    %reduce_sum3A_26 = vector.multi_reduction <add>, %integer_pow3A, %reduce_sum3A_25 [1] : vector<512x768xf32> to vector<512xf32>
    %broadcast_in_dim3A_27 = vector.shape_cast %reduce_sum3A_26 : vector<512xf32> to vector<512x1xf32>
    %div3A_28 = arith.constant 7.680000e+02 : f32
    %div3A_29 = vector.broadcast %div3A_28 : f32 to vector<512x1xf32>
    %div3A_30 = arith.divf %broadcast_in_dim3A_27, %div3A_29 : vector<512x1xf32>
    %sub3A_31 = vector.broadcast %div3A_23 : vector<512x1xf32> to vector<512x768xf32>
    %sub3A_32 = arith.subf %add3A, %sub3A_31 : vector<512x768xf32>
    %mul3A_33 = vector.broadcast %get3A_17 : vector<1x768xf32> to vector<512x768xf32>
    %mul3A_34 = arith.mulf %mul3A_33, %sub3A_32 : vector<512x768xf32>
    %add3A_35 = arith.constant 9.99999974E-6 : f32
    %add3A_36 = vector.broadcast %add3A_35 : f32 to vector<512x1xf32>
    %add3A_37 = arith.addf %div3A_30, %add3A_36 : vector<512x1xf32>
    %rsqrt3A = math.rsqrt %add3A_37 : vector<512x1xf32>
    %mul3A_38 = vector.broadcast %rsqrt3A : vector<512x1xf32> to vector<512x768xf32>
    %mul3A_39 = arith.mulf %mul3A_34, %mul3A_38 : vector<512x768xf32>
    %add3A_40 = vector.broadcast %get3A_20 : vector<1x768xf32> to vector<512x768xf32>
    %add3A_41 = arith.addf %mul3A_39, %add3A_40 : vector<512x768xf32>
    %add3A_42 = arith.addf %get3A_14, %add3A_41 : vector<512x768xf32>
    %swap3A = arith.constant 0 : index
    %swap3A_43 = arith.constant 0 : index
    %swap3A_44 = vector.load %arg6[%swap3A, %swap3A_43] : memref<512x768xf32, #tpu.memory_space<vmem>>, vector<512x768xf32>
    tpu.vector_store %arg6[%swap3A, %swap3A_43], %add3A_42 {strides = array<i32>} : memref<512x768xf32, #tpu.memory_space<vmem>>, vector<512x768xf32>,
    return
  }
  func.func @transform_0(%arg0: i32) -> (i32, i32) {
    %c0_i32 = arith.constant 0 : i32
    %c0_i32_0 = arith.constant 0 : i32
    return %arg0, %c0_i32 : i32, i32
  }
  func.func @transform_1(%arg0: i32) -> (i32, i32) {
    %c0_i32 = arith.constant 0 : i32
    %c0_i32_0 = arith.constant 0 : i32
    return %arg0, %c0_i32 : i32, i32
  }
  func.func @transform_2(%arg0: i32) -> (i32, i32) {
    %c0_i32 = arith.constant 0 : i32
    %c0_i32_0 = arith.constant 0 : i32
    return %arg0, %c0_i32 : i32, i32
  }
  func.func @transform_3(%arg0: i32) -> (i32, i32) {
    %c0_i32 = arith.constant 0 : i32
    %c0_i32_0 = arith.constant 0 : i32
    %c0_i32_1 = arith.constant 0 : i32
    return %c0_i32, %c0_i32_0 : i32, i32
  }
  func.func @transform_4(%arg0: i32) -> (i32, i32) {
    %c0_i32 = arith.constant 0 : i32
    %c0_i32_0 = arith.constant 0 : i32
    %c0_i32_1 = arith.constant 0 : i32
    return %c0_i32, %c0_i32_0 : i32, i32
  }
  func.func @transform_5(%arg0: i32) -> (i32, i32) {
    %c0_i32 = arith.constant 0 : i32
    %c0_i32_0 = arith.constant 0 : i32
    return %arg0, %c0_i32 : i32, i32
  }
}

</mosaic_0001>

<sc_bundles>
// kernel: gather_offload_async_start.1
scs
__scs_entry_jumppad:
0x0: {  	(pc) =	sbr.rel $0x88, $3  }
0x1: {  	(tag) =	ssettag $0x0;
	lr =	simm.s32 $0x1  }
0x2: {  	[smem:$0x3F8F] =	sst lr;
	_ =	strace $0xD0000000  }
0x3: {  	_ = 	snop  }
0x4: {  	_ = 	snop  }
0x5: {  	_ = 	snop  }
0x6: {  	_ = 	snop  }
0x7: {  	_ = 	snop  }
__scs_overlays_trampoline_lowered:
0x8: {  	[smem:$0x3F9E] =	sst s0  }
0x9: {  	[smem:$0x3F9F] =	sst s1  }
0xa: {  	[smem:$0x3FA0] =	sst s2  }
0xb: {  	[smem:$0x3FA1] =	sst s3  }
0xc: {  	[smem:$0x3FA2] =	sst s4  }
0xd: {  	[smem:$0x3FA3] =	sst s5  }
0xe: {  	[smem:$0x3FA4] =	sst s6  }
0xf: {  	[smem:$0x3FA5] =	sst s7  }
0x10: {  	[smem:$0x3FA6] =	sst s8  }
0x11: {  	[smem:$0x3FA7] =	sst s9;
	s0 =	simm.s32 @!p0 $0x0  }
0x12: {  	s1 =	sld [smem:$0x3F8D];
	s0 =	simm.s32 @p0 $0x1  }
0x13: {  	[smem:$0x3FA8] =	sst s0;
	s0 =	simm.s32 @!p1 $0x0  }
0x14: {  	s2 =	sld [smem:$0x3F8C];
	s0 =	simm.s32 @p1 $0x1  }
0x15: {  	[smem:$0x3FA9] =	sst s0;
	s0 =	simm.s32 @!p2 $0x0  }
0x16: {  	s3 =	sld [smem:$0x3FDB];
	s0 =	simm.s32 @p2 $0x1  }
0x17: {  	s4 =	simm.s32 $0x1BF5;
	[smem:$0x3FAB] =	sst s0  }
0x18: {  	s0 =	sld [smem:$0x3F8E];
	_ =	swait.ge [sflag:s4], $0x0  }
0x19: {  	s7 =	sld [smem:$0x3F8F]  }
0x1a: {  	s8 =	sadd.s32 $0xFFFFE003, lr  }
0x1b: {  	s9 =	sadd.s32 $0xFFFFFEF7, lr;
	s5 =	simm.s32 $0xFFFFFFFF;
	p2 =	slt.u32 s8, $0xFFFFF086  }
0x1c: {  	p1 =	slt.u32 s9, $0xF7A;
	s5 =	simm.s32 @!p2 $0x0  }
0x1d: {  	s5 =	simm.s32 @p1 $0x1;
	p0 =	seq.s32 s7, s2  }
0x1e: {  	s7 =	smul.u32 @!p0 $0xF7A, s2;
	p2 =	seq.s32 @!p0 s5, $0x0  }
0x1f: {  	s9 =	smul.u32 $0xF7A, s1;
	s8 =	simm.s32 @!p0 $0x1BF5;
	p2 =	por !p2, p0  }
0x20: {  	[sflag:s8] =	ssyncset.s32 @!p0 $0xFFFFF086;
	s6 =	sadd.s32 @!p0 s3, s7;
	s7 =	simm.s32 @!p0 $0x108  }
0x21: {  	s3 =	sadd.s32 s3, s9;
	s6 =	sadd.s32 @!p0 $0x88, s6;
	s7 =	simm.s32 @p2 $0x1082  }
0x22: {  	[simem:s7], [sflag:s8] =	dma.local @!p0 [hbm:s6], $0xF7A  }
0x23: {  	s9 =	sor.u32 $0xD0000000, s2;
	s6 =	simm.s32 $0x108;
	_ =	swait.ge @!p0 [sflag:s8], $0x0  }
0x24: {  	s3 =	sadd.s32 $0x88, s3;
	s6 =	simm.s32 @!p1 $0x1082;
	[sflag:s4] =	ssyncset.s32 $0xFFFFF086  }
0x25: {  	[simem:s6], [sflag:s4] =	dma.local [hbm:s3], $0xF7A  }
0x26: {  	[smem:$0x3F8F] =	sst s1;
	(tag) =	ssettag s2;
	_ =	strace s9  }
0x27: {  	s1 =	sld [smem:$0x3F9F]  }
0x28: {  	s2 =	sld [smem:$0x3FA0]  }
0x29: {  	s4 =	sld [smem:$0x3FA2]  }
0x2a: {  	p0 =	seq.s32 s5, $0x0;
	s5 =	sld [smem:$0x3FA3]  }
0x2b: {  	s6 =	sld [smem:$0x3FA4]  }
0x2c: {  	s7 =	sld [smem:$0x3FA5]  }
0x2d: {  	s3 =	simm.s32 $0x108;
	s8 =	sld [smem:$0x3FA6]  }
0x2e: {  	s3 =	simm.s32 @!p0 $0x1082;
	s9 =	sld [smem:$0x3FA7]  }
0x2f: {  	lr =	sadd.s32 s0, s3;
	s0 =	sld [smem:$0x3F9E]  }
0x30: {  	s3 =	sld [smem:$0x3FA1]  }
0x31: {  	[smem:$0x3FAA] =	sst s10  }
0x32: {  	s10 =	sld [smem:$0x3FA8];
	_ =	sdelay $0x3  }
0x33: {  	p0 =	seq.s32 s10, $0x1;
	s10 =	sld [smem:$0x3FAA];
	_ =	sdelay $0x3  }
0x34: {  	[smem:$0x3FAA] =	sst s10  }
0x35: {  	s10 =	sld [smem:$0x3FA9];
	_ =	sdelay $0x3  }
0x36: {  	p1 =	seq.s32 s10, $0x1;
	s10 =	sld [smem:$0x3FAA];
	_ =	sdelay $0x3  }
0x37: {  	[smem:$0x3FAA] =	sst s10  }
0x38: {  	s10 =	sld [smem:$0x3FAB]  }
0x39: {  	_ = 	snop;
	(pc) =	sbr.ind lr, $3  }
0x3a: {  	_ = 	snop  }
0x3b: {  	_ = 	snop  }
0x3c: {  	p2 =	seq.s32 s10, $0x1;
	s10 =	sld [smem:$0x3FAA]  }
0x3d: {  	_ =	shalt  }
0x3e: {  	_ =	shalt  }
0x3f: {  	_ =	shalt  }
0x40: {  	_ =	shalt  }
0x41: {  	_ =	shalt  }
0x42: {  	_ =	shalt  }
0x43: {  	_ =	shalt  }
0x44: {  	_ =	shalt  }
0x45: {  	_ =	shalt  }
0x46: {  	_ =	shalt  }
0x47: {  	_ =	shalt  }
0x48: {  	_ =	shalt  }
0x49: {  	_ =	shalt  }
0x4a: {  	_ =	shalt  }
0x4b: {  	_ =	shalt  }
0x4c: {  	_ =	shalt  }
0x4d: {  	_ =	shalt  }
0x4e: {  	_ =	shalt  }
0x4f: {  	_ =	shalt  }
0x50: {  	_ =	shalt  }
0x51: {  	_ =	shalt  }
0x52: {  	_ =	shalt  }
0x53: {  	_ =	shalt  }
0x54: {  	_ =	shalt  }
0x55: {  	_ =	shalt  }
0x56: {  	_ =	shalt  }
0x57: {  	_ =	shalt  }
0x58: {  	_ =	shalt  }
0x59: {  	_ =	shalt  }
0x5a: {  	_ =	shalt  }
0x5b: {  	_ =	shalt  }
0x5c: {  	_ =	shalt  }
0x5d: {  	_ =	shalt  }
0x5e: {  	_ =	shalt  }
0x5f: {  	_ =	shalt  }
0x60: {  	_ =	shalt  }
0x61: {  	_ =	shalt  }
0x62: {  	_ =	shalt  }
0x63: {  	_ =	shalt  }
0x64: {  	_ =	shalt  }
0x65: {  	_ =	shalt  }
0x66: {  	_ =	shalt  }
0x67: {  	_ =	shalt  }
0x68: {  	_ =	shalt  }
0x69: {  	_ =	shalt  }
0x6a: {  	_ =	shalt  }
0x6b: {  	_ =	shalt  }
0x6c: {  	_ =	shalt  }
0x6d: {  	_ =	shalt  }
0x6e: {  	_ =	shalt  }
0x6f: {  	_ =	shalt  }
0x70: {  	_ =	shalt  }
0x71: {  	_ =	shalt  }
0x72: {  	_ =	shalt  }
0x73: {  	_ =	shalt  }
0x74: {  	_ =	shalt  }
0x75: {  	_ =	shalt  }
0x76: {  	_ =	shalt  }
0x77: {  	_ =	shalt  }
0x78: {  	_ =	shalt  }
0x79: {  	_ =	shalt  }
0x7a: {  	_ =	shalt  }
0x7b: {  	_ =	shalt  }
0x7c: {  	_ =	shalt  }
0x7d: {  	_ =	shalt  }
0x7e: {  	_ =	shalt  }
0x7f: {  	_ =	shalt  }
0x80: {  	_ =	shalt  }
0x81: {  	_ =	shalt  }
0x82: {  	_ =	shalt  }
0x83: {  	_ =	shalt  }
0x84: {  	_ =	shalt  }
0x85: {  	_ =	shalt  }
0x86: {  	_ =	shalt  }
0x87: {  	_ =	shalt  }
.Lfunc_end0:
.L_simem_size_0:
called_computation.1_lowered:
.L_overlay_start_0:
0x88: {  	s2 =	sld [smem:$0x3FD9]  }
0x89: {  	s3 =	sld [smem:$0x3FFE];
	_ =	sdelay $0x1  }
0x8a: {  	s1 =	srdreg.scid  }
0x8b: {  	s0 =	sand.u32 $0x1, s1  }
0x8c: {  	s17 =	sshll.u32 s0, $0xA;
	s2 =	sadd.s32 s3, s2  }
0x8d: {  	s2 =	sadd.s32 s2, s17  }
0x8e: {  	[smem:$0x3FB6] =	sst s2  }
0x8f: {  	_ = 	snop  }
0x90: {  	(tm) =	ssettm $0x1  }
0x91: {  	s18 =	sld [smem:$0x3FFB];
	_ =	sdelay $0x3  }
0x92: {  	_ =	strace s18  }
0x93: {  	s2 =	sld [smem:$0x3FFC];
	_ =	sdelay $0x3  }
0x94: {  	_ =	strace s2  }
0x95: {  	s2 =	sld [smem:$0x3FFD];
	_ =	sdelay $0x3  }
0x96: {  	_ =	strace s2  }
0x97: {  	_ =	strace $0x8FFFFFFF  }
0x98: {  	s19 =	sld [smem:$0x3FDB];
	_ =	sdelay $0x1  }
0x99: {  	s20 =	simm.s32 $_scs_section_size  }
0x9a: {  	s4 =	simm.s32 $_size__tile_overlayer_lowered;
	s5 =	simm.s32 $_tile_overlayer_lowered  }
0x9b: {  	s6 =	simm.s32 $0x1BFF;
	s21 =	sshll.u32 s5, $0x1;
	s3 =	sadd.s32 s20, s19  }
0x9c: {  	s22 =	simm.s32 $0x0;
	s4 =	sshll.u32 s4, $0x1;
	s5 =	sadd.s32 s21, s3  }
0x9d: {  	[timem:s22], [sflag:s6] =	dma.local [hbm:s5], s4  }
0x9e: {  	_ =	swait.ge [sflag:s6], s4  }
0x9f: {  	s4 =	ssub.s32 $0x0, s4;
	[sflag:s6] =	ssyncset.done $0x0  }
0xa0: {  	[sflag:s6] =	ssyncadd.s32 s4;
	_ =	sdelay $0x1  }
0xa1: {  	s23 =	simm.s32 $0x1B8B  }
0xa2: {  	_ =	swait.ge [sflag:s23], $0x1  }
0xa3: {  	[sflag:s23] =	ssyncset.done $0x0  }
0xa4: {  	[sflag:s23] =	ssyncadd.s32 $0xFFFFFFFF  }
0xa5: {  	s4 =	sld [smem:$0x0]  }
0xa6: {  	s5 =	sand.u32 $0xFFFFFFFE, s1  }
0xa7: {  	p0 =	sne.s32 s1, s5  }
0xa8: {  	s5 =	sshll.u32 @p0 s5, $0xE  }
0xa9: {  	s5 =	sadd.s32 @p0 $0x11B8D, s5;
	s6 =	sshll.u32 @p0 s4, $0x11  }
0xaa: {  	s5 =	sor.u32 @p0 s6, s5  }
0xab: {  	[sflag:s5] =	ssyncadd.remote.s32 @p0 $0x1;
	_ =	sdelay $0x1  }
0xac: {  	s5 =	simm.s32 @p0 $0x1B8D  }
0xad: {  	_ =	swait.eq @p0 [sflag:s5], $0x1  }
0xae: {  	[sflag:s5] =	ssyncadd.s32 @p0 $0xFFFFFFFF  }
0xaf: {  	s6 =	sshll.u32 @!p0 s1, $0xE  }
0xb0: {  	s6 =	sor.u32 @!p0 $0x4000, s6;
	s5 =	simm.s32 @!p0 $0x1B8D  }
0xb1: {  	s4 =	sshll.u32 @!p0 s4, $0x11;
	s6 =	sadd.s32 @!p0 $0x11B8D, s6;
	_ =	swait.eq @!p0 [sflag:s5], $0x1  }
0xb2: {  	s4 =	sor.u32 @!p0 s4, s6;
	[sflag:s5] =	ssyncadd.s32 @!p0 $0xFFFFFFFF  }
0xb3: {  	s25 =	simm.s32 $0x1B8E;
	s24 =	sld [smem:$0x3FFE];
	[sflag:s4] =	ssyncadd.remote.s32 @!p0 $0x1  }
0xb4: {  	s26 =	simm.s32 $execute0_lowered;
	[smem:$0x3FD2] =	sst s25  }
0xb5: {  	s5 =	sshll.u32 s26, $0x1;
	_ =	strace $0x80000049;
	[dreg:$0x1] =	wrdreg $0xFFFFFFFF  }
0xb6: {  	s28 =	simm.s32 $_size_execute0_lowered;
	s3 =	sadd.s32 s3, s5;
	[dreg:$0x0] =	wrdreg $0x0  }
0xb7: {  	s5 =	sshll.u32 s28, $0x1;
	[dreg:$0x2] =	wrdreg s3  }
0xb8: {  	[dreg:$0x3] =	wrdreg s5  }
0xb9: {  	[dreg:$0x4] =	wrdreg $0xC0  }
0xba: {  	_ =	task [dreg:s22], $0x5FFFF  }
0xbb: {  	[dreg:$0x1] =	wrdreg $0xFFFFFFFF  }
0xbc: {  	[dreg:$0x0] =	wrdreg $0x60  }
0xbd: {  	[dreg:$0x2] =	wrdreg s24  }
0xbe: {  	[dreg:$0x3] =	wrdreg $0xA  }
0xbf: {  	_ =	task.clear_ibuf [dreg:s22], $0x4FFFF;
	_ =	strace $0x90000049  }
0xc0: {  	s29 =	simm.s32 $0xA;
	_ =	strace $0x8000004B  }
0xc1: {  	_ =	swait.ge [sflag:s29], $0x1  }
0xc2: {  	[sflag:s29] =	ssyncadd.s32 $0xFFFFFFFF  }
0xc3: {  	_ =	strace $0x9000004B  }
0xc4: {  	_ =	sfence  }
0xc5: {  	s30 =	sld [smem:$0x0];
	_ =	sdelay $0x2  }
0xc6: {  	s31 =	sshll.u32 s1, $0xD;
	s1 =	sshrl.u32 s1, $0x2  }
0xc7: {  	s4 =	sand.u32 $0x4000, s31;
	s1 =	sadd.s32 s1, s30  }
0xc8: {  	s0 =	sor.u32 s4, s0;
	s1 =	sshll.u32 s1, $0x11  }
0xc9: {  	s0 =	sor.u32 s1, s0  }
0xca: {  	s0 =	sadd.s32 $0x8F2B, s0  }
0xcb: {  	[sflag:s0] =	ssyncadd.remote.s32 $0x1  }
0xcc: {  	_ =	sfence.sel $0xFFFF  }
0xcd: {  	[dreg:$0x0] =	wrdreg $0xFFFFFFFF;
	(pc) =	sbr.abs _section_cstart, $3  }
0xce: {  	[dreg:$0x1] =	wrdreg $0xFFFFFFFF  }
0xcf: {  	_ =	task.clear_ibuf [dreg:s22], $0x2FFFF;
	_ =	strace $0x9FFFFFFF  }
0xd0: {  	(tm) =	ssettm $0x7FFFFFFF  }
0xd1: {  	_ =	shalt  }
tec
execute0_lowered:
.L_overlay_start_1:
0x0: {  	(tag) =	ssettag $0x1  }
0x1: {  	s1 =	srdreg.scid  }
0x2: {  	s0 =	stileid.u32;
	s8 =	rddreg [dreg:$0x0];
	s5 =	simm.s32 $0x1  }
0x3: {  	s9 =	simm.s32 $0x1;
	s10 =	simm.s32 $0x3;
	s1 =	sshll.u32 s1, $0x5  }
0x4: {  	s13 =	simm.s32 $0x0;
	s2 =	sshll.u32 s0, $0x6;
	s3 =	sand.u32 $0x20, s1  }
0x5: {  	s12 =	simm.s32 $0x0;
	s4 =	sadd.s32 $0x9200, s8;
	s2 =	sor.u32 s2, s3  }
0x6: {  	s1 =	rddreg [dreg:$0x1];
	_ =	strace $0x8000004A;
	s7 =	ssub.s32 $0x800, s2  }
.Ltmp0:
0x7: {  	s3 =	sadd.s32 $0x9400, s8;
	s6 =	sand.u32 $0x3E0, s7;
	(pc) =	sbr.rel .LBB2_1-.Ltmp0, $4  }
0x8: {  	[sflag:s5] =	ssyncpa.u1 $0x0;
	s8 =	sadd.s32 $0x11A00, s8;
	p0 =	sne.s32 s6, $0x0  }
0x9: {  	s7 =	sshrl.u32 s7, $0xA;
	s6 =	simm.s32 $0x2;
	s9 =	simm.s32 @!p0 $0x0  }
0xa: {  	s11 =	smov.u32 s2;
	[sflag:s6] =	ssyncpa.u1 $0x0;
	s7 =	sadd.s32 s9, s7  }
0xb: {  	vm0 =	vmmov $0xffff;
	[sflag:s10] =	ssyncpa.u1 $0x0;
	s10 =	simm.s32 $0x0;
	s9 =	sadd.s32 $0x1, s7  }
.LBB2_5:
0xc: {  	s15 =	sadd.s32 $0x400, s11  }
0xd: {  	p1 =	sgt.s32 s15, $0x7FF  }
0xe: {  	s15 =	smov.u32 @p1 s2;
	p1 =	sne.s32 s12, s9  }
.Ltmp1:
0xf: {  	p0 =	slt.u32 s12, $0x2;
	(pc) =	sbr.rel @!p1 .LBB2_6-.Ltmp1, $4  }
0x10: {  	s14 =	simm.s32 @!p0 $0x3  }
0x11: {  	_ =	swait.ge @!p0 [sflag:s14], $0x20  }
0x12: {  	s16 =	sadd.s32 $0x1, s12;
	s13 =	smov.u32 s11;
	[sflag:s14] =	ssyncset.done @!p0 $0x0  }
0x13: {  	s12 =	smov.u32 s16;
	s11 =	smov.u32 s15;
	[sflag:s14] =	ssyncadd.s32 @!p0 $0xFFFFFFE0  }
.LBB2_1:
0x14: {  	p0 =	sge.u32 s12, s7  }
0x15: {  	s14 =	sxor.u32 @!p0 $0xFFFFFFFF, s12  }
0x16: {  	s31 =	sadd.s32 $0xFFFFFFFF, s12;
	s15 =	sshrl.u32 @!p0 s11, $0x3;
	s14 =	sshll.u32 @!p0 s14, $0x5  }
0x17: {  	s16 =	sand.u32 @!p0 $0x7, s11;
	s15 =	sadd.s32 @!p0 s4, s15;
	s14 =	sand.u32 @!p0 $0x20, s14  }
0x18: {  	[tilespmem:s14], [sflag:$0x2] =	stream.linear.gather @!p0 [hbm4b:s15+s16], $0x20, $0x38;
	[tilespmem:$0x80] =	vst v63  }
0x19: {  	p0 =	sge.u32 s31, s7  }
.Ltmp2:
0x1a: {  	_ = 	snop;
	(pc) =	sbr.rel @p0 .LBB2_5-.Ltmp2, $1  }
0x1b: {  	_ =	sdelay $0x3  }
0x1c: {  	_ =	swait.ge [sflag:s6], $0x20;
	s14 =	sshll.u32 s12, $0x5;
	s16 =	simm.s32 $0x0  }
0x1d: {  	p0 =	por $0x1, $0x1;
	[sflag:s6] =	ssyncset.done $0x0;
	s15 =	sand.u32 $0x20, s14  }
0x1e: {  	[sflag:s6] =	ssyncadd.s32 $0xFFFFFFE0;
	(ifvalue) =	ssetifvalue $0x7FFFFFFF;
	s14 =	sor.u32 $0x40, s15  }
.LBB2_3:
0x1f: {  	s17 =	sadd.s32 s16, s15  }
0x20: {  	v0 =	vld.msk [tilespmem:s17+$0x0 ss:$0x1], $0xffff;
	_ =	sdelay $0x4  }
0x21: {  	v1 =	vshrl.u32 v0, $0xB;
	v2 =	vshll.u32 v0, $0x7  }
0x22: {  	vm1 =	veq.s32 v0, $0x80000000;
	v61 =	vand.u32 $0x7, v1;
	v62 =	vand.u32 $0x3FF80, v2  }
0x23: {  	v0 =	vsel vm1, $0xFFFFFFFF, v61;
	v1 =	vsel vm1, $0xFFFFFF80, v62  }
0x24: {  	v63 =	vand.u32 $0xFFFFFC00, v1;
	v3 =	vand.u32 $0xFFFFFC00, v0  }
0x25: {  	v1 =	vand.u32 $0x380, v1;
	v2 =	vadd.s32 v3, v63  }
0x26: {  	v0 =	vand.u32 $0x7F, v0;
	v1 =	vor.u32 v1, v2  }
0x27: {  	p1 =	por p0, p0;
	v0 =	vor.u32 v0, v1  }
.Ltmp3:
0x28: {  	_ = 	snop;
	(pc) =	sbr.rel @p1 .LBB2_3-.Ltmp3, $4  }
0x29: {  	_ = 	snop  }
0x2a: {  	s31 =	sadd.s32 s16, s14  }
0x2b: {  	s16 =	simm.s32 $0x10;
	p0 =	por $0x0, $0x0;
	(ifvalue) =	ssetifvalue $0x7FFFFFFF  }
0x2c: {  	[tilespmem:s31], [sflag:$0x1] =	stream.indirect_vreg.gather [hbm4b:s3+s10], $0x1, v0, vm0, $0x4038;
	[tilespmem:$0x80] =	vst v63  }
.Ltmp4:
0x2d: {  	(pc) =	sbr.rel .LBB2_5-.Ltmp4, $4  }
0x2e: {  	_ =	swait.ge [sflag:s5], $0x20  }
0x2f: {  	s15 =	sshrl.u32 s13, $0x3;
	[sflag:s5] =	ssyncset.done $0x0  }
0x30: {  	s31 =	sand.u32 $0x7, s13;
	s15 =	sadd.s32 s8, s15;
	[sflag:s5] =	ssyncadd.s32 $0xFFFFFFE0  }
0x31: {  	[hbm4b:s15+s31] =	stream.linear.scatter [tilespmem:s14], [sflag:$0x3], $0x20, $0x38;
	[tilespmem:$0x80] =	vst v63  }
.LBB2_6:
0x32: {  	_ =	sfence.sel $0x180000  }
0x33: {  	s2 =	simm.s32 $0x2;
	[bflag:$0x0] =	sbarrier.arrive $0xFFFF  }
0x34: {  	s30 =	simm.s32 $0x3;
	[sflag:s2] =	ssyncpa.u1 $0x1  }
0x35: {  	s31 =	simm.s32 $0x1;
	[sflag:s30] =	ssyncpa.u1 $0x1  }
0x36: {  	[sflag:s31] =	ssyncpa.u1 $0x1  }
0x37: {  	p0 =	sne.s32 s0, $0x0;
	_ =	strace $0x9000004A  }
0x38: {  	s0 =	sadd.s32 @!p0 $0x100000, s1;
	[bflag:$0x2] =	sbarrier.arrive $0xFFFF  }
0x39: {  	[sflag:s0] =	ssyncadd.tile.s32 @!p0 $0x1;
	_ =	shalt  }
.Lfunc_end2:
_tile_overlayer_lowered:
.L_overlay_start_2:
0x3a: {  	(tag) =	ssettag $0x2  }
0x3b: {  	s0 =	rddreg [dreg:$0x0];
	s2 =	stileid.u32  }
0x3c: {  	s1 =	rddreg [dreg:$0x1];
	p0 =	sne.s32 s2, $0x0  }
0x3d: {  	s3 =	rddreg [dreg:$0x2];
	[bflag:$0x3] =	sbarrier.arrive $0xFFFF;
	s2 =	simm.s32 @!p0 $0x1C01  }
0x3e: {  	[timem:s3], [sflag:s2] =	dma.local @!p0 [hbm:s0], s1  }
0x3f: {  	s0 =	simm.s32 @!p0 $0x1  }
0x40: {  	_ =	swait.ge @!p0 [sflag:s0], s1  }
0x41: {  	s1 =	ssub.s32 @!p0 $0x0, s1;
	[sflag:s0] =	ssyncset.done @!p0 $0x0  }
0x42: {  	[sflag:s0] =	ssyncadd.s32 @!p0 s1  }
0x43: {  	[bflag:$0x3] =	sbarrier.arrive $0xFFFF  }
0x44: {  	_ =	shalt  }

// kernel: gather_offload_async_start.2
scs
__scs_entry_jumppad:
0x0: {  	(pc) =	sbr.rel $0x88, $3  }
0x1: {  	(tag) =	ssettag $0x0;
	lr =	simm.s32 $0x1  }
0x2: {  	[smem:$0x3F8F] =	sst lr;
	_ =	strace $0xD0000000  }
0x3: {  	_ = 	snop  }
0x4: {  	_ = 	snop  }
0x5: {  	_ = 	snop  }
0x6: {  	_ = 	snop  }
0x7: {  	_ = 	snop  }
__scs_overlays_trampoline_lowered:
0x8: {  	[smem:$0x3F9E] =	sst s0  }
0x9: {  	[smem:$0x3F9F] =	sst s1  }
0xa: {  	[smem:$0x3FA0] =	sst s2  }
0xb: {  	[smem:$0x3FA1] =	sst s3  }
0xc: {  	[smem:$0x3FA2] =	sst s4  }
0xd: {  	[smem:$0x3FA3] =	sst s5  }
0xe: {  	[smem:$0x3FA4] =	sst s6  }
0xf: {  	[smem:$0x3FA5] =	sst s7  }
0x10: {  	[smem:$0x3FA6] =	sst s8  }
0x11: {  	[smem:$0x3FA7] =	sst s9;
	s0 =	simm.s32 @!p0 $0x0  }
0x12: {  	s1 =	sld [smem:$0x3F8D];
	s0 =	simm.s32 @p0 $0x1  }
0x13: {  	[smem:$0x3FA8] =	sst s0;
	s0 =	simm.s32 @!p1 $0x0  }
0x14: {  	s2 =	sld [smem:$0x3F8C];
	s0 =	simm.s32 @p1 $0x1  }
0x15: {  	[smem:$0x3FA9] =	sst s0;
	s0 =	simm.s32 @!p2 $0x0  }
0x16: {  	s3 =	sld [smem:$0x3FDB];
	s0 =	simm.s32 @p2 $0x1  }
0x17: {  	s4 =	simm.s32 $0x1BF5;
	[smem:$0x3FAB] =	sst s0  }
0x18: {  	s0 =	sld [smem:$0x3F8E];
	_ =	swait.ge [sflag:s4], $0x0  }
0x19: {  	s7 =	sld [smem:$0x3F8F]  }
0x1a: {  	s8 =	sadd.s32 $0xFFFFE003, lr  }
0x1b: {  	s9 =	sadd.s32 $0xFFFFFEF7, lr;
	s5 =	simm.s32 $0xFFFFFFFF;
	p2 =	slt.u32 s8, $0xFFFFF086  }
0x1c: {  	p1 =	slt.u32 s9, $0xF7A;
	s5 =	simm.s32 @!p2 $0x0  }
0x1d: {  	s5 =	simm.s32 @p1 $0x1;
	p0 =	seq.s32 s7, s2  }
0x1e: {  	s7 =	smul.u32 @!p0 $0xF7A, s2;
	p2 =	seq.s32 @!p0 s5, $0x0  }
0x1f: {  	s9 =	smul.u32 $0xF7A, s1;
	s8 =	simm.s32 @!p0 $0x1BF5;
	p2 =	por !p2, p0  }
0x20: {  	[sflag:s8] =	ssyncset.s32 @!p0 $0xFFFFF086;
	s6 =	sadd.s32 @!p0 s3, s7;
	s7 =	simm.s32 @!p0 $0x108  }
0x21: {  	s3 =	sadd.s32 s3, s9;
	s6 =	sadd.s32 @!p0 $0x88, s6;
	s7 =	simm.s32 @p2 $0x1082  }
0x22: {  	[simem:s7], [sflag:s8] =	dma.local @!p0 [hbm:s6], $0xF7A  }
0x23: {  	s9 =	sor.u32 $0xD0000000, s2;
	s6 =	simm.s32 $0x108;
	_ =	swait.ge @!p0 [sflag:s8], $0x0  }
0x24: {  	s3 =	sadd.s32 $0x88, s3;
	s6 =	simm.s32 @!p1 $0x1082;
	[sflag:s4] =	ssyncset.s32 $0xFFFFF086  }
0x25: {  	[simem:s6], [sflag:s4] =	dma.local [hbm:s3], $0xF7A  }
0x26: {  	[smem:$0x3F8F] =	sst s1;
	(tag) =	ssettag s2;
	_ =	strace s9  }
0x27: {  	s1 =	sld [smem:$0x3F9F]  }
0x28: {  	s2 =	sld [smem:$0x3FA0]  }
0x29: {  	s4 =	sld [smem:$0x3FA2]  }
0x2a: {  	p0 =	seq.s32 s5, $0x0;
	s5 =	sld [smem:$0x3FA3]  }
0x2b: {  	s6 =	sld [smem:$0x3FA4]  }
0x2c: {  	s7 =	sld [smem:$0x3FA5]  }
0x2d: {  	s3 =	simm.s32 $0x108;
	s8 =	sld [smem:$0x3FA6]  }
0x2e: {  	s3 =	simm.s32 @!p0 $0x1082;
	s9 =	sld [smem:$0x3FA7]  }
0x2f: {  	lr =	sadd.s32 s0, s3;
	s0 =	sld [smem:$0x3F9E]  }
0x30: {  	s3 =	sld [smem:$0x3FA1]  }
0x31: {  	[smem:$0x3FAA] =	sst s10  }
0x32: {  	s10 =	sld [smem:$0x3FA8];
	_ =	sdelay $0x3  }
0x33: {  	p0 =	seq.s32 s10, $0x1;
	s10 =	sld [smem:$0x3FAA];
	_ =	sdelay $0x3  }
0x34: {  	[smem:$0x3FAA] =	sst s10  }
0x35: {  	s10 =	sld [smem:$0x3FA9];
	_ =	sdelay $0x3  }
0x36: {  	p1 =	seq.s32 s10, $0x1;
	s10 =	sld [smem:$0x3FAA];
	_ =	sdelay $0x3  }
0x37: {  	[smem:$0x3FAA] =	sst s10  }
0x38: {  	s10 =	sld [smem:$0x3FAB]  }
0x39: {  	_ = 	snop;
	(pc) =	sbr.ind lr, $3  }
0x3a: {  	_ = 	snop  }
0x3b: {  	_ = 	snop  }
0x3c: {  	p2 =	seq.s32 s10, $0x1;
	s10 =	sld [smem:$0x3FAA]  }
0x3d: {  	_ =	shalt  }
0x3e: {  	_ =	shalt  }
0x3f: {  	_ =	shalt  }
0x40: {  	_ =	shalt  }
0x41: {  	_ =	shalt  }
0x42: {  	_ =	shalt  }
0x43: {  	_ =	shalt  }
0x44: {  	_ =	shalt  }
0x45: {  	_ =	shalt  }
0x46: {  	_ =	shalt  }
0x47: {  	_ =	shalt  }
0x48: {  	_ =	shalt  }
0x49: {  	_ =	shalt  }
0x4a: {  	_ =	shalt  }
0x4b: {  	_ =	shalt  }
0x4c: {  	_ =	shalt  }
0x4d: {  	_ =	shalt  }
0x4e: {  	_ =	shalt  }
0x4f: {  	_ =	shalt  }
0x50: {  	_ =	shalt  }
0x51: {  	_ =	shalt  }
0x52: {  	_ =	shalt  }
0x53: {  	_ =	shalt  }
0x54: {  	_ =	shalt  }
0x55: {  	_ =	shalt  }
0x56: {  	_ =	shalt  }
0x57: {  	_ =	shalt  }
0x58: {  	_ =	shalt  }
0x59: {  	_ =	shalt  }
0x5a: {  	_ =	shalt  }
0x5b: {  	_ =	shalt  }
0x5c: {  	_ =	shalt  }
0x5d: {  	_ =	shalt  }
0x5e: {  	_ =	shalt  }
0x5f: {  	_ =	shalt  }
0x60: {  	_ =	shalt  }
0x61: {  	_ =	shalt  }
0x62: {  	_ =	shalt  }
0x63: {  	_ =	shalt  }
0x64: {  	_ =	shalt  }
0x65: {  	_ =	shalt  }
0x66: {  	_ =	shalt  }
0x67: {  	_ =	shalt  }
0x68: {  	_ =	shalt  }
0x69: {  	_ =	shalt  }
0x6a: {  	_ =	shalt  }
0x6b: {  	_ =	shalt  }
0x6c: {  	_ =	shalt  }
0x6d: {  	_ =	shalt  }
0x6e: {  	_ =	shalt  }
0x6f: {  	_ =	shalt  }
0x70: {  	_ =	shalt  }
0x71: {  	_ =	shalt  }
0x72: {  	_ =	shalt  }
0x73: {  	_ =	shalt  }
0x74: {  	_ =	shalt  }
0x75: {  	_ =	shalt  }
0x76: {  	_ =	shalt  }
0x77: {  	_ =	shalt  }
0x78: {  	_ =	shalt  }
0x79: {  	_ =	shalt  }
0x7a: {  	_ =	shalt  }
0x7b: {  	_ =	shalt  }
0x7c: {  	_ =	shalt  }
0x7d: {  	_ =	shalt  }
0x7e: {  	_ =	shalt  }
0x7f: {  	_ =	shalt  }
0x80: {  	_ =	shalt  }
0x81: {  	_ =	shalt  }
0x82: {  	_ =	shalt  }
0x83: {  	_ =	shalt  }
0x84: {  	_ =	shalt  }
0x85: {  	_ =	shalt  }
0x86: {  	_ =	shalt  }
0x87: {  	_ =	shalt  }
.Lfunc_end0:
.L_simem_size_0:
called_computation.2_lowered:
.L_overlay_start_0:
0x88: {  	s2 =	sld [smem:$0x3FD9]  }
0x89: {  	s3 =	sld [smem:$0x3FFE];
	_ =	sdelay $0x1  }
0x8a: {  	s1 =	srdreg.scid  }
0x8b: {  	s0 =	sand.u32 $0x1, s1  }
0x8c: {  	s17 =	sshll.u32 s0, $0xA;
	s2 =	sadd.s32 s3, s2  }
0x8d: {  	s2 =	sadd.s32 s2, s17  }
0x8e: {  	[smem:$0x3FB6] =	sst s2  }
0x8f: {  	_ = 	snop  }
0x90: {  	(tm) =	ssettm $0x1  }
0x91: {  	s18 =	sld [smem:$0x3FFB];
	_ =	sdelay $0x3  }
0x92: {  	_ =	strace s18  }
0x93: {  	s2 =	sld [smem:$0x3FFC];
	_ =	sdelay $0x3  }
0x94: {  	_ =	strace s2  }
0x95: {  	s2 =	sld [smem:$0x3FFD];
	_ =	sdelay $0x3  }
0x96: {  	_ =	strace s2  }
0x97: {  	_ =	strace $0x8FFFFFFF  }
0x98: {  	s19 =	sld [smem:$0x3FDB];
	_ =	sdelay $0x1  }
0x99: {  	s20 =	simm.s32 $_scs_section_size  }
0x9a: {  	s4 =	simm.s32 $_size__tile_overlayer_lowered;
	s5 =	simm.s32 $_tile_overlayer_lowered  }
0x9b: {  	s6 =	simm.s32 $0x1BFF;
	s21 =	sshll.u32 s5, $0x1;
	s3 =	sadd.s32 s20, s19  }
0x9c: {  	s22 =	simm.s32 $0x0;
	s4 =	sshll.u32 s4, $0x1;
	s5 =	sadd.s32 s21, s3  }
0x9d: {  	[timem:s22], [sflag:s6] =	dma.local [hbm:s5], s4  }
0x9e: {  	_ =	swait.ge [sflag:s6], s4  }
0x9f: {  	s4 =	ssub.s32 $0x0, s4;
	[sflag:s6] =	ssyncset.done $0x0  }
0xa0: {  	[sflag:s6] =	ssyncadd.s32 s4;
	_ =	sdelay $0x1  }
0xa1: {  	s23 =	simm.s32 $0x1B8B  }
0xa2: {  	_ =	swait.ge [sflag:s23], $0x1  }
0xa3: {  	[sflag:s23] =	ssyncset.done $0x0  }
0xa4: {  	[sflag:s23] =	ssyncadd.s32 $0xFFFFFFFF  }
0xa5: {  	s4 =	sld [smem:$0x0]  }
0xa6: {  	s5 =	sand.u32 $0xFFFFFFFE, s1  }
0xa7: {  	p0 =	sne.s32 s1, s5  }
0xa8: {  	s5 =	sshll.u32 @p0 s5, $0xE  }
0xa9: {  	s5 =	sadd.s32 @p0 $0x11B8D, s5;
	s6 =	sshll.u32 @p0 s4, $0x11  }
0xaa: {  	s5 =	sor.u32 @p0 s6, s5  }
0xab: {  	[sflag:s5] =	ssyncadd.remote.s32 @p0 $0x1;
	_ =	sdelay $0x1  }
0xac: {  	s5 =	simm.s32 @p0 $0x1B8D  }
0xad: {  	_ =	swait.eq @p0 [sflag:s5], $0x1  }
0xae: {  	[sflag:s5] =	ssyncadd.s32 @p0 $0xFFFFFFFF  }
0xaf: {  	s6 =	sshll.u32 @!p0 s1, $0xE  }
0xb0: {  	s6 =	sor.u32 @!p0 $0x4000, s6;
	s5 =	simm.s32 @!p0 $0x1B8D  }
0xb1: {  	s4 =	sshll.u32 @!p0 s4, $0x11;
	s6 =	sadd.s32 @!p0 $0x11B8D, s6;
	_ =	swait.eq @!p0 [sflag:s5], $0x1  }
0xb2: {  	s4 =	sor.u32 @!p0 s4, s6;
	[sflag:s5] =	ssyncadd.s32 @!p0 $0xFFFFFFFF  }
0xb3: {  	s25 =	simm.s32 $0x1B8E;
	s24 =	sld [smem:$0x3FFE];
	[sflag:s4] =	ssyncadd.remote.s32 @!p0 $0x1  }
0xb4: {  	s26 =	simm.s32 $execute0_lowered;
	[smem:$0x3FD2] =	sst s25  }
0xb5: {  	s5 =	sshll.u32 s26, $0x1;
	_ =	strace $0x80000052;
	[dreg:$0x1] =	wrdreg $0xFFFFFFFF  }
0xb6: {  	s28 =	simm.s32 $_size_execute0_lowered;
	s3 =	sadd.s32 s3, s5;
	[dreg:$0x0] =	wrdreg $0x0  }
0xb7: {  	s5 =	sshll.u32 s28, $0x1;
	[dreg:$0x2] =	wrdreg s3  }
0xb8: {  	[dreg:$0x3] =	wrdreg s5  }
0xb9: {  	[dreg:$0x4] =	wrdreg $0xC0  }
0xba: {  	_ =	task [dreg:s22], $0x5FFFF  }
0xbb: {  	[dreg:$0x1] =	wrdreg $0xFFFFFFFF  }
0xbc: {  	[dreg:$0x0] =	wrdreg $0x60  }
0xbd: {  	[dreg:$0x2] =	wrdreg s24  }
0xbe: {  	[dreg:$0x3] =	wrdreg $0x9  }
0xbf: {  	_ =	task.clear_ibuf [dreg:s22], $0x4FFFF;
	_ =	strace $0x90000052  }
0xc0: {  	s29 =	simm.s32 $0x9;
	_ =	strace $0x80000054  }
0xc1: {  	_ =	swait.ge [sflag:s29], $0x1  }
0xc2: {  	[sflag:s29] =	ssyncadd.s32 $0xFFFFFFFF  }
0xc3: {  	_ =	strace $0x90000054  }
0xc4: {  	_ =	sfence  }
0xc5: {  	s30 =	sld [smem:$0x0];
	_ =	sdelay $0x2  }
0xc6: {  	s31 =	sshll.u32 s1, $0xD;
	s1 =	sshrl.u32 s1, $0x2  }
0xc7: {  	s4 =	sand.u32 $0x4000, s31;
	s1 =	sadd.s32 s1, s30  }
0xc8: {  	s0 =	sor.u32 s4, s0;
	s1 =	sshll.u32 s1, $0x11  }
0xc9: {  	s0 =	sor.u32 s1, s0  }
0xca: {  	s0 =	sadd.s32 $0x8F2B, s0  }
0xcb: {  	[sflag:s0] =	ssyncadd.remote.s32 $0x1  }
0xcc: {  	_ =	sfence.sel $0xFFFF  }
0xcd: {  	[dreg:$0x0] =	wrdreg $0xFFFFFFFF;
	(pc) =	sbr.abs _section_cstart, $3  }
0xce: {  	[dreg:$0x1] =	wrdreg $0xFFFFFFFF  }
0xcf: {  	_ =	task.clear_ibuf [dreg:s22], $0x2FFFF;
	_ =	strace $0x9FFFFFFF  }
0xd0: {  	(tm) =	ssettm $0x7FFFFFFF  }
0xd1: {  	_ =	shalt  }
tec
execute0_lowered:
.L_overlay_start_1:
0x0: {  	(tag) =	ssettag $0x1  }
0x1: {  	s1 =	srdreg.scid  }
0x2: {  	s0 =	stileid.u32;
	s8 =	rddreg [dreg:$0x0];
	s5 =	simm.s32 $0x1  }
0x3: {  	s9 =	simm.s32 $0x1;
	s10 =	simm.s32 $0x3;
	s1 =	sshll.u32 s1, $0x5  }
0x4: {  	s13 =	simm.s32 $0x0;
	s2 =	sshll.u32 s0, $0x6;
	s3 =	sand.u32 $0x20, s1  }
0x5: {  	s12 =	simm.s32 $0x0;
	s4 =	sadd.s32 $0x9000, s8;
	s2 =	sor.u32 s2, s3  }
0x6: {  	s1 =	rddreg [dreg:$0x1];
	_ =	strace $0x80000053;
	s7 =	ssub.s32 $0x800, s2  }
.Ltmp0:
0x7: {  	s3 =	sadd.s32 $0x1000, s8;
	s6 =	sand.u32 $0x3E0, s7;
	(pc) =	sbr.rel .LBB2_1-.Ltmp0, $4  }
0x8: {  	[sflag:s5] =	ssyncpa.u1 $0x0;
	s8 =	sadd.s32 $0x9600, s8;
	p0 =	sne.s32 s6, $0x0  }
0x9: {  	s7 =	sshrl.u32 s7, $0xA;
	s6 =	simm.s32 $0x2;
	s9 =	simm.s32 @!p0 $0x0  }
0xa: {  	s11 =	smov.u32 s2;
	[sflag:s6] =	ssyncpa.u1 $0x0;
	s7 =	sadd.s32 s9, s7  }
0xb: {  	vm0 =	vmmov $0xffff;
	[sflag:s10] =	ssyncpa.u1 $0x0;
	s10 =	simm.s32 $0x0;
	s9 =	sadd.s32 $0x1, s7  }
.LBB2_5:
0xc: {  	s15 =	sadd.s32 $0x400, s11  }
0xd: {  	p1 =	sgt.s32 s15, $0x7FF  }
0xe: {  	s15 =	smov.u32 @p1 s2;
	p1 =	sne.s32 s12, s9  }
.Ltmp1:
0xf: {  	p0 =	slt.u32 s12, $0x2;
	(pc) =	sbr.rel @!p1 .LBB2_6-.Ltmp1, $4  }
0x10: {  	s14 =	simm.s32 @!p0 $0x3  }
0x11: {  	_ =	swait.ge @!p0 [sflag:s14], $0x20  }
0x12: {  	s16 =	sadd.s32 $0x1, s12;
	s13 =	smov.u32 s11;
	[sflag:s14] =	ssyncset.done @!p0 $0x0  }
0x13: {  	s12 =	smov.u32 s16;
	s11 =	smov.u32 s15;
	[sflag:s14] =	ssyncadd.s32 @!p0 $0xFFFFFFE0  }
.LBB2_1:
0x14: {  	p0 =	sge.u32 s12, s7  }
0x15: {  	s14 =	sxor.u32 @!p0 $0xFFFFFFFF, s12  }
0x16: {  	s31 =	sadd.s32 $0xFFFFFFFF, s12;
	s15 =	sshrl.u32 @!p0 s11, $0x3;
	s14 =	sshll.u32 @!p0 s14, $0x5  }
0x17: {  	s16 =	sand.u32 @!p0 $0x7, s11;
	s15 =	sadd.s32 @!p0 s4, s15;
	s14 =	sand.u32 @!p0 $0x20, s14  }
0x18: {  	[tilespmem:s14], [sflag:$0x2] =	stream.linear.gather @!p0 [hbm4b:s15+s16], $0x20, $0x38;
	[tilespmem:$0x80] =	vst v63  }
0x19: {  	p0 =	sge.u32 s31, s7  }
.Ltmp2:
0x1a: {  	_ = 	snop;
	(pc) =	sbr.rel @p0 .LBB2_5-.Ltmp2, $1  }
0x1b: {  	_ =	sdelay $0x3  }
0x1c: {  	_ =	swait.ge [sflag:s6], $0x20;
	s14 =	sshll.u32 s12, $0x5;
	s16 =	simm.s32 $0x0  }
0x1d: {  	p0 =	por $0x1, $0x1;
	[sflag:s6] =	ssyncset.done $0x0;
	s15 =	sand.u32 $0x20, s14  }
0x1e: {  	[sflag:s6] =	ssyncadd.s32 $0xFFFFFFE0;
	(ifvalue) =	ssetifvalue $0x7FFFFFFF;
	s14 =	sor.u32 $0x40, s15  }
.LBB2_3:
0x1f: {  	s17 =	sadd.s32 s16, s15  }
0x20: {  	v0 =	vld.msk [tilespmem:s17+$0x0 ss:$0x1], $0xffff;
	_ =	sdelay $0x4  }
0x21: {  	v1 =	vshrl.u32 v0, $0xB;
	v2 =	vshll.u32 v0, $0x7  }
0x22: {  	vm1 =	veq.s32 v0, $0x80000000;
	v61 =	vand.u32 $0x7, v1;
	v62 =	vand.u32 $0x3FF80, v2  }
0x23: {  	v0 =	vsel vm1, $0xFFFFFFFF, v61;
	v1 =	vsel vm1, $0xFFFFFF80, v62  }
0x24: {  	v63 =	vand.u32 $0xFFFFFC00, v1;
	v3 =	vand.u32 $0xFFFFFC00, v0  }
0x25: {  	v1 =	vand.u32 $0x380, v1;
	v2 =	vadd.s32 v3, v63  }
0x26: {  	v0 =	vand.u32 $0x7F, v0;
	v1 =	vor.u32 v1, v2  }
0x27: {  	p1 =	por p0, p0;
	v0 =	vor.u32 v0, v1  }
.Ltmp3:
0x28: {  	_ = 	snop;
	(pc) =	sbr.rel @p1 .LBB2_3-.Ltmp3, $4  }
0x29: {  	_ = 	snop  }
0x2a: {  	s31 =	sadd.s32 s16, s14  }
0x2b: {  	s16 =	simm.s32 $0x10;
	p0 =	por $0x0, $0x0;
	(ifvalue) =	ssetifvalue $0x7FFFFFFF  }
0x2c: {  	[tilespmem:s31], [sflag:$0x1] =	stream.indirect_vreg.gather [hbm4b:s3+s10], $0x1, v0, vm0, $0x4038;
	[tilespmem:$0x80] =	vst v63  }
.Ltmp4:
0x2d: {  	(pc) =	sbr.rel .LBB2_5-.Ltmp4, $4  }
0x2e: {  	_ =	swait.ge [sflag:s5], $0x20  }
0x2f: {  	s15 =	sshrl.u32 s13, $0x3;
	[sflag:s5] =	ssyncset.done $0x0  }
0x30: {  	s31 =	sand.u32 $0x7, s13;
	s15 =	sadd.s32 s8, s15;
	[sflag:s5] =	ssyncadd.s32 $0xFFFFFFE0  }
0x31: {  	[hbm4b:s15+s31] =	stream.linear.scatter [tilespmem:s14], [sflag:$0x3], $0x20, $0x38;
	[tilespmem:$0x80] =	vst v63  }
.LBB2_6:
0x32: {  	_ =	sfence.sel $0x180000  }
0x33: {  	s2 =	simm.s32 $0x2;
	[bflag:$0x0] =	sbarrier.arrive $0xFFFF  }
0x34: {  	s30 =	simm.s32 $0x3;
	[sflag:s2] =	ssyncpa.u1 $0x1  }
0x35: {  	s31 =	simm.s32 $0x1;
	[sflag:s30] =	ssyncpa.u1 $0x1  }
0x36: {  	[sflag:s31] =	ssyncpa.u1 $0x1  }
0x37: {  	p0 =	sne.s32 s0, $0x0;
	_ =	strace $0x90000053  }
0x38: {  	s0 =	sadd.s32 @!p0 $0x100000, s1;
	[bflag:$0x2] =	sbarrier.arrive $0xFFFF  }
0x39: {  	[sflag:s0] =	ssyncadd.tile.s32 @!p0 $0x1;
	_ =	shalt  }
.Lfunc_end2:
_tile_overlayer_lowered:
.L_overlay_start_2:
0x3a: {  	(tag) =	ssettag $0x2  }
0x3b: {  	s0 =	rddreg [dreg:$0x0];
	s2 =	stileid.u32  }
0x3c: {  	s1 =	rddreg [dreg:$0x1];
	p0 =	sne.s32 s2, $0x0  }
0x3d: {  	s3 =	rddreg [dreg:$0x2];
	[bflag:$0x3] =	sbarrier.arrive $0xFFFF;
	s2 =	simm.s32 @!p0 $0x1C01  }
0x3e: {  	[timem:s3], [sflag:s2] =	dma.local @!p0 [hbm:s0], s1  }
0x3f: {  	s0 =	simm.s32 @!p0 $0x1  }
0x40: {  	_ =	swait.ge @!p0 [sflag:s0], s1  }
0x41: {  	s1 =	ssub.s32 @!p0 $0x0, s1;
	[sflag:s0] =	ssyncset.done @!p0 $0x0  }
0x42: {  	[sflag:s0] =	ssyncadd.s32 @!p0 s1  }
0x43: {  	[bflag:$0x3] =	sbarrier.arrive $0xFFFF  }
0x44: {  	_ =	shalt  }

// kernel: gather_offload_async_start.3
scs
__scs_entry_jumppad:
0x0: {  	(pc) =	sbr.rel $0x88, $3  }
0x1: {  	(tag) =	ssettag $0x0;
	lr =	simm.s32 $0x1  }
0x2: {  	[smem:$0x3F8F] =	sst lr;
	_ =	strace $0xD0000000  }
0x3: {  	_ = 	snop  }
0x4: {  	_ = 	snop  }
0x5: {  	_ = 	snop  }
0x6: {  	_ = 	snop  }
0x7: {  	_ = 	snop  }
__scs_overlays_trampoline_lowered:
0x8: {  	[smem:$0x3F9E] =	sst s0  }
0x9: {  	[smem:$0x3F9F] =	sst s1  }
0xa: {  	[smem:$0x3FA0] =	sst s2  }
0xb: {  	[smem:$0x3FA1] =	sst s3  }
0xc: {  	[smem:$0x3FA2] =	sst s4  }
0xd: {  	[smem:$0x3FA3] =	sst s5  }
0xe: {  	[smem:$0x3FA4] =	sst s6  }
0xf: {  	[smem:$0x3FA5] =	sst s7  }
0x10: {  	[smem:$0x3FA6] =	sst s8  }
0x11: {  	[smem:$0x3FA7] =	sst s9;
	s0 =	simm.s32 @!p0 $0x0  }
0x12: {  	s1 =	sld [smem:$0x3F8D];
	s0 =	simm.s32 @p0 $0x1  }
0x13: {  	[smem:$0x3FA8] =	sst s0;
	s0 =	simm.s32 @!p1 $0x0  }
0x14: {  	s2 =	sld [smem:$0x3F8C];
	s0 =	simm.s32 @p1 $0x1  }
0x15: {  	[smem:$0x3FA9] =	sst s0;
	s0 =	simm.s32 @!p2 $0x0  }
0x16: {  	s3 =	sld [smem:$0x3FDB];
	s0 =	simm.s32 @p2 $0x1  }
0x17: {  	s4 =	simm.s32 $0x1BF5;
	[smem:$0x3FAB] =	sst s0  }
0x18: {  	s0 =	sld [smem:$0x3F8E];
	_ =	swait.ge [sflag:s4], $0x0  }
0x19: {  	s7 =	sld [smem:$0x3F8F]  }
0x1a: {  	s8 =	sadd.s32 $0xFFFFE003, lr  }
0x1b: {  	s9 =	sadd.s32 $0xFFFFFEF7, lr;
	s5 =	simm.s32 $0xFFFFFFFF;
	p2 =	slt.u32 s8, $0xFFFFF086  }
0x1c: {  	p1 =	slt.u32 s9, $0xF7A;
	s5 =	simm.s32 @!p2 $0x0  }
0x1d: {  	s5 =	simm.s32 @p1 $0x1;
	p0 =	seq.s32 s7, s2  }
0x1e: {  	s7 =	smul.u32 @!p0 $0xF7A, s2;
	p2 =	seq.s32 @!p0 s5, $0x0  }
0x1f: {  	s9 =	smul.u32 $0xF7A, s1;
	s8 =	simm.s32 @!p0 $0x1BF5;
	p2 =	por !p2, p0  }
0x20: {  	[sflag:s8] =	ssyncset.s32 @!p0 $0xFFFFF086;
	s6 =	sadd.s32 @!p0 s3, s7;
	s7 =	simm.s32 @!p0 $0x108  }
0x21: {  	s3 =	sadd.s32 s3, s9;
	s6 =	sadd.s32 @!p0 $0x88, s6;
	s7 =	simm.s32 @p2 $0x1082  }
0x22: {  	[simem:s7], [sflag:s8] =	dma.local @!p0 [hbm:s6], $0xF7A  }
0x23: {  	s9 =	sor.u32 $0xD0000000, s2;
	s6 =	simm.s32 $0x108;
	_ =	swait.ge @!p0 [sflag:s8], $0x0  }
0x24: {  	s3 =	sadd.s32 $0x88, s3;
	s6 =	simm.s32 @!p1 $0x1082;
	[sflag:s4] =	ssyncset.s32 $0xFFFFF086  }
0x25: {  	[simem:s6], [sflag:s4] =	dma.local [hbm:s3], $0xF7A  }
0x26: {  	[smem:$0x3F8F] =	sst s1;
	(tag) =	ssettag s2;
	_ =	strace s9  }
0x27: {  	s1 =	sld [smem:$0x3F9F]  }
0x28: {  	s2 =	sld [smem:$0x3FA0]  }
0x29: {  	s4 =	sld [smem:$0x3FA2]  }
0x2a: {  	p0 =	seq.s32 s5, $0x0;
	s5 =	sld [smem:$0x3FA3]  }
0x2b: {  	s6 =	sld [smem:$0x3FA4]  }
0x2c: {  	s7 =	sld [smem:$0x3FA5]  }
0x2d: {  	s3 =	simm.s32 $0x108;
	s8 =	sld [smem:$0x3FA6]  }
0x2e: {  	s3 =	simm.s32 @!p0 $0x1082;
	s9 =	sld [smem:$0x3FA7]  }
0x2f: {  	lr =	sadd.s32 s0, s3;
	s0 =	sld [smem:$0x3F9E]  }
0x30: {  	s3 =	sld [smem:$0x3FA1]  }
0x31: {  	[smem:$0x3FAA] =	sst s10  }
0x32: {  	s10 =	sld [smem:$0x3FA8];
	_ =	sdelay $0x3  }
0x33: {  	p0 =	seq.s32 s10, $0x1;
	s10 =	sld [smem:$0x3FAA];
	_ =	sdelay $0x3  }
0x34: {  	[smem:$0x3FAA] =	sst s10  }
0x35: {  	s10 =	sld [smem:$0x3FA9];
	_ =	sdelay $0x3  }
0x36: {  	p1 =	seq.s32 s10, $0x1;
	s10 =	sld [smem:$0x3FAA];
	_ =	sdelay $0x3  }
0x37: {  	[smem:$0x3FAA] =	sst s10  }
0x38: {  	s10 =	sld [smem:$0x3FAB]  }
0x39: {  	_ = 	snop;
	(pc) =	sbr.ind lr, $3  }
0x3a: {  	_ = 	snop  }
0x3b: {  	_ = 	snop  }
0x3c: {  	p2 =	seq.s32 s10, $0x1;
	s10 =	sld [smem:$0x3FAA]  }
0x3d: {  	_ =	shalt  }
0x3e: {  	_ =	shalt  }
0x3f: {  	_ =	shalt  }
0x40: {  	_ =	shalt  }
0x41: {  	_ =	shalt  }
0x42: {  	_ =	shalt  }
0x43: {  	_ =	shalt  }
0x44: {  	_ =	shalt  }
0x45: {  	_ =	shalt  }
0x46: {  	_ =	shalt  }
0x47: {  	_ =	shalt  }
0x48: {  	_ =	shalt  }
0x49: {  	_ =	shalt  }
0x4a: {  	_ =	shalt  }
0x4b: {  	_ =	shalt  }
0x4c: {  	_ =	shalt  }
0x4d: {  	_ =	shalt  }
0x4e: {  	_ =	shalt  }
0x4f: {  	_ =	shalt  }
0x50: {  	_ =	shalt  }
0x51: {  	_ =	shalt  }
0x52: {  	_ =	shalt  }
0x53: {  	_ =	shalt  }
0x54: {  	_ =	shalt  }
0x55: {  	_ =	shalt  }
0x56: {  	_ =	shalt  }
0x57: {  	_ =	shalt  }
0x58: {  	_ =	shalt  }
0x59: {  	_ =	shalt  }
0x5a: {  	_ =	shalt  }
0x5b: {  	_ =	shalt  }
0x5c: {  	_ =	shalt  }
0x5d: {  	_ =	shalt  }
0x5e: {  	_ =	shalt  }
0x5f: {  	_ =	shalt  }
0x60: {  	_ =	shalt  }
0x61: {  	_ =	shalt  }
0x62: {  	_ =	shalt  }
0x63: {  	_ =	shalt  }
0x64: {  	_ =	shalt  }
0x65: {  	_ =	shalt  }
0x66: {  	_ =	shalt  }
0x67: {  	_ =	shalt  }
0x68: {  	_ =	shalt  }
0x69: {  	_ =	shalt  }
0x6a: {  	_ =	shalt  }
0x6b: {  	_ =	shalt  }
0x6c: {  	_ =	shalt  }
0x6d: {  	_ =	shalt  }
0x6e: {  	_ =	shalt  }
0x6f: {  	_ =	shalt  }
0x70: {  	_ =	shalt  }
0x71: {  	_ =	shalt  }
0x72: {  	_ =	shalt  }
0x73: {  	_ =	shalt  }
0x74: {  	_ =	shalt  }
0x75: {  	_ =	shalt  }
0x76: {  	_ =	shalt  }
0x77: {  	_ =	shalt  }
0x78: {  	_ =	shalt  }
0x79: {  	_ =	shalt  }
0x7a: {  	_ =	shalt  }
0x7b: {  	_ =	shalt  }
0x7c: {  	_ =	shalt  }
0x7d: {  	_ =	shalt  }
0x7e: {  	_ =	shalt  }
0x7f: {  	_ =	shalt  }
0x80: {  	_ =	shalt  }
0x81: {  	_ =	shalt  }
0x82: {  	_ =	shalt  }
0x83: {  	_ =	shalt  }
0x84: {  	_ =	shalt  }
0x85: {  	_ =	shalt  }
0x86: {  	_ =	shalt  }
0x87: {  	_ =	shalt  }
.Lfunc_end0:
.L_simem_size_0:
called_computation.3_lowered:
.L_overlay_start_0:
0x88: {  	s2 =	sld [smem:$0x3FD9]  }
0x89: {  	s3 =	sld [smem:$0x3FFE];
	_ =	sdelay $0x1  }
0x8a: {  	s1 =	srdreg.scid  }
0x8b: {  	s0 =	sand.u32 $0x1, s1  }
0x8c: {  	s16 =	sshll.u32 s0, $0xA;
	s2 =	sadd.s32 s3, s2  }
0x8d: {  	s2 =	sadd.s32 s2, s16  }
0x8e: {  	[smem:$0x3FB6] =	sst s2  }
0x8f: {  	_ = 	snop  }
0x90: {  	(tm) =	ssettm $0x1  }
0x91: {  	s17 =	sld [smem:$0x3FFB];
	_ =	sdelay $0x3  }
0x92: {  	_ =	strace s17  }
0x93: {  	s2 =	sld [smem:$0x3FFC];
	_ =	sdelay $0x3  }
0x94: {  	_ =	strace s2  }
0x95: {  	s2 =	sld [smem:$0x3FFD];
	_ =	sdelay $0x3  }
0x96: {  	_ =	strace s2  }
0x97: {  	_ =	strace $0x8FFFFFFF  }
0x98: {  	s18 =	sld [smem:$0x3FDB];
	_ =	sdelay $0x1  }
0x99: {  	s19 =	simm.s32 $_scs_section_size  }
0x9a: {  	s4 =	simm.s32 $_size__tile_overlayer_lowered;
	s5 =	simm.s32 $_tile_overlayer_lowered  }
0x9b: {  	s22 =	simm.s32 $0x1BFF;
	s21 =	sshll.u32 s5, $0x1;
	s2 =	sadd.s32 s19, s18  }
0x9c: {  	s6 =	simm.s32 $0x0;
	s20 =	sshll.u32 s4, $0x1;
	s4 =	sadd.s32 s21, s2  }
0x9d: {  	[timem:s6], [sflag:s22] =	dma.local [hbm:s4], s20  }
0x9e: {  	_ =	swait.ge [sflag:s22], s20  }
0x9f: {  	s3 =	ssub.s32 $0x0, s20;
	[sflag:s22] =	ssyncset.done $0x0  }
0xa0: {  	[sflag:s22] =	ssyncadd.s32 s3;
	_ =	sdelay $0x1  }
0xa1: {  	s23 =	simm.s32 $0x1B8B  }
0xa2: {  	_ =	swait.ge [sflag:s23], $0x1  }
0xa3: {  	[sflag:s23] =	ssyncset.done $0x0  }
0xa4: {  	s25 =	simm.s32 $0x1B8E;
	s24 =	sld [smem:$0x3FFE];
	[sflag:s23] =	ssyncadd.s32 $0xFFFFFFFF  }
0xa5: {  	s26 =	simm.s32 $execute0_lowered;
	[smem:$0x3FD2] =	sst s25  }
0xa6: {  	s4 =	sshll.u32 s26, $0x1;
	_ =	strace $0x8000004F;
	[dreg:$0x1] =	wrdreg $0xFFFFFFFF  }
0xa7: {  	s28 =	simm.s32 $_size_execute0_lowered;
	s2 =	sadd.s32 s2, s4;
	[dreg:$0x0] =	wrdreg $0x0  }
0xa8: {  	s4 =	sshll.u32 s28, $0x1;
	[dreg:$0x2] =	wrdreg s2  }
0xa9: {  	[dreg:$0x3] =	wrdreg s4  }
0xaa: {  	[dreg:$0x4] =	wrdreg $0xC0  }
0xab: {  	_ =	task [dreg:s6], $0x5FFFF  }
0xac: {  	[dreg:$0x1] =	wrdreg $0xFFFFFFFF  }
0xad: {  	[dreg:$0x0] =	wrdreg $0x60  }
0xae: {  	[dreg:$0x2] =	wrdreg s24  }
0xaf: {  	[dreg:$0x3] =	wrdreg $0xA  }
0xb0: {  	_ =	task.clear_ibuf [dreg:s6], $0x4FFFF;
	_ =	strace $0x9000004F  }
0xb1: {  	s29 =	simm.s32 $0xA;
	_ =	strace $0x80000051  }
0xb2: {  	_ =	swait.ge [sflag:s29], $0x1  }
0xb3: {  	[sflag:s29] =	ssyncadd.s32 $0xFFFFFFFF  }
0xb4: {  	_ =	strace $0x90000051  }
0xb5: {  	_ =	sfence  }
0xb6: {  	s30 =	sld [smem:$0x0];
	_ =	sdelay $0x2  }
0xb7: {  	s31 =	sshll.u32 s1, $0xD;
	s1 =	sshrl.u32 s1, $0x2  }
0xb8: {  	s3 =	sand.u32 $0x4000, s31;
	s1 =	sadd.s32 s1, s30  }
0xb9: {  	s0 =	sor.u32 s3, s0;
	s1 =	sshll.u32 s1, $0x11  }
0xba: {  	s0 =	sor.u32 s1, s0  }
0xbb: {  	s0 =	sadd.s32 $0x8F2B, s0  }
0xbc: {  	[sflag:s0] =	ssyncadd.remote.s32 $0x1  }
0xbd: {  	_ =	sfence.sel $0xFFFF  }
0xbe: {  	[dreg:$0x0] =	wrdreg $0xFFFFFFFF;
	(pc) =	sbr.abs _section_cstart, $3  }
0xbf: {  	[dreg:$0x1] =	wrdreg $0xFFFFFFFF  }
0xc0: {  	_ =	task.clear_ibuf [dreg:s6], $0x2FFFF;
	_ =	strace $0x9FFFFFFF  }
0xc1: {  	(tm) =	ssettm $0x7FFFFFFF  }
tec
execute0_lowered:
.L_overlay_start_1:
0x0: {  	(tag) =	ssettag $0x1  }
0x1: {  	s1 =	srdreg.scid  }
0x2: {  	s0 =	stileid.u32;
	s8 =	rddreg [dreg:$0x0];
	s5 =	simm.s32 $0x1  }
0x3: {  	s9 =	simm.s32 $0x1;
	s10 =	simm.s32 $0x3;
	s1 =	sshll.u32 s1, $0x5  }
0x4: {  	s13 =	simm.s32 $0x0;
	s2 =	sshll.u32 s0, $0x6;
	s3 =	sand.u32 $0x20, s1  }
0x5: {  	s12 =	simm.s32 $0x0;
	s4 =	sadd.s32 $0x9200, s8;
	s2 =	sor.u32 s2, s3  }
0x6: {  	s1 =	rddreg [dreg:$0x1];
	_ =	strace $0x80000050;
	s7 =	ssub.s32 $0x800, s2  }
.Ltmp0:
0x7: {  	s3 =	sadd.s32 $0x1000, s8;
	s6 =	sand.u32 $0x3E0, s7;
	(pc) =	sbr.rel .LBB2_1-.Ltmp0, $4  }
0x8: {  	[sflag:s5] =	ssyncpa.u1 $0x0;
	s8 =	sadd.s32 $0x9400, s8;
	p0 =	sne.s32 s6, $0x0  }
0x9: {  	s7 =	sshrl.u32 s7, $0xA;
	s6 =	simm.s32 $0x2;
	s9 =	simm.s32 @!p0 $0x0  }
0xa: {  	s11 =	smov.u32 s2;
	[sflag:s6] =	ssyncpa.u1 $0x0;
	s7 =	sadd.s32 s9, s7  }
0xb: {  	vm0 =	vmmov $0xffff;
	[sflag:s10] =	ssyncpa.u1 $0x0;
	s10 =	simm.s32 $0x0;
	s9 =	sadd.s32 $0x1, s7  }
.LBB2_5:
0xc: {  	s15 =	sadd.s32 $0x400, s11  }
0xd: {  	p1 =	sgt.s32 s15, $0x7FF  }
0xe: {  	s15 =	smov.u32 @p1 s2;
	p1 =	sne.s32 s12, s9  }
.Ltmp1:
0xf: {  	p0 =	slt.u32 s12, $0x2;
	(pc) =	sbr.rel @!p1 .LBB2_6-.Ltmp1, $4  }
0x10: {  	s14 =	simm.s32 @!p0 $0x3  }
0x11: {  	_ =	swait.ge @!p0 [sflag:s14], $0x20  }
0x12: {  	s16 =	sadd.s32 $0x1, s12;
	s13 =	smov.u32 s11;
	[sflag:s14] =	ssyncset.done @!p0 $0x0  }
0x13: {  	s12 =	smov.u32 s16;
	s11 =	smov.u32 s15;
	[sflag:s14] =	ssyncadd.s32 @!p0 $0xFFFFFFE0  }
.LBB2_1:
0x14: {  	p0 =	sge.u32 s12, s7  }
0x15: {  	s14 =	sxor.u32 @!p0 $0xFFFFFFFF, s12  }
0x16: {  	s31 =	sadd.s32 $0xFFFFFFFF, s12;
	s15 =	sshrl.u32 @!p0 s11, $0x3;
	s14 =	sshll.u32 @!p0 s14, $0x5  }
0x17: {  	s16 =	sand.u32 @!p0 $0x7, s11;
	s15 =	sadd.s32 @!p0 s4, s15;
	s14 =	sand.u32 @!p0 $0x20, s14  }
0x18: {  	[tilespmem:s14], [sflag:$0x2] =	stream.linear.gather @!p0 [hbm4b:s15+s16], $0x20, $0x38;
	[tilespmem:$0x80] =	vst v63  }
0x19: {  	p0 =	sge.u32 s31, s7  }
.Ltmp2:
0x1a: {  	_ = 	snop;
	(pc) =	sbr.rel @p0 .LBB2_5-.Ltmp2, $1  }
0x1b: {  	_ =	sdelay $0x3  }
0x1c: {  	_ =	swait.ge [sflag:s6], $0x20;
	s14 =	sshll.u32 s12, $0x5;
	s16 =	simm.s32 $0x0  }
0x1d: {  	p0 =	por $0x1, $0x1;
	[sflag:s6] =	ssyncset.done $0x0;
	s15 =	sand.u32 $0x20, s14  }
0x1e: {  	[sflag:s6] =	ssyncadd.s32 $0xFFFFFFE0;
	(ifvalue) =	ssetifvalue $0x7FFFFFFF;
	s14 =	sor.u32 $0x40, s15  }
.LBB2_3:
0x1f: {  	s17 =	sadd.s32 s16, s15  }
0x20: {  	v0 =	vld.msk [tilespmem:s17+$0x0 ss:$0x1], $0xffff;
	_ =	sdelay $0x4  }
0x21: {  	v1 =	vshrl.u32 v0, $0xB;
	v2 =	vshll.u32 v0, $0x7  }
0x22: {  	vm1 =	veq.s32 v0, $0x80000000;
	v61 =	vand.u32 $0x7, v1;
	v62 =	vand.u32 $0x3FF80, v2  }
0x23: {  	v0 =	vsel vm1, $0xFFFFFFFF, v61;
	v1 =	vsel vm1, $0xFFFFFF80, v62  }
0x24: {  	v63 =	vand.u32 $0xFFFFFC00, v1;
	v3 =	vand.u32 $0xFFFFFC00, v0  }
0x25: {  	v1 =	vand.u32 $0x380, v1;
	v2 =	vadd.s32 v3, v63  }
0x26: {  	v0 =	vand.u32 $0x7F, v0;
	v1 =	vor.u32 v1, v2  }
0x27: {  	p1 =	por p0, p0;
	v0 =	vor.u32 v0, v1  }
.Ltmp3:
0x28: {  	_ = 	snop;
	(pc) =	sbr.rel @p1 .LBB2_3-.Ltmp3, $4  }
0x29: {  	_ = 	snop  }
0x2a: {  	s31 =	sadd.s32 s16, s14  }
0x2b: {  	s16 =	simm.s32 $0x10;
	p0 =	por $0x0, $0x0;
	(ifvalue) =	ssetifvalue $0x7FFFFFFF  }
0x2c: {  	[tilespmem:s31], [sflag:$0x1] =	stream.indirect_vreg.gather [hbm4b:s3+s10], $0x1, v0, vm0, $0x4038;
	[tilespmem:$0x80] =	vst v63  }
.Ltmp4:
0x2d: {  	(pc) =	sbr.rel .LBB2_5-.Ltmp4, $4  }
0x2e: {  	_ =	swait.ge [sflag:s5], $0x20  }
0x2f: {  	s15 =	sshrl.u32 s13, $0x3;
	[sflag:s5] =	ssyncset.done $0x0  }
0x30: {  	s31 =	sand.u32 $0x7, s13;
	s15 =	sadd.s32 s8, s15;
	[sflag:s5] =	ssyncadd.s32 $0xFFFFFFE0  }
0x31: {  	[hbm4b:s15+s31] =	stream.linear.scatter [tilespmem:s14], [sflag:$0x3], $0x20, $0x38;
	[tilespmem:$0x80] =	vst v63  }
.LBB2_6:
0x32: {  	_ =	sfence.sel $0x180000  }
0x33: {  	s2 =	simm.s32 $0x2;
	[bflag:$0x0] =	sbarrier.arrive $0xFFFF  }
0x34: {  	s30 =	simm.s32 $0x3;
	[sflag:s2] =	ssyncpa.u1 $0x1  }
0x35: {  	s31 =	simm.s32 $0x1;
	[sflag:s30] =	ssyncpa.u1 $0x1  }
0x36: {  	[sflag:s31] =	ssyncpa.u1 $0x1  }
0x37: {  	p0 =	sne.s32 s0, $0x0;
	_ =	strace $0x90000050  }
0x38: {  	s0 =	sadd.s32 @!p0 $0x100000, s1;
	[bflag:$0x2] =	sbarrier.arrive $0xFFFF  }
0x39: {  	[sflag:s0] =	ssyncadd.tile.s32 @!p0 $0x1;
	_ =	shalt  }
.Lfunc_end2:
_tile_overlayer_lowered:
.L_overlay_start_2:
0x3a: {  	(tag) =	ssettag $0x2  }
0x3b: {  	s0 =	rddreg [dreg:$0x0];
	s2 =	stileid.u32  }
0x3c: {  	s1 =	rddreg [dreg:$0x1];
	p0 =	sne.s32 s2, $0x0  }
0x3d: {  	s3 =	rddreg [dreg:$0x2];
	[bflag:$0x3] =	sbarrier.arrive $0xFFFF;
	s2 =	simm.s32 @!p0 $0x1C01  }
0x3e: {  	[timem:s3], [sflag:s2] =	dma.local @!p0 [hbm:s0], s1  }
0x3f: {  	s0 =	simm.s32 @!p0 $0x1  }
0x40: {  	_ =	swait.ge @!p0 [sflag:s0], s1  }
0x41: {  	s1 =	ssub.s32 @!p0 $0x0, s1;
	[sflag:s0] =	ssyncset.done @!p0 $0x0  }
0x42: {  	[sflag:s0] =	ssyncadd.s32 @!p0 s1  }
0x43: {  	[bflag:$0x3] =	sbarrier.arrive $0xFFFF  }
0x44: {  	_ =	shalt  }

// kernel: gather_offload_async_start
scs
__scs_entry_jumppad:
0x0: {  	(pc) =	sbr.rel $0x88, $3  }
0x1: {  	(tag) =	ssettag $0x0;
	lr =	simm.s32 $0x1  }
0x2: {  	[smem:$0x3F8F] =	sst lr;
	_ =	strace $0xD0000000  }
0x3: {  	_ = 	snop  }
0x4: {  	_ = 	snop  }
0x5: {  	_ = 	snop  }
0x6: {  	_ = 	snop  }
0x7: {  	_ = 	snop  }
__scs_overlays_trampoline_lowered:
0x8: {  	[smem:$0x3F9E] =	sst s0  }
0x9: {  	[smem:$0x3F9F] =	sst s1  }
0xa: {  	[smem:$0x3FA0] =	sst s2  }
0xb: {  	[smem:$0x3FA1] =	sst s3  }
0xc: {  	[smem:$0x3FA2] =	sst s4  }
0xd: {  	[smem:$0x3FA3] =	sst s5  }
0xe: {  	[smem:$0x3FA4] =	sst s6  }
0xf: {  	[smem:$0x3FA5] =	sst s7  }
0x10: {  	[smem:$0x3FA6] =	sst s8  }
0x11: {  	[smem:$0x3FA7] =	sst s9;
	s0 =	simm.s32 @!p0 $0x0  }
0x12: {  	s1 =	sld [smem:$0x3F8D];
	s0 =	simm.s32 @p0 $0x1  }
0x13: {  	[smem:$0x3FA8] =	sst s0;
	s0 =	simm.s32 @!p1 $0x0  }
0x14: {  	s2 =	sld [smem:$0x3F8C];
	s0 =	simm.s32 @p1 $0x1  }
0x15: {  	[smem:$0x3FA9] =	sst s0;
	s0 =	simm.s32 @!p2 $0x0  }
0x16: {  	s3 =	sld [smem:$0x3FDB];
	s0 =	simm.s32 @p2 $0x1  }
0x17: {  	s4 =	simm.s32 $0x1BF5;
	[smem:$0x3FAB] =	sst s0  }
0x18: {  	s0 =	sld [smem:$0x3F8E];
	_ =	swait.ge [sflag:s4], $0x0  }
0x19: {  	s7 =	sld [smem:$0x3F8F]  }
0x1a: {  	s8 =	sadd.s32 $0xFFFFE003, lr  }
0x1b: {  	s9 =	sadd.s32 $0xFFFFFEF7, lr;
	s5 =	simm.s32 $0xFFFFFFFF;
	p2 =	slt.u32 s8, $0xFFFFF086  }
0x1c: {  	p1 =	slt.u32 s9, $0xF7A;
	s5 =	simm.s32 @!p2 $0x0  }
0x1d: {  	s5 =	simm.s32 @p1 $0x1;
	p0 =	seq.s32 s7, s2  }
0x1e: {  	s7 =	smul.u32 @!p0 $0xF7A, s2;
	p2 =	seq.s32 @!p0 s5, $0x0  }
0x1f: {  	s9 =	smul.u32 $0xF7A, s1;
	s8 =	simm.s32 @!p0 $0x1BF5;
	p2 =	por !p2, p0  }
0x20: {  	[sflag:s8] =	ssyncset.s32 @!p0 $0xFFFFF086;
	s6 =	sadd.s32 @!p0 s3, s7;
	s7 =	simm.s32 @!p0 $0x108  }
0x21: {  	s3 =	sadd.s32 s3, s9;
	s6 =	sadd.s32 @!p0 $0x88, s6;
	s7 =	simm.s32 @p2 $0x1082  }
0x22: {  	[simem:s7], [sflag:s8] =	dma.local @!p0 [hbm:s6], $0xF7A  }
0x23: {  	s9 =	sor.u32 $0xD0000000, s2;
	s6 =	simm.s32 $0x108;
	_ =	swait.ge @!p0 [sflag:s8], $0x0  }
0x24: {  	s3 =	sadd.s32 $0x88, s3;
	s6 =	simm.s32 @!p1 $0x1082;
	[sflag:s4] =	ssyncset.s32 $0xFFFFF086  }
0x25: {  	[simem:s6], [sflag:s4] =	dma.local [hbm:s3], $0xF7A  }
0x26: {  	[smem:$0x3F8F] =	sst s1;
	(tag) =	ssettag s2;
	_ =	strace s9  }
0x27: {  	s1 =	sld [smem:$0x3F9F]  }
0x28: {  	s2 =	sld [smem:$0x3FA0]  }
0x29: {  	s4 =	sld [smem:$0x3FA2]  }
0x2a: {  	p0 =	seq.s32 s5, $0x0;
	s5 =	sld [smem:$0x3FA3]  }
0x2b: {  	s6 =	sld [smem:$0x3FA4]  }
0x2c: {  	s7 =	sld [smem:$0x3FA5]  }
0x2d: {  	s3 =	simm.s32 $0x108;
	s8 =	sld [smem:$0x3FA6]  }
0x2e: {  	s3 =	simm.s32 @!p0 $0x1082;
	s9 =	sld [smem:$0x3FA7]  }
0x2f: {  	lr =	sadd.s32 s0, s3;
	s0 =	sld [smem:$0x3F9E]  }
0x30: {  	s3 =	sld [smem:$0x3FA1]  }
0x31: {  	[smem:$0x3FAA] =	sst s10  }
0x32: {  	s10 =	sld [smem:$0x3FA8];
	_ =	sdelay $0x3  }
0x33: {  	p0 =	seq.s32 s10, $0x1;
	s10 =	sld [smem:$0x3FAA];
	_ =	sdelay $0x3  }
0x34: {  	[smem:$0x3FAA] =	sst s10  }
0x35: {  	s10 =	sld [smem:$0x3FA9];
	_ =	sdelay $0x3  }
0x36: {  	p1 =	seq.s32 s10, $0x1;
	s10 =	sld [smem:$0x3FAA];
	_ =	sdelay $0x3  }
0x37: {  	[smem:$0x3FAA] =	sst s10  }
0x38: {  	s10 =	sld [smem:$0x3FAB]  }
0x39: {  	_ = 	snop;
	(pc) =	sbr.ind lr, $3  }
0x3a: {  	_ = 	snop  }
0x3b: {  	_ = 	snop  }
0x3c: {  	p2 =	seq.s32 s10, $0x1;
	s10 =	sld [smem:$0x3FAA]  }
0x3d: {  	_ =	shalt  }
0x3e: {  	_ =	shalt  }
0x3f: {  	_ =	shalt  }
0x40: {  	_ =	shalt  }
0x41: {  	_ =	shalt  }
0x42: {  	_ =	shalt  }
0x43: {  	_ =	shalt  }
0x44: {  	_ =	shalt  }
0x45: {  	_ =	shalt  }
0x46: {  	_ =	shalt  }
0x47: {  	_ =	shalt  }
0x48: {  	_ =	shalt  }
0x49: {  	_ =	shalt  }
0x4a: {  	_ =	shalt  }
0x4b: {  	_ =	shalt  }
0x4c: {  	_ =	shalt  }
0x4d: {  	_ =	shalt  }
0x4e: {  	_ =	shalt  }
0x4f: {  	_ =	shalt  }
0x50: {  	_ =	shalt  }
0x51: {  	_ =	shalt  }
0x52: {  	_ =	shalt  }
0x53: {  	_ =	shalt  }
0x54: {  	_ =	shalt  }
0x55: {  	_ =	shalt  }
0x56: {  	_ =	shalt  }
0x57: {  	_ =	shalt  }
0x58: {  	_ =	shalt  }
0x59: {  	_ =	shalt  }
0x5a: {  	_ =	shalt  }
0x5b: {  	_ =	shalt  }
0x5c: {  	_ =	shalt  }
0x5d: {  	_ =	shalt  }
0x5e: {  	_ =	shalt  }
0x5f: {  	_ =	shalt  }
0x60: {  	_ =	shalt  }
0x61: {  	_ =	shalt  }
0x62: {  	_ =	shalt  }
0x63: {  	_ =	shalt  }
0x64: {  	_ =	shalt  }
0x65: {  	_ =	shalt  }
0x66: {  	_ =	shalt  }
0x67: {  	_ =	shalt  }
0x68: {  	_ =	shalt  }
0x69: {  	_ =	shalt  }
0x6a: {  	_ =	shalt  }
0x6b: {  	_ =	shalt  }
0x6c: {  	_ =	shalt  }
0x6d: {  	_ =	shalt  }
0x6e: {  	_ =	shalt  }
0x6f: {  	_ =	shalt  }
0x70: {  	_ =	shalt  }
0x71: {  	_ =	shalt  }
0x72: {  	_ =	shalt  }
0x73: {  	_ =	shalt  }
0x74: {  	_ =	shalt  }
0x75: {  	_ =	shalt  }
0x76: {  	_ =	shalt  }
0x77: {  	_ =	shalt  }
0x78: {  	_ =	shalt  }
0x79: {  	_ =	shalt  }
0x7a: {  	_ =	shalt  }
0x7b: {  	_ =	shalt  }
0x7c: {  	_ =	shalt  }
0x7d: {  	_ =	shalt  }
0x7e: {  	_ =	shalt  }
0x7f: {  	_ =	shalt  }
0x80: {  	_ =	shalt  }
0x81: {  	_ =	shalt  }
0x82: {  	_ =	shalt  }
0x83: {  	_ =	shalt  }
0x84: {  	_ =	shalt  }
0x85: {  	_ =	shalt  }
0x86: {  	_ =	shalt  }
0x87: {  	_ =	shalt  }
.Lfunc_end0:
.L_simem_size_0:
called_computation_lowered:
.L_overlay_start_0:
0x88: {  	s2 =	sld [smem:$0x3FD9]  }
0x89: {  	s3 =	sld [smem:$0x3FFE];
	_ =	sdelay $0x1  }
0x8a: {  	s1 =	srdreg.scid  }
0x8b: {  	s0 =	sand.u32 $0x1, s1  }
0x8c: {  	s16 =	sshll.u32 s0, $0xA;
	s2 =	sadd.s32 s3, s2  }
0x8d: {  	s2 =	sadd.s32 s2, s16  }
0x8e: {  	[smem:$0x3FB6] =	sst s2  }
0x8f: {  	_ = 	snop  }
0x90: {  	(tm) =	ssettm $0x1  }
0x91: {  	s17 =	sld [smem:$0x3FFB];
	_ =	sdelay $0x3  }
0x92: {  	_ =	strace s17  }
0x93: {  	s2 =	sld [smem:$0x3FFC];
	_ =	sdelay $0x3  }
0x94: {  	_ =	strace s2  }
0x95: {  	s2 =	sld [smem:$0x3FFD];
	_ =	sdelay $0x3  }
0x96: {  	_ =	strace s2  }
0x97: {  	_ =	strace $0x8FFFFFFF  }
0x98: {  	s18 =	sld [smem:$0x3FDB];
	_ =	sdelay $0x1  }
0x99: {  	s19 =	simm.s32 $_scs_section_size  }
0x9a: {  	s4 =	simm.s32 $_size__tile_overlayer_lowered;
	s5 =	simm.s32 $_tile_overlayer_lowered  }
0x9b: {  	s22 =	simm.s32 $0x1BFF;
	s21 =	sshll.u32 s5, $0x1;
	s2 =	sadd.s32 s19, s18  }
0x9c: {  	s6 =	simm.s32 $0x0;
	s20 =	sshll.u32 s4, $0x1;
	s4 =	sadd.s32 s21, s2  }
0x9d: {  	[timem:s6], [sflag:s22] =	dma.local [hbm:s4], s20  }
0x9e: {  	_ =	swait.ge [sflag:s22], s20  }
0x9f: {  	s3 =	ssub.s32 $0x0, s20;
	[sflag:s22] =	ssyncset.done $0x0  }
0xa0: {  	[sflag:s22] =	ssyncadd.s32 s3;
	_ =	sdelay $0x1  }
0xa1: {  	s23 =	simm.s32 $0x1B8B  }
0xa2: {  	_ =	swait.ge [sflag:s23], $0x1  }
0xa3: {  	[sflag:s23] =	ssyncset.done $0x0  }
0xa4: {  	s25 =	simm.s32 $0x1B8E;
	s24 =	sld [smem:$0x3FFE];
	[sflag:s23] =	ssyncadd.s32 $0xFFFFFFFF  }
0xa5: {  	s26 =	simm.s32 $execute0_lowered;
	[smem:$0x3FD2] =	sst s25  }
0xa6: {  	s4 =	sshll.u32 s26, $0x1;
	_ =	strace $0x80000046;
	[dreg:$0x1] =	wrdreg $0xFFFFFFFF  }
0xa7: {  	s28 =	simm.s32 $_size_execute0_lowered;
	s2 =	sadd.s32 s2, s4;
	[dreg:$0x0] =	wrdreg $0x0  }
0xa8: {  	s4 =	sshll.u32 s28, $0x1;
	[dreg:$0x2] =	wrdreg s2  }
0xa9: {  	[dreg:$0x3] =	wrdreg s4  }
0xaa: {  	[dreg:$0x4] =	wrdreg $0xC0  }
0xab: {  	_ =	task [dreg:s6], $0x5FFFF  }
0xac: {  	[dreg:$0x1] =	wrdreg $0xFFFFFFFF  }
0xad: {  	[dreg:$0x0] =	wrdreg $0x60  }
0xae: {  	[dreg:$0x2] =	wrdreg s24  }
0xaf: {  	[dreg:$0x3] =	wrdreg $0x9  }
0xb0: {  	_ =	task.clear_ibuf [dreg:s6], $0x4FFFF;
	_ =	strace $0x90000046  }
0xb1: {  	s29 =	simm.s32 $0x9;
	_ =	strace $0x80000048  }
0xb2: {  	_ =	swait.ge [sflag:s29], $0x1  }
0xb3: {  	[sflag:s29] =	ssyncadd.s32 $0xFFFFFFFF  }
0xb4: {  	_ =	strace $0x90000048  }
0xb5: {  	_ =	sfence  }
0xb6: {  	s30 =	sld [smem:$0x0];
	_ =	sdelay $0x2  }
0xb7: {  	s31 =	sshll.u32 s1, $0xD;
	s1 =	sshrl.u32 s1, $0x2  }
0xb8: {  	s3 =	sand.u32 $0x4000, s31;
	s1 =	sadd.s32 s1, s30  }
0xb9: {  	s0 =	sor.u32 s3, s0;
	s1 =	sshll.u32 s1, $0x11  }
0xba: {  	s0 =	sor.u32 s1, s0  }
0xbb: {  	s0 =	sadd.s32 $0x8F2B, s0  }
0xbc: {  	[sflag:s0] =	ssyncadd.remote.s32 $0x1  }
0xbd: {  	_ =	sfence.sel $0xFFFF  }
0xbe: {  	[dreg:$0x0] =	wrdreg $0xFFFFFFFF;
	(pc) =	sbr.abs _section_cstart, $3  }
0xbf: {  	[dreg:$0x1] =	wrdreg $0xFFFFFFFF  }
0xc0: {  	_ =	task.clear_ibuf [dreg:s6], $0x2FFFF;
	_ =	strace $0x9FFFFFFF  }
0xc1: {  	(tm) =	ssettm $0x7FFFFFFF  }
tec
execute0_lowered:
.L_overlay_start_1:
0x0: {  	(tag) =	ssettag $0x1  }
0x1: {  	s1 =	srdreg.scid  }
0x2: {  	s0 =	stileid.u32;
	s8 =	rddreg [dreg:$0x0];
	s5 =	simm.s32 $0x1  }
0x3: {  	s9 =	simm.s32 $0x1;
	s10 =	simm.s32 $0x3;
	s1 =	sshll.u32 s1, $0x5  }
0x4: {  	s13 =	simm.s32 $0x0;
	s2 =	sshll.u32 s0, $0x6;
	s3 =	sand.u32 $0x20, s1  }
0x5: {  	s12 =	simm.s32 $0x0;
	s4 =	sadd.s32 $0x9000, s8;
	s2 =	sor.u32 s2, s3  }
0x6: {  	s1 =	rddreg [dreg:$0x1];
	_ =	strace $0x80000047;
	s7 =	ssub.s32 $0x800, s2  }
.Ltmp0:
0x7: {  	s3 =	sadd.s32 $0x9400, s8;
	s6 =	sand.u32 $0x3E0, s7;
	(pc) =	sbr.rel .LBB2_1-.Ltmp0, $4  }
0x8: {  	[sflag:s5] =	ssyncpa.u1 $0x0;
	s8 =	sadd.s32 $0x11800, s8;
	p0 =	sne.s32 s6, $0x0  }
0x9: {  	s7 =	sshrl.u32 s7, $0xA;
	s6 =	simm.s32 $0x2;
	s9 =	simm.s32 @!p0 $0x0  }
0xa: {  	s11 =	smov.u32 s2;
	[sflag:s6] =	ssyncpa.u1 $0x0;
	s7 =	sadd.s32 s9, s7  }
0xb: {  	vm0 =	vmmov $0xffff;
	[sflag:s10] =	ssyncpa.u1 $0x0;
	s10 =	simm.s32 $0x0;
	s9 =	sadd.s32 $0x1, s7  }
.LBB2_5:
0xc: {  	s15 =	sadd.s32 $0x400, s11  }
0xd: {  	p1 =	sgt.s32 s15, $0x7FF  }
0xe: {  	s15 =	smov.u32 @p1 s2;
	p1 =	sne.s32 s12, s9  }
.Ltmp1:
0xf: {  	p0 =	slt.u32 s12, $0x2;
	(pc) =	sbr.rel @!p1 .LBB2_6-.Ltmp1, $4  }
0x10: {  	s14 =	simm.s32 @!p0 $0x3  }
0x11: {  	_ =	swait.ge @!p0 [sflag:s14], $0x20  }
0x12: {  	s16 =	sadd.s32 $0x1, s12;
	s13 =	smov.u32 s11;
	[sflag:s14] =	ssyncset.done @!p0 $0x0  }
0x13: {  	s12 =	smov.u32 s16;
	s11 =	smov.u32 s15;
	[sflag:s14] =	ssyncadd.s32 @!p0 $0xFFFFFFE0  }
.LBB2_1:
0x14: {  	p0 =	sge.u32 s12, s7  }
0x15: {  	s14 =	sxor.u32 @!p0 $0xFFFFFFFF, s12  }
0x16: {  	s31 =	sadd.s32 $0xFFFFFFFF, s12;
	s15 =	sshrl.u32 @!p0 s11, $0x3;
	s14 =	sshll.u32 @!p0 s14, $0x5  }
0x17: {  	s16 =	sand.u32 @!p0 $0x7, s11;
	s15 =	sadd.s32 @!p0 s4, s15;
	s14 =	sand.u32 @!p0 $0x20, s14  }
0x18: {  	[tilespmem:s14], [sflag:$0x2] =	stream.linear.gather @!p0 [hbm4b:s15+s16], $0x20, $0x38;
	[tilespmem:$0x80] =	vst v63  }
0x19: {  	p0 =	sge.u32 s31, s7  }
.Ltmp2:
0x1a: {  	_ = 	snop;
	(pc) =	sbr.rel @p0 .LBB2_5-.Ltmp2, $1  }
0x1b: {  	_ =	sdelay $0x3  }
0x1c: {  	_ =	swait.ge [sflag:s6], $0x20;
	s14 =	sshll.u32 s12, $0x5;
	s16 =	simm.s32 $0x0  }
0x1d: {  	p0 =	por $0x1, $0x1;
	[sflag:s6] =	ssyncset.done $0x0;
	s15 =	sand.u32 $0x20, s14  }
0x1e: {  	[sflag:s6] =	ssyncadd.s32 $0xFFFFFFE0;
	(ifvalue) =	ssetifvalue $0x7FFFFFFF;
	s14 =	sor.u32 $0x40, s15  }
.LBB2_3:
0x1f: {  	s17 =	sadd.s32 s16, s15  }
0x20: {  	v0 =	vld.msk [tilespmem:s17+$0x0 ss:$0x1], $0xffff;
	_ =	sdelay $0x4  }
0x21: {  	v1 =	vshrl.u32 v0, $0xB;
	v2 =	vshll.u32 v0, $0x7  }
0x22: {  	vm1 =	veq.s32 v0, $0x80000000;
	v61 =	vand.u32 $0x7, v1;
	v62 =	vand.u32 $0x3FF80, v2  }
0x23: {  	v0 =	vsel vm1, $0xFFFFFFFF, v61;
	v1 =	vsel vm1, $0xFFFFFF80, v62  }
0x24: {  	v63 =	vand.u32 $0xFFFFFC00, v1;
	v3 =	vand.u32 $0xFFFFFC00, v0  }
0x25: {  	v1 =	vand.u32 $0x380, v1;
	v2 =	vadd.s32 v3, v63  }
0x26: {  	v0 =	vand.u32 $0x7F, v0;
	v1 =	vor.u32 v1, v2  }
0x27: {  	p1 =	por p0, p0;
	v0 =	vor.u32 v0, v1  }
.Ltmp3:
0x28: {  	_ = 	snop;
	(pc) =	sbr.rel @p1 .LBB2_3-.Ltmp3, $4  }
0x29: {  	_ = 	snop  }
0x2a: {  	s31 =	sadd.s32 s16, s14  }
0x2b: {  	s16 =	simm.s32 $0x10;
	p0 =	por $0x0, $0x0;
	(ifvalue) =	ssetifvalue $0x7FFFFFFF  }
0x2c: {  	[tilespmem:s31], [sflag:$0x1] =	stream.indirect_vreg.gather [hbm4b:s3+s10], $0x1, v0, vm0, $0x4038;
	[tilespmem:$0x80] =	vst v63  }
.Ltmp4:
0x2d: {  	(pc) =	sbr.rel .LBB2_5-.Ltmp4, $4  }
0x2e: {  	_ =	swait.ge [sflag:s5], $0x20  }
0x2f: {  	s15 =	sshrl.u32 s13, $0x3;
	[sflag:s5] =	ssyncset.done $0x0  }
0x30: {  	s31 =	sand.u32 $0x7, s13;
	s15 =	sadd.s32 s8, s15;
	[sflag:s5] =	ssyncadd.s32 $0xFFFFFFE0  }
0x31: {  	[hbm4b:s15+s31] =	stream.linear.scatter [tilespmem:s14], [sflag:$0x3], $0x20, $0x38;
	[tilespmem:$0x80] =	vst v63  }
.LBB2_6:
0x32: {  	_ =	sfence.sel $0x180000  }
0x33: {  	s2 =	simm.s32 $0x2;
	[bflag:$0x0] =	sbarrier.arrive $0xFFFF  }
0x34: {  	s30 =	simm.s32 $0x3;
	[sflag:s2] =	ssyncpa.u1 $0x1  }
0x35: {  	s31 =	simm.s32 $0x1;
	[sflag:s30] =	ssyncpa.u1 $0x1  }
0x36: {  	[sflag:s31] =	ssyncpa.u1 $0x1  }
0x37: {  	p0 =	sne.s32 s0, $0x0;
	_ =	strace $0x90000047  }
0x38: {  	s0 =	sadd.s32 @!p0 $0x100000, s1;
	[bflag:$0x2] =	sbarrier.arrive $0xFFFF  }
0x39: {  	[sflag:s0] =	ssyncadd.tile.s32 @!p0 $0x1;
	_ =	shalt  }
.Lfunc_end2:
_tile_overlayer_lowered:
.L_overlay_start_2:
0x3a: {  	(tag) =	ssettag $0x2  }
0x3b: {  	s0 =	rddreg [dreg:$0x0];
	s2 =	stileid.u32  }
0x3c: {  	s1 =	rddreg [dreg:$0x1];
	p0 =	sne.s32 s2, $0x0  }
0x3d: {  	s3 =	rddreg [dreg:$0x2];
	[bflag:$0x3] =	sbarrier.arrive $0xFFFF;
	s2 =	simm.s32 @!p0 $0x1C01  }
0x3e: {  	[timem:s3], [sflag:s2] =	dma.local @!p0 [hbm:s0], s1  }
0x3f: {  	s0 =	simm.s32 @!p0 $0x1  }
0x40: {  	_ =	swait.ge @!p0 [sflag:s0], s1  }
0x41: {  	s1 =	ssub.s32 @!p0 $0x0, s1;
	[sflag:s0] =	ssyncset.done @!p0 $0x0  }
0x42: {  	[sflag:s0] =	ssyncadd.s32 @!p0 s1  }
0x43: {  	[bflag:$0x3] =	sbarrier.arrive $0xFFFF  }
0x44: {  	_ =	shalt  }

// kernel: kernel.12.cloned.1.call-start
scs
__scs_entry_jumppad:
0x0: {  	(pc) =	sbr.rel $0x88, $3  }
0x1: {  	(tag) =	ssettag $0x0;
	lr =	simm.s32 $0x1  }
0x2: {  	[smem:$0x3F8F] =	sst lr;
	_ =	strace $0xD0000000  }
0x3: {  	_ = 	snop  }
0x4: {  	_ = 	snop  }
0x5: {  	_ = 	snop  }
0x6: {  	_ = 	snop  }
0x7: {  	_ = 	snop  }
__scs_overlays_trampoline_lowered:
0x8: {  	[smem:$0x3F9E] =	sst s0  }
0x9: {  	[smem:$0x3F9F] =	sst s1  }
0xa: {  	[smem:$0x3FA0] =	sst s2  }
0xb: {  	[smem:$0x3FA1] =	sst s3  }
0xc: {  	[smem:$0x3FA2] =	sst s4  }
0xd: {  	[smem:$0x3FA3] =	sst s5  }
0xe: {  	[smem:$0x3FA4] =	sst s6  }
0xf: {  	[smem:$0x3FA5] =	sst s7  }
0x10: {  	[smem:$0x3FA6] =	sst s8  }
0x11: {  	[smem:$0x3FA7] =	sst s9;
	s0 =	simm.s32 @!p0 $0x0  }
0x12: {  	s1 =	sld [smem:$0x3F8D];
	s0 =	simm.s32 @p0 $0x1  }
0x13: {  	[smem:$0x3FA8] =	sst s0;
	s0 =	simm.s32 @!p1 $0x0  }
0x14: {  	s2 =	sld [smem:$0x3F8C];
	s0 =	simm.s32 @p1 $0x1  }
0x15: {  	[smem:$0x3FA9] =	sst s0;
	s0 =	simm.s32 @!p2 $0x0  }
0x16: {  	s3 =	sld [smem:$0x3FDB];
	s0 =	simm.s32 @p2 $0x1  }
0x17: {  	s4 =	simm.s32 $0x1BF5;
	[smem:$0x3FAB] =	sst s0  }
0x18: {  	s0 =	sld [smem:$0x3F8E];
	_ =	swait.ge [sflag:s4], $0x0  }
0x19: {  	s7 =	sld [smem:$0x3F8F]  }
0x1a: {  	s8 =	sadd.s32 $0xFFFFE003, lr  }
0x1b: {  	s9 =	sadd.s32 $0xFFFFFEF7, lr;
	s5 =	simm.s32 $0xFFFFFFFF;
	p2 =	slt.u32 s8, $0xFFFFF086  }
0x1c: {  	p1 =	slt.u32 s9, $0xF7A;
	s5 =	simm.s32 @!p2 $0x0  }
0x1d: {  	s5 =	simm.s32 @p1 $0x1;
	p0 =	seq.s32 s7, s2  }
0x1e: {  	s7 =	smul.u32 @!p0 $0xF7A, s2;
	p2 =	seq.s32 @!p0 s5, $0x0  }
0x1f: {  	s9 =	smul.u32 $0xF7A, s1;
	s8 =	simm.s32 @!p0 $0x1BF5;
	p2 =	por !p2, p0  }
0x20: {  	[sflag:s8] =	ssyncset.s32 @!p0 $0xFFFFF086;
	s6 =	sadd.s32 @!p0 s3, s7;
	s7 =	simm.s32 @!p0 $0x108  }
0x21: {  	s3 =	sadd.s32 s3, s9;
	s6 =	sadd.s32 @!p0 $0x88, s6;
	s7 =	simm.s32 @p2 $0x1082  }
0x22: {  	[simem:s7], [sflag:s8] =	dma.local @!p0 [hbm:s6], $0xF7A  }
0x23: {  	s9 =	sor.u32 $0xD0000000, s2;
	s6 =	simm.s32 $0x108;
	_ =	swait.ge @!p0 [sflag:s8], $0x0  }
0x24: {  	s3 =	sadd.s32 $0x88, s3;
	s6 =	simm.s32 @!p1 $0x1082;
	[sflag:s4] =	ssyncset.s32 $0xFFFFF086  }
0x25: {  	[simem:s6], [sflag:s4] =	dma.local [hbm:s3], $0xF7A  }
0x26: {  	[smem:$0x3F8F] =	sst s1;
	(tag) =	ssettag s2;
	_ =	strace s9  }
0x27: {  	s1 =	sld [smem:$0x3F9F]  }
0x28: {  	s2 =	sld [smem:$0x3FA0]  }
0x29: {  	s4 =	sld [smem:$0x3FA2]  }
0x2a: {  	p0 =	seq.s32 s5, $0x0;
	s5 =	sld [smem:$0x3FA3]  }
0x2b: {  	s6 =	sld [smem:$0x3FA4]  }
0x2c: {  	s7 =	sld [smem:$0x3FA5]  }
0x2d: {  	s3 =	simm.s32 $0x108;
	s8 =	sld [smem:$0x3FA6]  }
0x2e: {  	s3 =	simm.s32 @!p0 $0x1082;
	s9 =	sld [smem:$0x3FA7]  }
0x2f: {  	lr =	sadd.s32 s0, s3;
	s0 =	sld [smem:$0x3F9E]  }
0x30: {  	s3 =	sld [smem:$0x3FA1]  }
0x31: {  	[smem:$0x3FAA] =	sst s10  }
0x32: {  	s10 =	sld [smem:$0x3FA8];
	_ =	sdelay $0x3  }
0x33: {  	p0 =	seq.s32 s10, $0x1;
	s10 =	sld [smem:$0x3FAA];
	_ =	sdelay $0x3  }
0x34: {  	[smem:$0x3FAA] =	sst s10  }
0x35: {  	s10 =	sld [smem:$0x3FA9];
	_ =	sdelay $0x3  }
0x36: {  	p1 =	seq.s32 s10, $0x1;
	s10 =	sld [smem:$0x3FAA];
	_ =	sdelay $0x3  }
0x37: {  	[smem:$0x3FAA] =	sst s10  }
0x38: {  	s10 =	sld [smem:$0x3FAB]  }
0x39: {  	_ = 	snop;
	(pc) =	sbr.ind lr, $3  }
0x3a: {  	_ = 	snop  }
0x3b: {  	_ = 	snop  }
0x3c: {  	p2 =	seq.s32 s10, $0x1;
	s10 =	sld [smem:$0x3FAA]  }
0x3d: {  	_ =	shalt  }
0x3e: {  	_ =	shalt  }
0x3f: {  	_ =	shalt  }
0x40: {  	_ =	shalt  }
0x41: {  	_ =	shalt  }
0x42: {  	_ =	shalt  }
0x43: {  	_ =	shalt  }
0x44: {  	_ =	shalt  }
0x45: {  	_ =	shalt  }
0x46: {  	_ =	shalt  }
0x47: {  	_ =	shalt  }
0x48: {  	_ =	shalt  }
0x49: {  	_ =	shalt  }
0x4a: {  	_ =	shalt  }
0x4b: {  	_ =	shalt  }
0x4c: {  	_ =	shalt  }
0x4d: {  	_ =	shalt  }
0x4e: {  	_ =	shalt  }
0x4f: {  	_ =	shalt  }
0x50: {  	_ =	shalt  }
0x51: {  	_ =	shalt  }
0x52: {  	_ =	shalt  }
0x53: {  	_ =	shalt  }
0x54: {  	_ =	shalt  }
0x55: {  	_ =	shalt  }
0x56: {  	_ =	shalt  }
0x57: {  	_ =	shalt  }
0x58: {  	_ =	shalt  }
0x59: {  	_ =	shalt  }
0x5a: {  	_ =	shalt  }
0x5b: {  	_ =	shalt  }
0x5c: {  	_ =	shalt  }
0x5d: {  	_ =	shalt  }
0x5e: {  	_ =	shalt  }
0x5f: {  	_ =	shalt  }
0x60: {  	_ =	shalt  }
0x61: {  	_ =	shalt  }
0x62: {  	_ =	shalt  }
0x63: {  	_ =	shalt  }
0x64: {  	_ =	shalt  }
0x65: {  	_ =	shalt  }
0x66: {  	_ =	shalt  }
0x67: {  	_ =	shalt  }
0x68: {  	_ =	shalt  }
0x69: {  	_ =	shalt  }
0x6a: {  	_ =	shalt  }
0x6b: {  	_ =	shalt  }
0x6c: {  	_ =	shalt  }
0x6d: {  	_ =	shalt  }
0x6e: {  	_ =	shalt  }
0x6f: {  	_ =	shalt  }
0x70: {  	_ =	shalt  }
0x71: {  	_ =	shalt  }
0x72: {  	_ =	shalt  }
0x73: {  	_ =	shalt  }
0x74: {  	_ =	shalt  }
0x75: {  	_ =	shalt  }
0x76: {  	_ =	shalt  }
0x77: {  	_ =	shalt  }
0x78: {  	_ =	shalt  }
0x79: {  	_ =	shalt  }
0x7a: {  	_ =	shalt  }
0x7b: {  	_ =	shalt  }
0x7c: {  	_ =	shalt  }
0x7d: {  	_ =	shalt  }
0x7e: {  	_ =	shalt  }
0x7f: {  	_ =	shalt  }
0x80: {  	_ =	shalt  }
0x81: {  	_ =	shalt  }
0x82: {  	_ =	shalt  }
0x83: {  	_ =	shalt  }
0x84: {  	_ =	shalt  }
0x85: {  	_ =	shalt  }
0x86: {  	_ =	shalt  }
0x87: {  	_ =	shalt  }
.Lfunc_end0:
.L_simem_size_0:
called_computation.5_lowered:
.L_overlay_start_0:
0x88: {  	s2 =	sld [smem:$0x3FD9]  }
0x89: {  	s3 =	sld [smem:$0x3FFE];
	_ =	sdelay $0x1  }
0x8a: {  	s1 =	srdreg.scid  }
0x8b: {  	s0 =	sand.u32 $0x1, s1  }
0x8c: {  	s17 =	sshll.u32 s0, $0xA;
	s2 =	sadd.s32 s3, s2  }
0x8d: {  	s2 =	sadd.s32 s2, s17  }
0x8e: {  	[smem:$0x3FB6] =	sst s2  }
0x8f: {  	_ = 	snop  }
0x90: {  	(tm) =	ssettm $0x1  }
0x91: {  	s18 =	sld [smem:$0x3FFB];
	_ =	sdelay $0x3  }
0x92: {  	_ =	strace s18  }
0x93: {  	s2 =	sld [smem:$0x3FFC];
	_ =	sdelay $0x3  }
0x94: {  	_ =	strace s2  }
0x95: {  	s2 =	sld [smem:$0x3FFD];
	_ =	sdelay $0x3  }
0x96: {  	_ =	strace s2  }
0x97: {  	_ =	strace $0x8FFFFFFF  }
0x98: {  	s19 =	sld [smem:$0x3FDB];
	_ =	sdelay $0x1  }
0x99: {  	s20 =	simm.s32 $_scs_section_size  }
0x9a: {  	s4 =	simm.s32 $_size__tile_overlayer_lowered;
	s5 =	simm.s32 $_tile_overlayer_lowered  }
0x9b: {  	s6 =	simm.s32 $0x1BFF;
	s21 =	sshll.u32 s5, $0x1;
	s3 =	sadd.s32 s20, s19  }
0x9c: {  	s22 =	simm.s32 $0x0;
	s4 =	sshll.u32 s4, $0x1;
	s5 =	sadd.s32 s21, s3  }
0x9d: {  	[timem:s22], [sflag:s6] =	dma.local [hbm:s5], s4  }
0x9e: {  	_ =	swait.ge [sflag:s6], s4  }
0x9f: {  	s4 =	ssub.s32 $0x0, s4;
	[sflag:s6] =	ssyncset.done $0x0  }
0xa0: {  	[sflag:s6] =	ssyncadd.s32 s4;
	_ =	sdelay $0x1  }
0xa1: {  	s23 =	simm.s32 $0x1B8B  }
0xa2: {  	_ =	swait.ge [sflag:s23], $0x1  }
0xa3: {  	[sflag:s23] =	ssyncset.done $0x0  }
0xa4: {  	[sflag:s23] =	ssyncadd.s32 $0xFFFFFFFF  }
0xa5: {  	s4 =	sld [smem:$0x0]  }
0xa6: {  	s5 =	sand.u32 $0xFFFFFFFE, s1  }
0xa7: {  	p0 =	sne.s32 s1, s5  }
0xa8: {  	s5 =	sshll.u32 @p0 s5, $0xE  }
0xa9: {  	s5 =	sadd.s32 @p0 $0x11B8D, s5;
	s6 =	sshll.u32 @p0 s4, $0x11  }
0xaa: {  	s5 =	sor.u32 @p0 s6, s5  }
0xab: {  	[sflag:s5] =	ssyncadd.remote.s32 @p0 $0x1;
	_ =	sdelay $0x1  }
0xac: {  	s5 =	simm.s32 @p0 $0x1B8D  }
0xad: {  	_ =	swait.eq @p0 [sflag:s5], $0x1  }
0xae: {  	[sflag:s5] =	ssyncadd.s32 @p0 $0xFFFFFFFF  }
0xaf: {  	s6 =	sshll.u32 @!p0 s1, $0xE  }
0xb0: {  	s6 =	sor.u32 @!p0 $0x4000, s6;
	s5 =	simm.s32 @!p0 $0x1B8D  }
0xb1: {  	s4 =	sshll.u32 @!p0 s4, $0x11;
	s6 =	sadd.s32 @!p0 $0x11B8D, s6;
	_ =	swait.eq @!p0 [sflag:s5], $0x1  }
0xb2: {  	s4 =	sor.u32 @!p0 s4, s6;
	[sflag:s5] =	ssyncadd.s32 @!p0 $0xFFFFFFFF  }
0xb3: {  	s25 =	simm.s32 $0x1B8E;
	s24 =	sld [smem:$0x3FFE];
	[sflag:s4] =	ssyncadd.remote.s32 @!p0 $0x1  }
0xb4: {  	s26 =	simm.s32 $execute0_lowered;
	[smem:$0x3FD2] =	sst s25  }
0xb5: {  	s5 =	sshll.u32 s26, $0x1;
	_ =	strace $0x80000055;
	[dreg:$0x1] =	wrdreg $0xFFFFFFFF  }
0xb6: {  	s28 =	simm.s32 $_size_execute0_lowered;
	s3 =	sadd.s32 s3, s5;
	[dreg:$0x0] =	wrdreg $0x0  }
0xb7: {  	s5 =	sshll.u32 s28, $0x1;
	[dreg:$0x2] =	wrdreg s3  }
0xb8: {  	[dreg:$0x3] =	wrdreg s5  }
0xb9: {  	[dreg:$0x4] =	wrdreg $0xC0  }
0xba: {  	_ =	task [dreg:s22], $0x5FFFF  }
0xbb: {  	[dreg:$0x1] =	wrdreg $0xFFFFFFFF  }
0xbc: {  	[dreg:$0x0] =	wrdreg $0x60  }
0xbd: {  	[dreg:$0x2] =	wrdreg s24  }
0xbe: {  	[dreg:$0x3] =	wrdreg $0xB  }
0xbf: {  	_ =	task.clear_ibuf [dreg:s22], $0x4FFFF;
	_ =	strace $0x90000055  }
0xc0: {  	s29 =	simm.s32 $0xB;
	_ =	strace $0x80000057  }
0xc1: {  	_ =	swait.ge [sflag:s29], $0x1  }
0xc2: {  	[sflag:s29] =	ssyncadd.s32 $0xFFFFFFFF  }
0xc3: {  	_ =	strace $0x90000057  }
0xc4: {  	_ =	sfence  }
0xc5: {  	s30 =	sld [smem:$0x0];
	_ =	sdelay $0x2  }
0xc6: {  	s31 =	sshll.u32 s1, $0xD;
	s1 =	sshrl.u32 s1, $0x2  }
0xc7: {  	s4 =	sand.u32 $0x4000, s31;
	s1 =	sadd.s32 s1, s30  }
0xc8: {  	s0 =	sor.u32 s4, s0;
	s1 =	sshll.u32 s1, $0x11  }
0xc9: {  	s0 =	sor.u32 s1, s0  }
0xca: {  	s0 =	sadd.s32 $0x8F2B, s0  }
0xcb: {  	[sflag:s0] =	ssyncadd.remote.s32 $0x1  }
0xcc: {  	_ =	sfence.sel $0xFFFF  }
0xcd: {  	[dreg:$0x0] =	wrdreg $0xFFFFFFFF;
	(pc) =	sbr.abs _section_cstart, $3  }
0xce: {  	[dreg:$0x1] =	wrdreg $0xFFFFFFFF  }
0xcf: {  	_ =	task.clear_ibuf [dreg:s22], $0x2FFFF;
	_ =	strace $0x9FFFFFFF  }
0xd0: {  	(tm) =	ssettm $0x7FFFFFFF  }
0xd1: {  	_ =	shalt  }
tec
execute0_lowered:
.L_overlay_start_1:
0x0: {  	(tag) =	ssettag $0x1  }
0x1: {  	s1 =	srdreg.scid  }
0x2: {  	s0 =	stileid.u32;
	s1 =	sand.u32 $0x1, s1  }
0x3: {  	s2 =	sshll.u32 s0, $0x5;
	s3 =	sshll.u32 s1, $0x4  }
0x4: {  	s5 =	rddreg [dreg:$0x0];
	s3 =	sor.u32 s3, s2;
	s2 =	simm.s32 $0x0  }
0x5: {  	s26 =	simm.s32 $0x880;
	[smem:$0x7FF] =	sst s2  }
0x6: {  	s0 =	simm.s32 $0x1080;
	_ =	strace $0x80000056;
	[dreg:$0x4] =	wrdreg s26  }
0x7: {  	s6 =	simm.s32 $0x2080;
	[dreg:$0x5] =	wrdreg s0  }
0x8: {  	s7 =	simm.s32 $0x2880;
	[dreg:$0x7] =	wrdreg s6  }
0x9: {  	s8 =	simm.s32 $0x3080;
	[dreg:$0x8] =	wrdreg s7  }
0xa: {  	s9 =	simm.s32 $0x3880;
	[dreg:$0x9] =	wrdreg s8  }
0xb: {  	s10 =	simm.s32 $0x4080;
	[dreg:$0xa] =	wrdreg s9  }
0xc: {  	s11 =	simm.s32 $0x4880;
	[dreg:$0xb] =	wrdreg s10  }
0xd: {  	s12 =	simm.s32 $0x5080;
	[dreg:$0xc] =	wrdreg s11  }
0xe: {  	s13 =	simm.s32 $0x5880;
	[dreg:$0xd] =	wrdreg s12  }
0xf: {  	s14 =	simm.s32 $0x6080;
	[dreg:$0xe] =	wrdreg s13  }
0x10: {  	s15 =	simm.s32 $0x6880;
	[dreg:$0xf] =	wrdreg s14  }
0x11: {  	s16 =	simm.s32 $0x7080;
	[dreg:$0x10] =	wrdreg s15  }
0x12: {  	s17 =	simm.s32 $0x7880;
	s18 =	simm.s32 $0x8080;
	[dreg:$0x11] =	wrdreg s16  }
0x13: {  	s19 =	simm.s32 $0x8880;
	s20 =	simm.s32 $0x9080;
	[dreg:$0x12] =	wrdreg s17  }
0x14: {  	s21 =	simm.s32 $0x9880;
	s22 =	simm.s32 $0xA080;
	[dreg:$0x13] =	wrdreg s18  }
0x15: {  	s23 =	simm.s32 $0xA880;
	s24 =	simm.s32 $0xB880;
	[dreg:$0x14] =	wrdreg s19  }
0x16: {  	s28 =	simm.s32 $0x16080;
	s29 =	simm.s32 $0x16880;
	[dreg:$0x15] =	wrdreg s20  }
0x17: {  	s30 =	simm.s32 $0x17080;
	s31 =	simm.s32 $0x17880;
	[dreg:$0x16] =	wrdreg s21  }
0x18: {  	s4 =	smul.u32 $0x300, s3;
	s3 =	sadd.s32 s3, s5;
	[dreg:$0x17] =	wrdreg s22  }
0x19: {  	s1 =	ssub.s32 $0x2, s1;
	s3 =	sadd.s32 $0x11800, s3;
	[dreg:$0x18] =	wrdreg s23  }
0x1a: {  	s6 =	sshrl.u32 s1, $0x1;
	s7 =	simm.s32 $0xB080;
	[dreg:$0x1a] =	wrdreg s24  }
0x1b: {  	s8 =	simm.s32 $0x80;
	s26 =	simm.s32 $0xC880;
	s10 =	simm.s32 $0xD880  }
0x1c: {  	s11 =	simm.s32 $0xE080;
	s12 =	simm.s32 $0xE880;
	s13 =	simm.s32 $0xF080  }
0x1d: {  	s14 =	simm.s32 $0xF880;
	s15 =	simm.s32 $0x10080;
	s16 =	simm.s32 $0x10880  }
0x1e: {  	s17 =	simm.s32 $0x11080;
	s18 =	simm.s32 $0x11880;
	s19 =	simm.s32 $0x12080  }
0x1f: {  	s20 =	simm.s32 $0x12880;
	s21 =	simm.s32 $0x13080;
	s22 =	simm.s32 $0x13880  }
0x20: {  	s23 =	simm.s32 $0x14080;
	s24 =	simm.s32 $0x14880;
	[dreg:$0x2] =	wrdreg s3  }
0x21: {  	s4 =	sadd.s32 s4, s5;
	s3 =	sadd.s32 $0x2B1E00, s5;
	[dreg:$0x19] =	wrdreg s7  }
0x22: {  	s1 =	ssub.s32 s1, s6;
	s7 =	simm.s32 $0x2;
	[dreg:$0x1c] =	wrdreg s26  }
0x23: {  	s26 =	simm.s32 $0x15880;
	s25 =	sadd.s32 $0x11A00, s4;
	s4 =	simm.s32 $0x1880  }
0x24: {  	v2 =	vlaneseq.u32;
	s6 =	smax.u32 s1, $0x1;
	s1 =	simm.s32 $0x1;
	[dreg:$0x3] =	wrdreg s25  }
0x25: {  	vm0 =	vmmov $0xffff;
	v1 =	vshrl.u32 v2, $0x3;
	[dreg:$0x6] =	wrdreg s4;
	s4 =	sadd.s32 $0x2B1F00, s5;
	s25 =	simm.s32 $0xC080  }
0x26: {  	v0 =	vand.u32 $0x7, v2;
	v2 =	vor.u32 $0x8, v2;
	v1 =	vmul.u32 $0x8, v1;
	s5 =	sadd.s32 $0x2B2000, s5;
	[dreg:$0x1b] =	wrdreg s25;
	s25 =	simm.s32 $0x15080  }
.LBB2_1:
0x27: {  	s0 =	rddreg [dreg:$0x2]  }
0x28: {  	[tilespmem:s2], [sflag:$0x2] =	stream.linear.gather [hbm4b:s0+s2], $0x80, $0x38;
	[tilespmem:$0x18080] =	vst v63  }
0x29: {  	_ =	swait.ge [sflag:s7], $0x80  }
0x2a: {  	[sflag:s7] =	ssyncset.done $0x0  }
0x2b: {  	[sflag:s7] =	ssyncadd.s32 $0xFFFFFF80  }
0x2c: {  	v3 =	vld [tilespmem:$0x0];
	_ =	sdelay $0x4  }
0x2d: {  	v4 =	vshrl.u32 v3, $0x3  }
0x2e: {  	v4 =	vmul.u32 $0x30, v4  }
0x2f: {  	v3 =	vand.u32 $0x7, v3  }
0x30: {  	v3 =	vor.u32 v3, v4  }
0x31: {  	v4 =	vperm.xlane v3, v0;
	_ =	sdelay $0x1  }
0x32: {  	v4 =	vadd.s32 v1, v4;
	_ =	sdelay $0x3  }
0x33: {  	v3 =	vperm.xlane v3, v2  }
0x34: {  	[tilespmem:s8], [sflag:$0x1] =	stream.indirect_vreg.gather [hbm4b:s3+s2], $0x80, v4, vm0, $0xb8;
	[tilespmem:$0x18080] =	vst v63  }
0x35: {  	s0 =	rddreg [dreg:$0x4];
	v3 =	vadd.s32 v1, v3  }
0x36: {  	[tilespmem:s0], [sflag:$0x1] =	stream.indirect_vreg.gather [hbm4b:s4+s2], $0x80, v4, vm0, $0xb8;
	[tilespmem:$0x18080] =	vst v63  }
0x37: {  	s9 =	rddreg [dreg:$0x5]  }
0x38: {  	[tilespmem:s9], [sflag:$0x1] =	stream.indirect_vreg.gather [hbm4b:s5+s2], $0x80, v4, vm0, $0xb8;
	[tilespmem:$0x18080] =	vst v63  }
0x39: {  	s0 =	rddreg [dreg:$0x6]  }
0x3a: {  	[tilespmem:s0], [sflag:$0x1] =	stream.indirect_vreg.gather [hbm4b:s3+s2], $0x80, v3, vm0, $0xb8;
	[tilespmem:$0x18080] =	vst v63  }
0x3b: {  	s9 =	rddreg [dreg:$0x7]  }
0x3c: {  	[tilespmem:s9], [sflag:$0x1] =	stream.indirect_vreg.gather [hbm4b:s4+s2], $0x80, v3, vm0, $0xb8;
	[tilespmem:$0x18080] =	vst v63  }
0x3d: {  	s0 =	rddreg [dreg:$0x8]  }
0x3e: {  	[tilespmem:s0], [sflag:$0x1] =	stream.indirect_vreg.gather [hbm4b:s5+s2], $0x80, v3, vm0, $0xb8;
	[tilespmem:$0x18080] =	vst v63  }
0x3f: {  	v3 =	vld [tilespmem:$0x10];
	_ =	sdelay $0x4  }
0x40: {  	v57 =	vshrl.u32 v3, $0x3  }
0x41: {  	v4 =	vmul.u32 $0x30, v57  }
0x42: {  	v3 =	vand.u32 $0x7, v3  }
0x43: {  	v3 =	vor.u32 v3, v4  }
0x44: {  	v4 =	vperm.xlane v3, v0;
	_ =	sdelay $0x1  }
0x45: {  	v4 =	vadd.s32 v1, v4;
	_ =	sdelay $0x3  }
0x46: {  	s0 =	rddreg [dreg:$0x9];
	v3 =	vperm.xlane v3, v2  }
0x47: {  	[tilespmem:s0], [sflag:$0x1] =	stream.indirect_vreg.gather [hbm4b:s3+s2], $0x80, v4, vm0, $0xb8;
	[tilespmem:$0x18080] =	vst v63  }
0x48: {  	s9 =	rddreg [dreg:$0xa];
	v3 =	vadd.s32 v1, v3  }
0x49: {  	[tilespmem:s9], [sflag:$0x1] =	stream.indirect_vreg.gather [hbm4b:s4+s2], $0x80, v4, vm0, $0xb8;
	[tilespmem:$0x18080] =	vst v63  }
0x4a: {  	s0 =	rddreg [dreg:$0xb]  }
0x4b: {  	[tilespmem:s0], [sflag:$0x1] =	stream.indirect_vreg.gather [hbm4b:s5+s2], $0x80, v4, vm0, $0xb8;
	[tilespmem:$0x18080] =	vst v63  }
0x4c: {  	s9 =	rddreg [dreg:$0xc]  }
0x4d: {  	[tilespmem:s9], [sflag:$0x1] =	stream.indirect_vreg.gather [hbm4b:s3+s2], $0x80, v3, vm0, $0xb8;
	[tilespmem:$0x18080] =	vst v63  }
0x4e: {  	s0 =	rddreg [dreg:$0xd]  }
0x4f: {  	[tilespmem:s0], [sflag:$0x1] =	stream.indirect_vreg.gather [hbm4b:s4+s2], $0x80, v3, vm0, $0xb8;
	[tilespmem:$0x18080] =	vst v63  }
0x50: {  	s9 =	rddreg [dreg:$0xe]  }
0x51: {  	[tilespmem:s9], [sflag:$0x1] =	stream.indirect_vreg.gather [hbm4b:s5+s2], $0x80, v3, vm0, $0xb8;
	[tilespmem:$0x18080] =	vst v63  }
0x52: {  	v3 =	vld [tilespmem:$0x20];
	_ =	sdelay $0x4  }
0x53: {  	v58 =	vshrl.u32 v3, $0x3  }
0x54: {  	v4 =	vmul.u32 $0x30, v58  }
0x55: {  	v3 =	vand.u32 $0x7, v3  }
0x56: {  	v3 =	vor.u32 v3, v4  }
0x57: {  	v4 =	vperm.xlane v3, v0;
	_ =	sdelay $0x1  }
0x58: {  	v4 =	vadd.s32 v1, v4;
	_ =	sdelay $0x3  }
0x59: {  	s0 =	rddreg [dreg:$0xf];
	v3 =	vperm.xlane v3, v2  }
0x5a: {  	[tilespmem:s0], [sflag:$0x1] =	stream.indirect_vreg.gather [hbm4b:s3+s2], $0x80, v4, vm0, $0xb8;
	[tilespmem:$0x18080] =	vst v63  }
0x5b: {  	s9 =	rddreg [dreg:$0x10];
	v3 =	vadd.s32 v1, v3  }
0x5c: {  	[tilespmem:s9], [sflag:$0x1] =	stream.indirect_vreg.gather [hbm4b:s4+s2], $0x80, v4, vm0, $0xb8;
	[tilespmem:$0x18080] =	vst v63  }
0x5d: {  	s0 =	rddreg [dreg:$0x11]  }
0x5e: {  	[tilespmem:s0], [sflag:$0x1] =	stream.indirect_vreg.gather [hbm4b:s5+s2], $0x80, v4, vm0, $0xb8;
	[tilespmem:$0x18080] =	vst v63  }
0x5f: {  	s9 =	rddreg [dreg:$0x12]  }
0x60: {  	[tilespmem:s9], [sflag:$0x1] =	stream.indirect_vreg.gather [hbm4b:s3+s2], $0x80, v3, vm0, $0xb8;
	[tilespmem:$0x18080] =	vst v63  }
0x61: {  	s0 =	rddreg [dreg:$0x13]  }
0x62: {  	[tilespmem:s0], [sflag:$0x1] =	stream.indirect_vreg.gather [hbm4b:s4+s2], $0x80, v3, vm0, $0xb8;
	[tilespmem:$0x18080] =	vst v63  }
0x63: {  	s9 =	rddreg [dreg:$0x14]  }
0x64: {  	[tilespmem:s9], [sflag:$0x1] =	stream.indirect_vreg.gather [hbm4b:s5+s2], $0x80, v3, vm0, $0xb8;
	[tilespmem:$0x18080] =	vst v63  }
0x65: {  	v3 =	vld [tilespmem:$0x30];
	_ =	sdelay $0x4  }
0x66: {  	v59 =	vshrl.u32 v3, $0x3  }
0x67: {  	v4 =	vmul.u32 $0x30, v59  }
0x68: {  	v3 =	vand.u32 $0x7, v3  }
0x69: {  	v3 =	vor.u32 v3, v4  }
0x6a: {  	v4 =	vperm.xlane v3, v0;
	_ =	sdelay $0x1  }
0x6b: {  	v4 =	vadd.s32 v1, v4;
	_ =	sdelay $0x3  }
0x6c: {  	s0 =	rddreg [dreg:$0x15];
	v3 =	vperm.xlane v3, v2  }
0x6d: {  	[tilespmem:s0], [sflag:$0x1] =	stream.indirect_vreg.gather [hbm4b:s3+s2], $0x80, v4, vm0, $0xb8;
	[tilespmem:$0x18080] =	vst v63  }
0x6e: {  	s9 =	rddreg [dreg:$0x16];
	v3 =	vadd.s32 v1, v3  }
0x6f: {  	[tilespmem:s9], [sflag:$0x1] =	stream.indirect_vreg.gather [hbm4b:s4+s2], $0x80, v4, vm0, $0xb8;
	[tilespmem:$0x18080] =	vst v63  }
0x70: {  	s0 =	rddreg [dreg:$0x17]  }
0x71: {  	[tilespmem:s0], [sflag:$0x1] =	stream.indirect_vreg.gather [hbm4b:s5+s2], $0x80, v4, vm0, $0xb8;
	[tilespmem:$0x18080] =	vst v63  }
0x72: {  	s9 =	rddreg [dreg:$0x18]  }
0x73: {  	[tilespmem:s9], [sflag:$0x1] =	stream.indirect_vreg.gather [hbm4b:s3+s2], $0x80, v3, vm0, $0xb8;
	[tilespmem:$0x18080] =	vst v63  }
0x74: {  	s0 =	rddreg [dreg:$0x19]  }
0x75: {  	[tilespmem:s0], [sflag:$0x1] =	stream.indirect_vreg.gather [hbm4b:s4+s2], $0x80, v3, vm0, $0xb8;
	[tilespmem:$0x18080] =	vst v63  }
0x76: {  	s9 =	rddreg [dreg:$0x1a]  }
0x77: {  	[tilespmem:s9], [sflag:$0x1] =	stream.indirect_vreg.gather [hbm4b:s5+s2], $0x80, v3, vm0, $0xb8;
	[tilespmem:$0x18080] =	vst v63  }
0x78: {  	v3 =	vld [tilespmem:$0x40];
	_ =	sdelay $0x4  }
0x79: {  	v60 =	vshrl.u32 v3, $0x3  }
0x7a: {  	v4 =	vmul.u32 $0x30, v60  }
0x7b: {  	v3 =	vand.u32 $0x7, v3  }
0x7c: {  	v3 =	vor.u32 v3, v4  }
0x7d: {  	v4 =	vperm.xlane v3, v0;
	_ =	sdelay $0x1  }
0x7e: {  	v4 =	vadd.s32 v1, v4;
	_ =	sdelay $0x3  }
0x7f: {  	s0 =	rddreg [dreg:$0x1b];
	v3 =	vperm.xlane v3, v2  }
0x80: {  	[tilespmem:s0], [sflag:$0x1] =	stream.indirect_vreg.gather [hbm4b:s3+s2], $0x80, v4, vm0, $0xb8;
	[tilespmem:$0x18080] =	vst v63  }
0x81: {  	s9 =	rddreg [dreg:$0x1c];
	v3 =	vadd.s32 v1, v3  }
0x82: {  	[tilespmem:s9], [sflag:$0x1] =	stream.indirect_vreg.gather [hbm4b:s4+s2], $0x80, v4, vm0, $0xb8;
	[tilespmem:$0x18080] =	vst v63  }
0x83: {  	s9 =	simm.s32 $0xD080  }
0x84: {  	[tilespmem:s9], [sflag:$0x1] =	stream.indirect_vreg.gather [hbm4b:s5+s2], $0x80, v4, vm0, $0xb8;
	[tilespmem:$0x18080] =	vst v63  }
0x85: {  	_ = 	snop  }
0x86: {  	[tilespmem:s10], [sflag:$0x1] =	stream.indirect_vreg.gather [hbm4b:s3+s2], $0x80, v3, vm0, $0xb8;
	[tilespmem:$0x18080] =	vst v63  }
0x87: {  	_ = 	snop  }
0x88: {  	[tilespmem:s11], [sflag:$0x1] =	stream.indirect_vreg.gather [hbm4b:s4+s2], $0x80, v3, vm0, $0xb8;
	[tilespmem:$0x18080] =	vst v63  }
0x89: {  	_ = 	snop  }
0x8a: {  	[tilespmem:s12], [sflag:$0x1] =	stream.indirect_vreg.gather [hbm4b:s5+s2], $0x80, v3, vm0, $0xb8;
	[tilespmem:$0x18080] =	vst v63  }
0x8b: {  	v3 =	vld [tilespmem:$0x50];
	_ =	sdelay $0x4  }
0x8c: {  	v61 =	vshrl.u32 v3, $0x3  }
0x8d: {  	v4 =	vmul.u32 $0x30, v61  }
0x8e: {  	v3 =	vand.u32 $0x7, v3  }
0x8f: {  	v3 =	vor.u32 v3, v4  }
0x90: {  	v4 =	vperm.xlane v3, v0;
	_ =	sdelay $0x1  }
0x91: {  	v4 =	vadd.s32 v1, v4;
	_ =	sdelay $0x3  }
0x92: {  	v3 =	vperm.xlane v3, v2  }
0x93: {  	[tilespmem:s13], [sflag:$0x1] =	stream.indirect_vreg.gather [hbm4b:s3+s2], $0x80, v4, vm0, $0xb8;
	[tilespmem:$0x18080] =	vst v63  }
0x94: {  	v3 =	vadd.s32 v1, v3  }
0x95: {  	[tilespmem:s14], [sflag:$0x1] =	stream.indirect_vreg.gather [hbm4b:s4+s2], $0x80, v4, vm0, $0xb8;
	[tilespmem:$0x18080] =	vst v63  }
0x96: {  	_ = 	snop  }
0x97: {  	[tilespmem:s15], [sflag:$0x1] =	stream.indirect_vreg.gather [hbm4b:s5+s2], $0x80, v4, vm0, $0xb8;
	[tilespmem:$0x18080] =	vst v63  }
0x98: {  	_ = 	snop  }
0x99: {  	[tilespmem:s16], [sflag:$0x1] =	stream.indirect_vreg.gather [hbm4b:s3+s2], $0x80, v3, vm0, $0xb8;
	[tilespmem:$0x18080] =	vst v63  }
0x9a: {  	_ = 	snop  }
0x9b: {  	[tilespmem:s17], [sflag:$0x1] =	stream.indirect_vreg.gather [hbm4b:s4+s2], $0x80, v3, vm0, $0xb8;
	[tilespmem:$0x18080] =	vst v63  }
0x9c: {  	_ = 	snop  }
0x9d: {  	[tilespmem:s18], [sflag:$0x1] =	stream.indirect_vreg.gather [hbm4b:s5+s2], $0x80, v3, vm0, $0xb8;
	[tilespmem:$0x18080] =	vst v63  }
0x9e: {  	v3 =	vld [tilespmem:$0x60];
	_ =	sdelay $0x4  }
0x9f: {  	v62 =	vshrl.u32 v3, $0x3  }
0xa0: {  	v4 =	vmul.u32 $0x30, v62  }
0xa1: {  	v3 =	vand.u32 $0x7, v3  }
0xa2: {  	v3 =	vor.u32 v3, v4  }
0xa3: {  	v4 =	vperm.xlane v3, v0;
	_ =	sdelay $0x1  }
0xa4: {  	v4 =	vadd.s32 v1, v4;
	_ =	sdelay $0x3  }
0xa5: {  	v3 =	vperm.xlane v3, v2  }
0xa6: {  	[tilespmem:s19], [sflag:$0x1] =	stream.indirect_vreg.gather [hbm4b:s3+s2], $0x80, v4, vm0, $0xb8;
	[tilespmem:$0x18080] =	vst v63  }
0xa7: {  	v3 =	vadd.s32 v1, v3  }
0xa8: {  	[tilespmem:s20], [sflag:$0x1] =	stream.indirect_vreg.gather [hbm4b:s4+s2], $0x80, v4, vm0, $0xb8;
	[tilespmem:$0x18080] =	vst v63  }
0xa9: {  	_ = 	snop  }
0xaa: {  	[tilespmem:s21], [sflag:$0x1] =	stream.indirect_vreg.gather [hbm4b:s5+s2], $0x80, v4, vm0, $0xb8;
	[tilespmem:$0x18080] =	vst v63  }
0xab: {  	_ = 	snop  }
0xac: {  	[tilespmem:s22], [sflag:$0x1] =	stream.indirect_vreg.gather [hbm4b:s3+s2], $0x80, v3, vm0, $0xb8;
	[tilespmem:$0x18080] =	vst v63  }
0xad: {  	_ = 	snop  }
0xae: {  	[tilespmem:s23], [sflag:$0x1] =	stream.indirect_vreg.gather [hbm4b:s4+s2], $0x80, v3, vm0, $0xb8;
	[tilespmem:$0x18080] =	vst v63  }
0xaf: {  	_ = 	snop  }
0xb0: {  	[tilespmem:s24], [sflag:$0x1] =	stream.indirect_vreg.gather [hbm4b:s5+s2], $0x80, v3, vm0, $0xb8;
	[tilespmem:$0x18080] =	vst v63  }
0xb1: {  	v3 =	vld [tilespmem:$0x70];
	_ =	sdelay $0x4  }
0xb2: {  	v63 =	vshrl.u32 v3, $0x3  }
0xb3: {  	v4 =	vmul.u32 $0x30, v63  }
0xb4: {  	v3 =	vand.u32 $0x7, v3  }
0xb5: {  	v3 =	vor.u32 v3, v4  }
0xb6: {  	v4 =	vperm.xlane v3, v0;
	_ =	sdelay $0x1  }
0xb7: {  	v4 =	vadd.s32 v1, v4;
	_ =	sdelay $0x3  }
0xb8: {  	v3 =	vperm.xlane v3, v2  }
0xb9: {  	[tilespmem:s25], [sflag:$0x1] =	stream.indirect_vreg.gather [hbm4b:s3+s2], $0x80, v4, vm0, $0xb8;
	[tilespmem:$0x18080] =	vst v63  }
0xba: {  	v3 =	vadd.s32 v1, v3  }
0xbb: {  	[tilespmem:s26], [sflag:$0x1] =	stream.indirect_vreg.gather [hbm4b:s4+s2], $0x80, v4, vm0, $0xb8;
	[tilespmem:$0x18080] =	vst v63  }
0xbc: {  	_ = 	snop  }
0xbd: {  	[tilespmem:s28], [sflag:$0x1] =	stream.indirect_vreg.gather [hbm4b:s5+s2], $0x80, v4, vm0, $0xb8;
	[tilespmem:$0x18080] =	vst v63  }
0xbe: {  	_ = 	snop  }
0xbf: {  	[tilespmem:s29], [sflag:$0x1] =	stream.indirect_vreg.gather [hbm4b:s3+s2], $0x80, v3, vm0, $0xb8;
	[tilespmem:$0x18080] =	vst v63  }
0xc0: {  	_ = 	snop  }
0xc1: {  	[tilespmem:s30], [sflag:$0x1] =	stream.indirect_vreg.gather [hbm4b:s4+s2], $0x80, v3, vm0, $0xb8;
	[tilespmem:$0x18080] =	vst v63  }
0xc2: {  	_ = 	snop  }
0xc3: {  	[tilespmem:s31], [sflag:$0x1] =	stream.indirect_vreg.gather [hbm4b:s5+s2], $0x80, v3, vm0, $0xb8;
	[tilespmem:$0x18080] =	vst v63  }
0xc4: {  	_ =	swait.ge [sflag:s1], $0x18000  }
0xc5: {  	p0 =	sne.s32 s6, $0x1;
	[sflag:s1] =	ssyncset.done $0x0  }
.Ltmp0:
0xc6: {  	s9 =	rddreg [dreg:$0x3];
	[sflag:s1] =	ssyncadd.s32 $0xFFFE8000;
	(pc) =	sbr.rel @p0 .LBB2_1-.Ltmp0, $4  }
0xc7: {  	[hbm4b:s9+s2] =	stream.linear.scatter [tilespmem:s8], [sflag:$0x2], $0x18000, $0x38;
	[tilespmem:$0x18080] =	vst v63  }
0xc8: {  	_ =	swait.ge [sflag:s7], $0x18000  }
0xc9: {  	[sflag:s7] =	ssyncset.done $0x0  }
0xca: {  	s6 =	sadd.s32 $0xFFFFFFFF, s6;
	[sflag:s7] =	ssyncadd.s32 $0xFFFE8000  }
0xcb: {  	_ =	sfence.sel $0x180000  }
0xcc: {  	[bflag:$0x0] =	sbarrier.arrive $0xFFFF  }
0xcd: {  	_ =	strace $0x90000056  }
0xce: {  	s0 =	stileid.u32;
	[bflag:$0x2] =	sbarrier.arrive $0xFFFF  }
0xcf: {  	p0 =	sne.s32 s0, $0x0;
	s0 =	rddreg [dreg:$0x1]  }
0xd0: {  	s0 =	sadd.s32 @!p0 $0x100000, s0  }
0xd1: {  	[sflag:s0] =	ssyncadd.tile.s32 @!p0 $0x1;
	_ =	shalt  }
.Lfunc_end2:
_tile_overlayer_lowered:
.L_overlay_start_2:
0xd2: {  	(tag) =	ssettag $0x2  }
0xd3: {  	s0 =	rddreg [dreg:$0x0];
	s2 =	stileid.u32  }
0xd4: {  	s1 =	rddreg [dreg:$0x1];
	p0 =	sne.s32 s2, $0x0  }
0xd5: {  	s3 =	rddreg [dreg:$0x2];
	[bflag:$0x3] =	sbarrier.arrive $0xFFFF;
	s2 =	simm.s32 @!p0 $0x1C02  }
0xd6: {  	[timem:s3], [sflag:s2] =	dma.local @!p0 [hbm:s0], s1  }
0xd7: {  	s0 =	simm.s32 @!p0 $0x2  }
0xd8: {  	_ =	swait.ge @!p0 [sflag:s0], s1  }
0xd9: {  	s1 =	ssub.s32 @!p0 $0x0, s1;
	[sflag:s0] =	ssyncset.done @!p0 $0x0  }
0xda: {  	[sflag:s0] =	ssyncadd.s32 @!p0 s1  }
0xdb: {  	[bflag:$0x3] =	sbarrier.arrive $0xFFFF  }
0xdc: {  	_ =	shalt  }

// kernel: kernel.9.cloned.1.call-start
scs
__scs_entry_jumppad:
0x0: {  	(pc) =	sbr.rel $0x88, $3  }
0x1: {  	(tag) =	ssettag $0x0;
	lr =	simm.s32 $0x1  }
0x2: {  	[smem:$0x3F8F] =	sst lr;
	_ =	strace $0xD0000000  }
0x3: {  	_ = 	snop  }
0x4: {  	_ = 	snop  }
0x5: {  	_ = 	snop  }
0x6: {  	_ = 	snop  }
0x7: {  	_ = 	snop  }
__scs_overlays_trampoline_lowered:
0x8: {  	[smem:$0x3F9E] =	sst s0  }
0x9: {  	[smem:$0x3F9F] =	sst s1  }
0xa: {  	[smem:$0x3FA0] =	sst s2  }
0xb: {  	[smem:$0x3FA1] =	sst s3  }
0xc: {  	[smem:$0x3FA2] =	sst s4  }
0xd: {  	[smem:$0x3FA3] =	sst s5  }
0xe: {  	[smem:$0x3FA4] =	sst s6  }
0xf: {  	[smem:$0x3FA5] =	sst s7  }
0x10: {  	[smem:$0x3FA6] =	sst s8  }
0x11: {  	[smem:$0x3FA7] =	sst s9;
	s0 =	simm.s32 @!p0 $0x0  }
0x12: {  	s1 =	sld [smem:$0x3F8D];
	s0 =	simm.s32 @p0 $0x1  }
0x13: {  	[smem:$0x3FA8] =	sst s0;
	s0 =	simm.s32 @!p1 $0x0  }
0x14: {  	s2 =	sld [smem:$0x3F8C];
	s0 =	simm.s32 @p1 $0x1  }
0x15: {  	[smem:$0x3FA9] =	sst s0;
	s0 =	simm.s32 @!p2 $0x0  }
0x16: {  	s3 =	sld [smem:$0x3FDB];
	s0 =	simm.s32 @p2 $0x1  }
0x17: {  	s4 =	simm.s32 $0x1BF5;
	[smem:$0x3FAB] =	sst s0  }
0x18: {  	s0 =	sld [smem:$0x3F8E];
	_ =	swait.ge [sflag:s4], $0x0  }
0x19: {  	s7 =	sld [smem:$0x3F8F]  }
0x1a: {  	s8 =	sadd.s32 $0xFFFFE003, lr  }
0x1b: {  	s9 =	sadd.s32 $0xFFFFFEF7, lr;
	s5 =	simm.s32 $0xFFFFFFFF;
	p2 =	slt.u32 s8, $0xFFFFF086  }
0x1c: {  	p1 =	slt.u32 s9, $0xF7A;
	s5 =	simm.s32 @!p2 $0x0  }
0x1d: {  	s5 =	simm.s32 @p1 $0x1;
	p0 =	seq.s32 s7, s2  }
0x1e: {  	s7 =	smul.u32 @!p0 $0xF7A, s2;
	p2 =	seq.s32 @!p0 s5, $0x0  }
0x1f: {  	s9 =	smul.u32 $0xF7A, s1;
	s8 =	simm.s32 @!p0 $0x1BF5;
	p2 =	por !p2, p0  }
0x20: {  	[sflag:s8] =	ssyncset.s32 @!p0 $0xFFFFF086;
	s6 =	sadd.s32 @!p0 s3, s7;
	s7 =	simm.s32 @!p0 $0x108  }
0x21: {  	s3 =	sadd.s32 s3, s9;
	s6 =	sadd.s32 @!p0 $0x88, s6;
	s7 =	simm.s32 @p2 $0x1082  }
0x22: {  	[simem:s7], [sflag:s8] =	dma.local @!p0 [hbm:s6], $0xF7A  }
0x23: {  	s9 =	sor.u32 $0xD0000000, s2;
	s6 =	simm.s32 $0x108;
	_ =	swait.ge @!p0 [sflag:s8], $0x0  }
0x24: {  	s3 =	sadd.s32 $0x88, s3;
	s6 =	simm.s32 @!p1 $0x1082;
	[sflag:s4] =	ssyncset.s32 $0xFFFFF086  }
0x25: {  	[simem:s6], [sflag:s4] =	dma.local [hbm:s3], $0xF7A  }
0x26: {  	[smem:$0x3F8F] =	sst s1;
	(tag) =	ssettag s2;
	_ =	strace s9  }
0x27: {  	s1 =	sld [smem:$0x3F9F]  }
0x28: {  	s2 =	sld [smem:$0x3FA0]  }
0x29: {  	s4 =	sld [smem:$0x3FA2]  }
0x2a: {  	p0 =	seq.s32 s5, $0x0;
	s5 =	sld [smem:$0x3FA3]  }
0x2b: {  	s6 =	sld [smem:$0x3FA4]  }
0x2c: {  	s7 =	sld [smem:$0x3FA5]  }
0x2d: {  	s3 =	simm.s32 $0x108;
	s8 =	sld [smem:$0x3FA6]  }
0x2e: {  	s3 =	simm.s32 @!p0 $0x1082;
	s9 =	sld [smem:$0x3FA7]  }
0x2f: {  	lr =	sadd.s32 s0, s3;
	s0 =	sld [smem:$0x3F9E]  }
0x30: {  	s3 =	sld [smem:$0x3FA1]  }
0x31: {  	[smem:$0x3FAA] =	sst s10  }
0x32: {  	s10 =	sld [smem:$0x3FA8];
	_ =	sdelay $0x3  }
0x33: {  	p0 =	seq.s32 s10, $0x1;
	s10 =	sld [smem:$0x3FAA];
	_ =	sdelay $0x3  }
0x34: {  	[smem:$0x3FAA] =	sst s10  }
0x35: {  	s10 =	sld [smem:$0x3FA9];
	_ =	sdelay $0x3  }
0x36: {  	p1 =	seq.s32 s10, $0x1;
	s10 =	sld [smem:$0x3FAA];
	_ =	sdelay $0x3  }
0x37: {  	[smem:$0x3FAA] =	sst s10  }
0x38: {  	s10 =	sld [smem:$0x3FAB]  }
0x39: {  	_ = 	snop;
	(pc) =	sbr.ind lr, $3  }
0x3a: {  	_ = 	snop  }
0x3b: {  	_ = 	snop  }
0x3c: {  	p2 =	seq.s32 s10, $0x1;
	s10 =	sld [smem:$0x3FAA]  }
0x3d: {  	_ =	shalt  }
0x3e: {  	_ =	shalt  }
0x3f: {  	_ =	shalt  }
0x40: {  	_ =	shalt  }
0x41: {  	_ =	shalt  }
0x42: {  	_ =	shalt  }
0x43: {  	_ =	shalt  }
0x44: {  	_ =	shalt  }
0x45: {  	_ =	shalt  }
0x46: {  	_ =	shalt  }
0x47: {  	_ =	shalt  }
0x48: {  	_ =	shalt  }
0x49: {  	_ =	shalt  }
0x4a: {  	_ =	shalt  }
0x4b: {  	_ =	shalt  }
0x4c: {  	_ =	shalt  }
0x4d: {  	_ =	shalt  }
0x4e: {  	_ =	shalt  }
0x4f: {  	_ =	shalt  }
0x50: {  	_ =	shalt  }
0x51: {  	_ =	shalt  }
0x52: {  	_ =	shalt  }
0x53: {  	_ =	shalt  }
0x54: {  	_ =	shalt  }
0x55: {  	_ =	shalt  }
0x56: {  	_ =	shalt  }
0x57: {  	_ =	shalt  }
0x58: {  	_ =	shalt  }
0x59: {  	_ =	shalt  }
0x5a: {  	_ =	shalt  }
0x5b: {  	_ =	shalt  }
0x5c: {  	_ =	shalt  }
0x5d: {  	_ =	shalt  }
0x5e: {  	_ =	shalt  }
0x5f: {  	_ =	shalt  }
0x60: {  	_ =	shalt  }
0x61: {  	_ =	shalt  }
0x62: {  	_ =	shalt  }
0x63: {  	_ =	shalt  }
0x64: {  	_ =	shalt  }
0x65: {  	_ =	shalt  }
0x66: {  	_ =	shalt  }
0x67: {  	_ =	shalt  }
0x68: {  	_ =	shalt  }
0x69: {  	_ =	shalt  }
0x6a: {  	_ =	shalt  }
0x6b: {  	_ =	shalt  }
0x6c: {  	_ =	shalt  }
0x6d: {  	_ =	shalt  }
0x6e: {  	_ =	shalt  }
0x6f: {  	_ =	shalt  }
0x70: {  	_ =	shalt  }
0x71: {  	_ =	shalt  }
0x72: {  	_ =	shalt  }
0x73: {  	_ =	shalt  }
0x74: {  	_ =	shalt  }
0x75: {  	_ =	shalt  }
0x76: {  	_ =	shalt  }
0x77: {  	_ =	shalt  }
0x78: {  	_ =	shalt  }
0x79: {  	_ =	shalt  }
0x7a: {  	_ =	shalt  }
0x7b: {  	_ =	shalt  }
0x7c: {  	_ =	shalt  }
0x7d: {  	_ =	shalt  }
0x7e: {  	_ =	shalt  }
0x7f: {  	_ =	shalt  }
0x80: {  	_ =	shalt  }
0x81: {  	_ =	shalt  }
0x82: {  	_ =	shalt  }
0x83: {  	_ =	shalt  }
0x84: {  	_ =	shalt  }
0x85: {  	_ =	shalt  }
0x86: {  	_ =	shalt  }
0x87: {  	_ =	shalt  }
.Lfunc_end0:
.L_simem_size_0:
called_computation.4_lowered:
.L_overlay_start_0:
0x88: {  	s2 =	sld [smem:$0x3FD9]  }
0x89: {  	s3 =	sld [smem:$0x3FFE];
	_ =	sdelay $0x1  }
0x8a: {  	s1 =	srdreg.scid  }
0x8b: {  	s0 =	sand.u32 $0x1, s1  }
0x8c: {  	s17 =	sshll.u32 s0, $0xA;
	s2 =	sadd.s32 s3, s2  }
0x8d: {  	s2 =	sadd.s32 s2, s17  }
0x8e: {  	[smem:$0x3FB6] =	sst s2  }
0x8f: {  	_ = 	snop  }
0x90: {  	(tm) =	ssettm $0x1  }
0x91: {  	s18 =	sld [smem:$0x3FFB];
	_ =	sdelay $0x3  }
0x92: {  	_ =	strace s18  }
0x93: {  	s2 =	sld [smem:$0x3FFC];
	_ =	sdelay $0x3  }
0x94: {  	_ =	strace s2  }
0x95: {  	s2 =	sld [smem:$0x3FFD];
	_ =	sdelay $0x3  }
0x96: {  	_ =	strace s2  }
0x97: {  	_ =	strace $0x8FFFFFFF  }
0x98: {  	s19 =	sld [smem:$0x3FDB];
	_ =	sdelay $0x1  }
0x99: {  	s20 =	simm.s32 $_scs_section_size  }
0x9a: {  	s4 =	simm.s32 $_size__tile_overlayer_lowered;
	s5 =	simm.s32 $_tile_overlayer_lowered  }
0x9b: {  	s6 =	simm.s32 $0x1BFF;
	s21 =	sshll.u32 s5, $0x1;
	s3 =	sadd.s32 s20, s19  }
0x9c: {  	s22 =	simm.s32 $0x0;
	s4 =	sshll.u32 s4, $0x1;
	s5 =	sadd.s32 s21, s3  }
0x9d: {  	[timem:s22], [sflag:s6] =	dma.local [hbm:s5], s4  }
0x9e: {  	_ =	swait.ge [sflag:s6], s4  }
0x9f: {  	s4 =	ssub.s32 $0x0, s4;
	[sflag:s6] =	ssyncset.done $0x0  }
0xa0: {  	[sflag:s6] =	ssyncadd.s32 s4;
	_ =	sdelay $0x1  }
0xa1: {  	s23 =	simm.s32 $0x1B8B  }
0xa2: {  	_ =	swait.ge [sflag:s23], $0x1  }
0xa3: {  	[sflag:s23] =	ssyncset.done $0x0  }
0xa4: {  	[sflag:s23] =	ssyncadd.s32 $0xFFFFFFFF  }
0xa5: {  	s4 =	sld [smem:$0x0]  }
0xa6: {  	s5 =	sand.u32 $0xFFFFFFFE, s1  }
0xa7: {  	p0 =	sne.s32 s1, s5  }
0xa8: {  	s5 =	sshll.u32 @p0 s5, $0xE  }
0xa9: {  	s5 =	sadd.s32 @p0 $0x11B8D, s5;
	s6 =	sshll.u32 @p0 s4, $0x11  }
0xaa: {  	s5 =	sor.u32 @p0 s6, s5  }
0xab: {  	[sflag:s5] =	ssyncadd.remote.s32 @p0 $0x1;
	_ =	sdelay $0x1  }
0xac: {  	s5 =	simm.s32 @p0 $0x1B8D  }
0xad: {  	_ =	swait.eq @p0 [sflag:s5], $0x1  }
0xae: {  	[sflag:s5] =	ssyncadd.s32 @p0 $0xFFFFFFFF  }
0xaf: {  	s6 =	sshll.u32 @!p0 s1, $0xE  }
0xb0: {  	s6 =	sor.u32 @!p0 $0x4000, s6;
	s5 =	simm.s32 @!p0 $0x1B8D  }
0xb1: {  	s4 =	sshll.u32 @!p0 s4, $0x11;
	s6 =	sadd.s32 @!p0 $0x11B8D, s6;
	_ =	swait.eq @!p0 [sflag:s5], $0x1  }
0xb2: {  	s4 =	sor.u32 @!p0 s4, s6;
	[sflag:s5] =	ssyncadd.s32 @!p0 $0xFFFFFFFF  }
0xb3: {  	s25 =	simm.s32 $0x1B8E;
	s24 =	sld [smem:$0x3FFE];
	[sflag:s4] =	ssyncadd.remote.s32 @!p0 $0x1  }
0xb4: {  	s26 =	simm.s32 $execute0_lowered;
	[smem:$0x3FD2] =	sst s25  }
0xb5: {  	s5 =	sshll.u32 s26, $0x1;
	_ =	strace $0x8000004C;
	[dreg:$0x1] =	wrdreg $0xFFFFFFFF  }
0xb6: {  	s28 =	simm.s32 $_size_execute0_lowered;
	s3 =	sadd.s32 s3, s5;
	[dreg:$0x0] =	wrdreg $0x0  }
0xb7: {  	s5 =	sshll.u32 s28, $0x1;
	[dreg:$0x2] =	wrdreg s3  }
0xb8: {  	[dreg:$0x3] =	wrdreg s5  }
0xb9: {  	[dreg:$0x4] =	wrdreg $0xC0  }
0xba: {  	_ =	task [dreg:s22], $0x5FFFF  }
0xbb: {  	[dreg:$0x1] =	wrdreg $0xFFFFFFFF  }
0xbc: {  	[dreg:$0x0] =	wrdreg $0x60  }
0xbd: {  	[dreg:$0x2] =	wrdreg s24  }
0xbe: {  	[dreg:$0x3] =	wrdreg $0xB  }
0xbf: {  	_ =	task.clear_ibuf [dreg:s22], $0x4FFFF;
	_ =	strace $0x9000004C  }
0xc0: {  	s29 =	simm.s32 $0xB;
	_ =	strace $0x8000004E  }
0xc1: {  	_ =	swait.ge [sflag:s29], $0x1  }
0xc2: {  	[sflag:s29] =	ssyncadd.s32 $0xFFFFFFFF  }
0xc3: {  	_ =	strace $0x9000004E  }
0xc4: {  	_ =	sfence  }
0xc5: {  	s30 =	sld [smem:$0x0];
	_ =	sdelay $0x2  }
0xc6: {  	s31 =	sshll.u32 s1, $0xD;
	s1 =	sshrl.u32 s1, $0x2  }
0xc7: {  	s4 =	sand.u32 $0x4000, s31;
	s1 =	sadd.s32 s1, s30  }
0xc8: {  	s0 =	sor.u32 s4, s0;
	s1 =	sshll.u32 s1, $0x11  }
0xc9: {  	s0 =	sor.u32 s1, s0  }
0xca: {  	s0 =	sadd.s32 $0x8F2B, s0  }
0xcb: {  	[sflag:s0] =	ssyncadd.remote.s32 $0x1  }
0xcc: {  	_ =	sfence.sel $0xFFFF  }
0xcd: {  	[dreg:$0x0] =	wrdreg $0xFFFFFFFF;
	(pc) =	sbr.abs _section_cstart, $3  }
0xce: {  	[dreg:$0x1] =	wrdreg $0xFFFFFFFF  }
0xcf: {  	_ =	task.clear_ibuf [dreg:s22], $0x2FFFF;
	_ =	strace $0x9FFFFFFF  }
0xd0: {  	(tm) =	ssettm $0x7FFFFFFF  }
0xd1: {  	_ =	shalt  }
tec
execute0_lowered:
.L_overlay_start_1:
0x0: {  	(tag) =	ssettag $0x1  }
0x1: {  	s1 =	srdreg.scid  }
0x2: {  	s0 =	stileid.u32;
	s4 =	rddreg [dreg:$0x0]  }
0x3: {  	s8 =	simm.s32 $0x880;
	s9 =	simm.s32 $0xC80;
	s10 =	simm.s32 $0x1480  }
0x4: {  	s11 =	simm.s32 $0x1880;
	s12 =	simm.s32 $0x2080;
	s13 =	simm.s32 $0x2480  }
0x5: {  	s14 =	simm.s32 $0x2C80;
	s15 =	simm.s32 $0x3080;
	s16 =	simm.s32 $0x3880  }
0x6: {  	s17 =	simm.s32 $0x3C80;
	s18 =	simm.s32 $0x4480;
	s19 =	simm.s32 $0x4880  }
0x7: {  	s20 =	simm.s32 $0x5080;
	s21 =	simm.s32 $0x5480;
	s22 =	simm.s32 $0x5C80  }
0x8: {  	s23 =	simm.s32 $0x6080;
	s1 =	sand.u32 $0x1, s1;
	s2 =	sshll.u32 s0, $0x1  }
0x9: {  	s24 =	simm.s32 $0x6880;
	s28 =	simm.s32 $0x7880;
	s2 =	sor.u32 s1, s2  }
0xa: {  	s29 =	simm.s32 $0x8080;
	s1 =	ssub.s32 $0x2, s1;
	s2 =	smul.u32 $0xC0, s2  }
0xb: {  	s30 =	simm.s32 $0x8480;
	s31 =	simm.s32 $0x8C80;
	s26 =	sshrl.u32 s1, $0x1  }
0xc: {  	s1 =	ssub.s32 s1, s26;
	s3 =	sshrl.u32 s2, $0x3;
	s2 =	simm.s32 $0x0  }
0xd: {  	s5 =	smul.u32 $0x180, s3;
	[smem:$0x7FF] =	sst s2;
	s6 =	sadd.s32 s3, s4  }
0xe: {  	s26 =	simm.s32 $0x7480;
	_ =	strace $0x8000004D;
	s7 =	sadd.s32 $0x11400, s6  }
0xf: {  	s6 =	sadd.s32 $0x1140C, s6;
	s5 =	sadd.s32 s5, s4;
	[dreg:$0x2] =	wrdreg s7  }
0x10: {  	s3 =	sadd.s32 $0x11C00, s4;
	[dreg:$0x4] =	wrdreg s6;
	s25 =	sadd.s32 $0x29C00, s5  }
0x11: {  	v2 =	vlaneseq.u32;
	s4 =	sadd.s32 $0x11D00, s4;
	s5 =	sadd.s32 $0x2AE00, s5;
	[dreg:$0x3] =	wrdreg s25  }
0x12: {  	vm0 =	vmmov $0xffff;
	vm1 =	vmmov $0xff;
	v1 =	vshrl.u32 v2, $0x3;
	s6 =	simm.s32 $0x2;
	s7 =	simm.s32 $0x80;
	[dreg:$0x5] =	wrdreg s5  }
0x13: {  	v0 =	vand.u32 $0x7, v2;
	v2 =	vor.u32 $0x8, v2;
	v1 =	vmul.u32 $0x8, v1;
	s5 =	smax.u32 s1, $0x1;
	s25 =	simm.s32 $0x6C80;
	s1 =	simm.s32 $0x1  }
.LBB2_1:
0x14: {  	s0 =	rddreg [dreg:$0x2]  }
0x15: {  	[tilespmem:s2], [sflag:$0x2] =	stream.linear.gather [hbm4b:s0+s2], $0x60, $0x38;
	[tilespmem:$0x9080] =	vst v63  }
0x16: {  	_ =	swait.ge [sflag:s6], $0x60  }
0x17: {  	[sflag:s6] =	ssyncset.done $0x0  }
0x18: {  	[sflag:s6] =	ssyncadd.s32 $0xFFFFFFA0  }
0x19: {  	v3 =	vld [tilespmem:$0x0];
	_ =	sdelay $0x4  }
0x1a: {  	v4 =	vshrl.u32 v3, $0x3  }
0x1b: {  	v4 =	vmul.u32 $0x18, v4  }
0x1c: {  	v3 =	vand.u32 $0x7, v3  }
0x1d: {  	v3 =	vor.u32 v3, v4  }
0x1e: {  	v4 =	vperm.xlane v3, v0;
	_ =	sdelay $0x1  }
0x1f: {  	v4 =	vadd.s32 v1, v4;
	_ =	sdelay $0x1  }
0x20: {  	v3 =	vperm.xlane v3, v2;
	_ =	sdelay $0x1  }
0x21: {  	v3 =	vadd.s32 v1, v3  }
0x22: {  	[tilespmem:s7], [sflag:$0x1] =	stream.indirect_vreg.gather [hbm4b:s3+s2], $0x80, v4, vm0, $0xb8;
	[tilespmem:$0x9080] =	vst v63  }
0x23: {  	_ = 	snop  }
0x24: {  	[tilespmem:s8], [sflag:$0x1] =	stream.indirect_vreg.gather [hbm4b:s4+s2], $0x80, v4, vm1, $0xb8;
	[tilespmem:$0x9080] =	vst v63  }
0x25: {  	_ = 	snop  }
0x26: {  	[tilespmem:s9], [sflag:$0x1] =	stream.indirect_vreg.gather [hbm4b:s3+s2], $0x80, v3, vm0, $0xb8;
	[tilespmem:$0x9080] =	vst v63  }
0x27: {  	_ = 	snop  }
0x28: {  	[tilespmem:s10], [sflag:$0x1] =	stream.indirect_vreg.gather [hbm4b:s4+s2], $0x80, v3, vm1, $0xb8;
	[tilespmem:$0x9080] =	vst v63  }
0x29: {  	v3 =	vld [tilespmem:$0x10];
	_ =	sdelay $0x4  }
0x2a: {  	v53 =	vshrl.u32 v3, $0x3  }
0x2b: {  	v4 =	vmul.u32 $0x18, v53  }
0x2c: {  	v3 =	vand.u32 $0x7, v3  }
0x2d: {  	v3 =	vor.u32 v3, v4  }
0x2e: {  	v4 =	vperm.xlane v3, v0;
	_ =	sdelay $0x1  }
0x2f: {  	v4 =	vadd.s32 v1, v4;
	_ =	sdelay $0x1  }
0x30: {  	v3 =	vperm.xlane v3, v2;
	_ =	sdelay $0x1  }
0x31: {  	v3 =	vadd.s32 v1, v3  }
0x32: {  	[tilespmem:s11], [sflag:$0x1] =	stream.indirect_vreg.gather [hbm4b:s3+s2], $0x80, v4, vm0, $0xb8;
	[tilespmem:$0x9080] =	vst v63  }
0x33: {  	_ = 	snop  }
0x34: {  	[tilespmem:s12], [sflag:$0x1] =	stream.indirect_vreg.gather [hbm4b:s4+s2], $0x80, v4, vm1, $0xb8;
	[tilespmem:$0x9080] =	vst v63  }
0x35: {  	_ = 	snop  }
0x36: {  	[tilespmem:s13], [sflag:$0x1] =	stream.indirect_vreg.gather [hbm4b:s3+s2], $0x80, v3, vm0, $0xb8;
	[tilespmem:$0x9080] =	vst v63  }
0x37: {  	_ = 	snop  }
0x38: {  	[tilespmem:s14], [sflag:$0x1] =	stream.indirect_vreg.gather [hbm4b:s4+s2], $0x80, v3, vm1, $0xb8;
	[tilespmem:$0x9080] =	vst v63  }
0x39: {  	v3 =	vld [tilespmem:$0x20];
	_ =	sdelay $0x4  }
0x3a: {  	v54 =	vshrl.u32 v3, $0x3  }
0x3b: {  	v4 =	vmul.u32 $0x18, v54  }
0x3c: {  	v3 =	vand.u32 $0x7, v3  }
0x3d: {  	v3 =	vor.u32 v3, v4  }
0x3e: {  	v4 =	vperm.xlane v3, v0;
	_ =	sdelay $0x1  }
0x3f: {  	v4 =	vadd.s32 v1, v4;
	_ =	sdelay $0x1  }
0x40: {  	v3 =	vperm.xlane v3, v2;
	_ =	sdelay $0x1  }
0x41: {  	v3 =	vadd.s32 v1, v3  }
0x42: {  	[tilespmem:s15], [sflag:$0x1] =	stream.indirect_vreg.gather [hbm4b:s3+s2], $0x80, v4, vm0, $0xb8;
	[tilespmem:$0x9080] =	vst v63  }
0x43: {  	_ = 	snop  }
0x44: {  	[tilespmem:s16], [sflag:$0x1] =	stream.indirect_vreg.gather [hbm4b:s4+s2], $0x80, v4, vm1, $0xb8;
	[tilespmem:$0x9080] =	vst v63  }
0x45: {  	_ = 	snop  }
0x46: {  	[tilespmem:s17], [sflag:$0x1] =	stream.indirect_vreg.gather [hbm4b:s3+s2], $0x80, v3, vm0, $0xb8;
	[tilespmem:$0x9080] =	vst v63  }
0x47: {  	_ = 	snop  }
0x48: {  	[tilespmem:s18], [sflag:$0x1] =	stream.indirect_vreg.gather [hbm4b:s4+s2], $0x80, v3, vm1, $0xb8;
	[tilespmem:$0x9080] =	vst v63  }
0x49: {  	v3 =	vld [tilespmem:$0x30];
	_ =	sdelay $0x4  }
0x4a: {  	v55 =	vshrl.u32 v3, $0x3  }
0x4b: {  	v4 =	vmul.u32 $0x18, v55  }
0x4c: {  	v3 =	vand.u32 $0x7, v3  }
0x4d: {  	v3 =	vor.u32 v3, v4  }
0x4e: {  	v4 =	vperm.xlane v3, v0;
	_ =	sdelay $0x1  }
0x4f: {  	v4 =	vadd.s32 v1, v4;
	_ =	sdelay $0x1  }
0x50: {  	v3 =	vperm.xlane v3, v2;
	_ =	sdelay $0x1  }
0x51: {  	v3 =	vadd.s32 v1, v3  }
0x52: {  	[tilespmem:s19], [sflag:$0x1] =	stream.indirect_vreg.gather [hbm4b:s3+s2], $0x80, v4, vm0, $0xb8;
	[tilespmem:$0x9080] =	vst v63  }
0x53: {  	_ = 	snop  }
0x54: {  	[tilespmem:s20], [sflag:$0x1] =	stream.indirect_vreg.gather [hbm4b:s4+s2], $0x80, v4, vm1, $0xb8;
	[tilespmem:$0x9080] =	vst v63  }
0x55: {  	_ = 	snop  }
0x56: {  	[tilespmem:s21], [sflag:$0x1] =	stream.indirect_vreg.gather [hbm4b:s3+s2], $0x80, v3, vm0, $0xb8;
	[tilespmem:$0x9080] =	vst v63  }
0x57: {  	_ = 	snop  }
0x58: {  	[tilespmem:s22], [sflag:$0x1] =	stream.indirect_vreg.gather [hbm4b:s4+s2], $0x80, v3, vm1, $0xb8;
	[tilespmem:$0x9080] =	vst v63  }
0x59: {  	v3 =	vld [tilespmem:$0x40];
	_ =	sdelay $0x4  }
0x5a: {  	v56 =	vshrl.u32 v3, $0x3  }
0x5b: {  	v4 =	vmul.u32 $0x18, v56  }
0x5c: {  	v3 =	vand.u32 $0x7, v3  }
0x5d: {  	v3 =	vor.u32 v3, v4  }
0x5e: {  	v4 =	vperm.xlane v3, v0;
	_ =	sdelay $0x1  }
0x5f: {  	v4 =	vadd.s32 v1, v4;
	_ =	sdelay $0x1  }
0x60: {  	v3 =	vperm.xlane v3, v2;
	_ =	sdelay $0x1  }
0x61: {  	v3 =	vadd.s32 v1, v3  }
0x62: {  	[tilespmem:s23], [sflag:$0x1] =	stream.indirect_vreg.gather [hbm4b:s3+s2], $0x80, v4, vm0, $0xb8;
	[tilespmem:$0x9080] =	vst v63  }
0x63: {  	_ = 	snop  }
0x64: {  	[tilespmem:s24], [sflag:$0x1] =	stream.indirect_vreg.gather [hbm4b:s4+s2], $0x80, v4, vm1, $0xb8;
	[tilespmem:$0x9080] =	vst v63  }
0x65: {  	_ = 	snop  }
0x66: {  	[tilespmem:s25], [sflag:$0x1] =	stream.indirect_vreg.gather [hbm4b:s3+s2], $0x80, v3, vm0, $0xb8;
	[tilespmem:$0x9080] =	vst v63  }
0x67: {  	_ = 	snop  }
0x68: {  	[tilespmem:s26], [sflag:$0x1] =	stream.indirect_vreg.gather [hbm4b:s4+s2], $0x80, v3, vm1, $0xb8;
	[tilespmem:$0x9080] =	vst v63  }
0x69: {  	v3 =	vld [tilespmem:$0x50];
	_ =	sdelay $0x4  }
0x6a: {  	v57 =	vshrl.u32 v3, $0x3  }
0x6b: {  	v4 =	vmul.u32 $0x18, v57  }
0x6c: {  	v3 =	vand.u32 $0x7, v3  }
0x6d: {  	v3 =	vor.u32 v3, v4  }
0x6e: {  	v4 =	vperm.xlane v3, v0;
	_ =	sdelay $0x1  }
0x6f: {  	v4 =	vadd.s32 v1, v4;
	_ =	sdelay $0x1  }
0x70: {  	v3 =	vperm.xlane v3, v2;
	_ =	sdelay $0x1  }
0x71: {  	v3 =	vadd.s32 v1, v3  }
0x72: {  	[tilespmem:s28], [sflag:$0x1] =	stream.indirect_vreg.gather [hbm4b:s3+s2], $0x80, v4, vm0, $0xb8;
	[tilespmem:$0x9080] =	vst v63  }
0x73: {  	_ = 	snop  }
0x74: {  	[tilespmem:s29], [sflag:$0x1] =	stream.indirect_vreg.gather [hbm4b:s4+s2], $0x80, v4, vm1, $0xb8;
	[tilespmem:$0x9080] =	vst v63  }
0x75: {  	_ = 	snop  }
0x76: {  	[tilespmem:s30], [sflag:$0x1] =	stream.indirect_vreg.gather [hbm4b:s3+s2], $0x80, v3, vm0, $0xb8;
	[tilespmem:$0x9080] =	vst v63  }
0x77: {  	_ = 	snop  }
0x78: {  	[tilespmem:s31], [sflag:$0x1] =	stream.indirect_vreg.gather [hbm4b:s4+s2], $0x80, v3, vm1, $0xb8;
	[tilespmem:$0x9080] =	vst v63  }
0x79: {  	_ =	swait.ge [sflag:s1], $0x9000  }
0x7a: {  	[sflag:s1] =	ssyncset.done $0x0  }
0x7b: {  	s0 =	rddreg [dreg:$0x3];
	[sflag:s1] =	ssyncadd.s32 $0xFFFF7000  }
0x7c: {  	[hbm4b:s0+s2] =	stream.linear.scatter [tilespmem:s7], [sflag:$0x2], $0x9000, $0x38;
	[tilespmem:$0x9080] =	vst v63  }
0x7d: {  	_ =	swait.ge [sflag:s6], $0x9000  }
0x7e: {  	[sflag:s6] =	ssyncset.done $0x0  }
0x7f: {  	s0 =	rddreg [dreg:$0x4];
	[sflag:s6] =	ssyncadd.s32 $0xFFFF7000  }
0x80: {  	[tilespmem:s2], [sflag:$0x2] =	stream.linear.gather [hbm4b:s0+s2], $0x60, $0x38;
	[tilespmem:$0x9080] =	vst v63  }
0x81: {  	_ =	swait.ge [sflag:s6], $0x60  }
0x82: {  	[sflag:s6] =	ssyncset.done $0x0  }
0x83: {  	[sflag:s6] =	ssyncadd.s32 $0xFFFFFFA0  }
0x84: {  	v3 =	vld [tilespmem:$0x0];
	_ =	sdelay $0x4  }
0x85: {  	v58 =	vshrl.u32 v3, $0x3  }
0x86: {  	v4 =	vmul.u32 $0x18, v58  }
0x87: {  	v3 =	vand.u32 $0x7, v3  }
0x88: {  	v3 =	vor.u32 v3, v4  }
0x89: {  	v4 =	vperm.xlane v3, v0;
	_ =	sdelay $0x1  }
0x8a: {  	v4 =	vadd.s32 v1, v4;
	_ =	sdelay $0x1  }
0x8b: {  	v3 =	vperm.xlane v3, v2;
	_ =	sdelay $0x1  }
0x8c: {  	v3 =	vadd.s32 v1, v3  }
0x8d: {  	[tilespmem:s7], [sflag:$0x1] =	stream.indirect_vreg.gather [hbm4b:s3+s2], $0x80, v4, vm0, $0xb8;
	[tilespmem:$0x9080] =	vst v63  }
0x8e: {  	_ = 	snop  }
0x8f: {  	[tilespmem:s8], [sflag:$0x1] =	stream.indirect_vreg.gather [hbm4b:s4+s2], $0x80, v4, vm1, $0xb8;
	[tilespmem:$0x9080] =	vst v63  }
0x90: {  	_ = 	snop  }
0x91: {  	[tilespmem:s9], [sflag:$0x1] =	stream.indirect_vreg.gather [hbm4b:s3+s2], $0x80, v3, vm0, $0xb8;
	[tilespmem:$0x9080] =	vst v63  }
0x92: {  	_ = 	snop  }
0x93: {  	[tilespmem:s10], [sflag:$0x1] =	stream.indirect_vreg.gather [hbm4b:s4+s2], $0x80, v3, vm1, $0xb8;
	[tilespmem:$0x9080] =	vst v63  }
0x94: {  	v3 =	vld [tilespmem:$0x10];
	_ =	sdelay $0x4  }
0x95: {  	v59 =	vshrl.u32 v3, $0x3  }
0x96: {  	v4 =	vmul.u32 $0x18, v59  }
0x97: {  	v3 =	vand.u32 $0x7, v3  }
0x98: {  	v3 =	vor.u32 v3, v4  }
0x99: {  	v4 =	vperm.xlane v3, v0;
	_ =	sdelay $0x1  }
0x9a: {  	v4 =	vadd.s32 v1, v4;
	_ =	sdelay $0x1  }
0x9b: {  	v3 =	vperm.xlane v3, v2;
	_ =	sdelay $0x1  }
0x9c: {  	v3 =	vadd.s32 v1, v3  }
0x9d: {  	[tilespmem:s11], [sflag:$0x1] =	stream.indirect_vreg.gather [hbm4b:s3+s2], $0x80, v4, vm0, $0xb8;
	[tilespmem:$0x9080] =	vst v63  }
0x9e: {  	_ = 	snop  }
0x9f: {  	[tilespmem:s12], [sflag:$0x1] =	stream.indirect_vreg.gather [hbm4b:s4+s2], $0x80, v4, vm1, $0xb8;
	[tilespmem:$0x9080] =	vst v63  }
0xa0: {  	_ = 	snop  }
0xa1: {  	[tilespmem:s13], [sflag:$0x1] =	stream.indirect_vreg.gather [hbm4b:s3+s2], $0x80, v3, vm0, $0xb8;
	[tilespmem:$0x9080] =	vst v63  }
0xa2: {  	_ = 	snop  }
0xa3: {  	[tilespmem:s14], [sflag:$0x1] =	stream.indirect_vreg.gather [hbm4b:s4+s2], $0x80, v3, vm1, $0xb8;
	[tilespmem:$0x9080] =	vst v63  }
0xa4: {  	v3 =	vld [tilespmem:$0x20];
	_ =	sdelay $0x4  }
0xa5: {  	v60 =	vshrl.u32 v3, $0x3  }
0xa6: {  	v4 =	vmul.u32 $0x18, v60  }
0xa7: {  	v3 =	vand.u32 $0x7, v3  }
0xa8: {  	v3 =	vor.u32 v3, v4  }
0xa9: {  	v4 =	vperm.xlane v3, v0;
	_ =	sdelay $0x1  }
0xaa: {  	v4 =	vadd.s32 v1, v4;
	_ =	sdelay $0x1  }
0xab: {  	v3 =	vperm.xlane v3, v2;
	_ =	sdelay $0x1  }
0xac: {  	v3 =	vadd.s32 v1, v3  }
0xad: {  	[tilespmem:s15], [sflag:$0x1] =	stream.indirect_vreg.gather [hbm4b:s3+s2], $0x80, v4, vm0, $0xb8;
	[tilespmem:$0x9080] =	vst v63  }
0xae: {  	_ = 	snop  }
0xaf: {  	[tilespmem:s16], [sflag:$0x1] =	stream.indirect_vreg.gather [hbm4b:s4+s2], $0x80, v4, vm1, $0xb8;
	[tilespmem:$0x9080] =	vst v63  }
0xb0: {  	_ = 	snop  }
0xb1: {  	[tilespmem:s17], [sflag:$0x1] =	stream.indirect_vreg.gather [hbm4b:s3+s2], $0x80, v3, vm0, $0xb8;
	[tilespmem:$0x9080] =	vst v63  }
0xb2: {  	_ = 	snop  }
0xb3: {  	[tilespmem:s18], [sflag:$0x1] =	stream.indirect_vreg.gather [hbm4b:s4+s2], $0x80, v3, vm1, $0xb8;
	[tilespmem:$0x9080] =	vst v63  }
0xb4: {  	v3 =	vld [tilespmem:$0x30];
	_ =	sdelay $0x4  }
0xb5: {  	v61 =	vshrl.u32 v3, $0x3  }
0xb6: {  	v4 =	vmul.u32 $0x18, v61  }
0xb7: {  	v3 =	vand.u32 $0x7, v3  }
0xb8: {  	v3 =	vor.u32 v3, v4  }
0xb9: {  	v4 =	vperm.xlane v3, v0;
	_ =	sdelay $0x1  }
0xba: {  	v4 =	vadd.s32 v1, v4;
	_ =	sdelay $0x1  }
0xbb: {  	v3 =	vperm.xlane v3, v2;
	_ =	sdelay $0x1  }
0xbc: {  	v3 =	vadd.s32 v1, v3  }
0xbd: {  	[tilespmem:s19], [sflag:$0x1] =	stream.indirect_vreg.gather [hbm4b:s3+s2], $0x80, v4, vm0, $0xb8;
	[tilespmem:$0x9080] =	vst v63  }
0xbe: {  	_ = 	snop  }
0xbf: {  	[tilespmem:s20], [sflag:$0x1] =	stream.indirect_vreg.gather [hbm4b:s4+s2], $0x80, v4, vm1, $0xb8;
	[tilespmem:$0x9080] =	vst v63  }
0xc0: {  	_ = 	snop  }
0xc1: {  	[tilespmem:s21], [sflag:$0x1] =	stream.indirect_vreg.gather [hbm4b:s3+s2], $0x80, v3, vm0, $0xb8;
	[tilespmem:$0x9080] =	vst v63  }
0xc2: {  	_ = 	snop  }
0xc3: {  	[tilespmem:s22], [sflag:$0x1] =	stream.indirect_vreg.gather [hbm4b:s4+s2], $0x80, v3, vm1, $0xb8;
	[tilespmem:$0x9080] =	vst v63  }
0xc4: {  	v3 =	vld [tilespmem:$0x40];
	_ =	sdelay $0x4  }
0xc5: {  	v62 =	vshrl.u32 v3, $0x3  }
0xc6: {  	v4 =	vmul.u32 $0x18, v62  }
0xc7: {  	v3 =	vand.u32 $0x7, v3  }
0xc8: {  	v3 =	vor.u32 v3, v4  }
0xc9: {  	v4 =	vperm.xlane v3, v0;
	_ =	sdelay $0x1  }
0xca: {  	v4 =	vadd.s32 v1, v4;
	_ =	sdelay $0x1  }
0xcb: {  	v3 =	vperm.xlane v3, v2;
	_ =	sdelay $0x1  }
0xcc: {  	v3 =	vadd.s32 v1, v3  }
0xcd: {  	[tilespmem:s23], [sflag:$0x1] =	stream.indirect_vreg.gather [hbm4b:s3+s2], $0x80, v4, vm0, $0xb8;
	[tilespmem:$0x9080] =	vst v63  }
0xce: {  	_ = 	snop  }
0xcf: {  	[tilespmem:s24], [sflag:$0x1] =	stream.indirect_vreg.gather [hbm4b:s4+s2], $0x80, v4, vm1, $0xb8;
	[tilespmem:$0x9080] =	vst v63  }
0xd0: {  	_ = 	snop  }
0xd1: {  	[tilespmem:s25], [sflag:$0x1] =	stream.indirect_vreg.gather [hbm4b:s3+s2], $0x80, v3, vm0, $0xb8;
	[tilespmem:$0x9080] =	vst v63  }
0xd2: {  	_ = 	snop  }
0xd3: {  	[tilespmem:s26], [sflag:$0x1] =	stream.indirect_vreg.gather [hbm4b:s4+s2], $0x80, v3, vm1, $0xb8;
	[tilespmem:$0x9080] =	vst v63  }
0xd4: {  	v3 =	vld [tilespmem:$0x50];
	_ =	sdelay $0x4  }
0xd5: {  	v63 =	vshrl.u32 v3, $0x3  }
0xd6: {  	v4 =	vmul.u32 $0x18, v63  }
0xd7: {  	v3 =	vand.u32 $0x7, v3  }
0xd8: {  	v3 =	vor.u32 v3, v4  }
0xd9: {  	v4 =	vperm.xlane v3, v0;
	_ =	sdelay $0x1  }
0xda: {  	v4 =	vadd.s32 v1, v4;
	_ =	sdelay $0x1  }
0xdb: {  	v3 =	vperm.xlane v3, v2;
	_ =	sdelay $0x1  }
0xdc: {  	v3 =	vadd.s32 v1, v3  }
0xdd: {  	[tilespmem:s28], [sflag:$0x1] =	stream.indirect_vreg.gather [hbm4b:s3+s2], $0x80, v4, vm0, $0xb8;
	[tilespmem:$0x9080] =	vst v63  }
0xde: {  	_ = 	snop  }
0xdf: {  	[tilespmem:s29], [sflag:$0x1] =	stream.indirect_vreg.gather [hbm4b:s4+s2], $0x80, v4, vm1, $0xb8;
	[tilespmem:$0x9080] =	vst v63  }
0xe0: {  	_ = 	snop  }
0xe1: {  	[tilespmem:s30], [sflag:$0x1] =	stream.indirect_vreg.gather [hbm4b:s3+s2], $0x80, v3, vm0, $0xb8;
	[tilespmem:$0x9080] =	vst v63  }
0xe2: {  	_ = 	snop  }
0xe3: {  	[tilespmem:s31], [sflag:$0x1] =	stream.indirect_vreg.gather [hbm4b:s4+s2], $0x80, v3, vm1, $0xb8;
	[tilespmem:$0x9080] =	vst v63  }
0xe4: {  	_ =	swait.ge [sflag:s1], $0x9000  }
0xe5: {  	p0 =	sne.s32 s5, $0x1;
	[sflag:s1] =	ssyncset.done $0x0  }
.Ltmp0:
0xe6: {  	s0 =	rddreg [dreg:$0x5];
	[sflag:s1] =	ssyncadd.s32 $0xFFFF7000;
	(pc) =	sbr.rel @p0 .LBB2_1-.Ltmp0, $4  }
0xe7: {  	[hbm4b:s0+s2] =	stream.linear.scatter [tilespmem:s7], [sflag:$0x2], $0x9000, $0x38;
	[tilespmem:$0x9080] =	vst v63  }
0xe8: {  	_ =	swait.ge [sflag:s6], $0x9000  }
0xe9: {  	[sflag:s6] =	ssyncset.done $0x0  }
0xea: {  	s5 =	sadd.s32 $0xFFFFFFFF, s5;
	[sflag:s6] =	ssyncadd.s32 $0xFFFF7000  }
0xeb: {  	_ =	sfence.sel $0x180000  }
0xec: {  	[bflag:$0x0] =	sbarrier.arrive $0xFFFF  }
0xed: {  	_ =	strace $0x9000004D  }
0xee: {  	s0 =	stileid.u32;
	[bflag:$0x2] =	sbarrier.arrive $0xFFFF  }
0xef: {  	p0 =	sne.s32 s0, $0x0;
	s0 =	rddreg [dreg:$0x1]  }
0xf0: {  	s0 =	sadd.s32 @!p0 $0x100000, s0  }
0xf1: {  	[sflag:s0] =	ssyncadd.tile.s32 @!p0 $0x1;
	_ =	shalt  }
.Lfunc_end2:
_tile_overlayer_lowered:
.L_overlay_start_2:
0xf2: {  	(tag) =	ssettag $0x2  }
0xf3: {  	s0 =	rddreg [dreg:$0x0];
	s2 =	stileid.u32  }
0xf4: {  	s1 =	rddreg [dreg:$0x1];
	p0 =	sne.s32 s2, $0x0  }
0xf5: {  	s3 =	rddreg [dreg:$0x2];
	[bflag:$0x3] =	sbarrier.arrive $0xFFFF;
	s2 =	simm.s32 @!p0 $0x1C02  }
0xf6: {  	[timem:s3], [sflag:s2] =	dma.local @!p0 [hbm:s0], s1  }
0xf7: {  	s0 =	simm.s32 @!p0 $0x2  }
0xf8: {  	_ =	swait.ge @!p0 [sflag:s0], s1  }
0xf9: {  	s1 =	ssub.s32 @!p0 $0x0, s1;
	[sflag:s0] =	ssyncset.done @!p0 $0x0  }
0xfa: {  	[sflag:s0] =	ssyncadd.s32 @!p0 s1  }
0xfb: {  	[bflag:$0x3] =	sbarrier.arrive $0xFFFF  }
0xfc: {  	_ =	shalt  }

</sc_bundles>
